<compile_context>
chip_gen: v7x
topology: tpu7x:2x2x1
jax: 0.10.2.dev20260603
libtpu: 0.0.44.dev20260713+nightly
codegen_flags: <defaults>
</compile_context>

<pallas_src>
import functools

import jax
import jax.numpy as jnp
from jax import lax
from jax.experimental import pallas as pl
from jax.experimental.pallas import tpu as pltpu
from jax.experimental.pallas import tpu_sc as plsc


def _i32(v):
    v &= (1 << 32) - 1
    return v - (1 << 32) if v >= (1 << 31) else v


_P1 = _i32(2654435761)
_P2 = _i32(2246822519)
_P3 = _i32(3266489917)
_INIT = [
    _i32(1 + 2654435761 + 2246822519),
    _i32(1 + 2246822519),
    _i32(1),
    _i32(1 - 2654435761),
]

_NW = 32
_CHUNK = 2048
_L = 16
_TW = 1 << 19


def _shr(v, n):
    return lax.shift_right_logical(v, jnp.full(v.shape, n, v.dtype))


def _rotl(v, n):
    return (v << n) | _shr(v, 32 - n)


def _hash16(w):
    accs = []
    for l in range(4):
        acc = jnp.full((_L,), _INIT[l], jnp.int32)
        for s in range(4):
            acc = acc + w[4 * l + s] * _P2
            acc = _rotl(acc, 13)
            acc = acc * _P1
        accs.append(acc)
    h = (_rotl(accs[0], 1) + _rotl(accs[1], 7)
         + _rotl(accs[2], 12) + _rotl(accs[3], 18))
    h = h + jnp.int32(4)
    h = h ^ _shr(h, 15)
    h = h * _P2
    h = h ^ _shr(h, 13)
    h = h * _P3
    h = h ^ _shr(h, 16)
    return h


def _sc_body(nrows, y_hbm, bs_hbm, out_hbm, tbl_hbm,
             tb8, tb32, yb0, yb1, widx, sbuf, wbuf, obuf, xsem, gsem, osem):
    rows_w = nrows // _NW
    nchunk = rows_w // _CHUNK
    groups = _CHUNK // _L
    tpc = _CHUNK // 128

    cid = lax.axis_index("c")
    sid = lax.axis_index("s")
    wid = sid * 2 + cid
    row0 = wid * rows_w
    tbl0 = cid * _TW

    bytes_per_tile = (_TW * 4) // 16
    stage = tb8.shape[0]
    byte0 = sid * bytes_per_tile

    def conv_pass(p, _):
        off = pl.multiple_of(byte0 + p * stage, 64)
        pltpu.sync_copy(bs_hbm.at[pl.ds(off, stage)], tb8)

        def conv_vec(i, _):
            q = i >> 3
            r = i & 7
            ob = pl.multiple_of(q * 512 + r * 16, 16)
            ow = pl.multiple_of(q * 128 + r * 16, 8)
            tb32[pl.ds(ow, _L)] = plsc.bitcast(tb8[pl.ds(ob, 64)], jnp.int32)
            return ()

        lax.fori_loop(0, stage // 64, conv_vec, (), unroll=4)
        pltpu.sync_copy(tb32, tbl_hbm.at[pl.ds(
            pl.multiple_of(tbl0 + off // 4, 8), stage // 4)])
        return ()

    def conv_all():
        lax.fori_loop(0, bytes_per_tile // stage, conv_pass, (), unroll=False)
        plsc.subcore_barrier()

    def tc_of(c):
        return pl.multiple_of((row0 + c * _CHUNK) // 128, 8)

    def x_copies(c, p):
        tc0 = tc_of(c)
        return (
            pltpu.make_async_copy(y_hbm.at[0, pl.ds(tc0, tpc), :, :],
                                  yb0.at[p], xsem),
            pltpu.make_async_copy(y_hbm.at[1, pl.ds(tc0, tpc), :, :],
                                  yb1.at[p], xsem),
        )

    def x_start(c, p):
        for d in x_copies(c, p):
            d.start()

    def x_wait(c, p):
        for d in x_copies(c, p):
            d.wait()

    def hash_chunk(p):
        def group_body(g, _):
            tcl = g >> 3
            o16 = pl.multiple_of((g & 7) * _L, 16)
            w = [plsc.bitcast((yb0 if j < 8 else yb1)[p, tcl, j & 7,
                                                      pl.ds(o16, _L)],
                              jnp.int32)
                 for j in range(16)]
            h = _hash16(w)
            o = pl.multiple_of(g * _L, 8)
            widx[p, pl.ds(o, _L)] = ((_shr(h, 13) & jnp.int32(-128))
                                     | (_shr(h, 11) & jnp.int32(127))) + tbl0
            sbuf[p, pl.ds(o, _L)] = ((_shr(h, 15) & jnp.int32(24))
                                     | (_shr(h, 8) & jnp.int32(7)))
            return ()

        lax.fori_loop(0, groups, group_body, (), unroll=False)

    def g_descs(p):
        return [
            pltpu.make_async_copy(
                tbl_hbm.at[widx.at[p, pl.ds(r * 128, 128)]],
                wbuf.at[pl.ds(r * 128, 128)],
                gsem,
            )
            for r in range(_CHUNK // 128)
        ]

    def g_fire(p):
        for d in g_descs(p):
            d.start()

    def g_drain(p):
        for d in g_descs(p):
            d.wait()

    def out_desc(c, p):
        base_row = row0 + c * _CHUNK
        return pltpu.make_async_copy(
            obuf.at[p],
            out_hbm.at[pl.ds(pl.multiple_of(base_row, 8), _CHUNK)],
            osem)

    def bits_out(c, p):
        def bit_body(g, _):
            o = pl.multiple_of(g * _L, 8)
            wv = wbuf[pl.ds(o, _L)]
            sv = sbuf[p, pl.ds(o, _L)]
            obuf[p, pl.ds(o, _L)] = (lax.shift_right_logical(wv, sv)
                                     & jnp.int32(1))
            return ()

        lax.fori_loop(0, groups, bit_body, (), unroll=4)
        out_desc(c, p).start()

    x_start(0, 0)
    x_start(1, 1)
    conv_all()
    x_wait(0, 0)
    hash_chunk(0)
    x_start(2, 0)
    g_fire(0)

    def pipe_body(k, _):
        p = k & 1
        x_wait(k, p)
        hash_chunk(p)

        @pl.when(k < nchunk - 2)
        def _():
            x_start(k + 2, p)

        g_drain(1 - p)

        @pl.when(k >= 3)
        def _():
            out_desc(k - 3, 1 - p).wait()

        bits_out(k - 1, 1 - p)
        g_fire(p)
        return ()

    lax.fori_loop(1, nchunk, pipe_body, (), unroll=False)
    g_drain((nchunk - 1) & 1)
    out_desc(nchunk - 3, 1).wait()
    bits_out(nchunk - 1, (nchunk - 1) & 1)
    out_desc(nchunk - 2, 0).wait()
    out_desc(nchunk - 1, 1).wait()


@jax.jit
def _seen_i32(y, bs):
    nrows = y.shape[1] * 128
    mesh = plsc.VectorSubcoreMesh(core_axis_name="c", subcore_axis_name="s")
    f = pl.kernel(
        functools.partial(_sc_body, nrows),
        out_type=(
            jax.ShapeDtypeStruct((nrows,), jnp.int32),
            jax.ShapeDtypeStruct((2 * _TW,), jnp.int32),
        ),
        mesh=mesh,
        compiler_params=pltpu.CompilerParams(needs_layout_passes=False),
        scratch_types=[
            pltpu.VMEM((16384,), jnp.uint8),
            pltpu.VMEM((4096,), jnp.int32),
            pltpu.VMEM((2, _CHUNK // 128, 8, 128), jnp.float32),
            pltpu.VMEM((2, _CHUNK // 128, 8, 128), jnp.float32),
            pltpu.VMEM((2, _CHUNK), jnp.int32),
            pltpu.VMEM((2, _CHUNK), jnp.int32),
            pltpu.VMEM((_CHUNK,), jnp.int32),
            pltpu.VMEM((2, _CHUNK), jnp.int32),
            pltpu.SemaphoreType.DMA,
            pltpu.SemaphoreType.DMA,
            pltpu.SemaphoreType.DMA,
        ],
    )
    seen, _ = f(y, bs)
    return seen


def kernel(x, binary_set):
    n = x.shape[0]
    y = jnp.transpose(x.reshape(n // 128, 128, 2, 8), (2, 0, 3, 1))
    return _seen_i32(y, binary_set) != 0

# --- scband reference (transcript-rebuilt; emitter-appended) ---
"""Pipeline reference for scband-xxhash-60730837565664 (READ-ONLY COPY).

The authoritative reference and input builder live on the scoring server;
editing this copy changes nothing except your own understanding.
"""

import jax, jax.numpy as jnp
import numpy as np

BITS_PER_HASH = 24
BITS = 32


def _xxhash_indices(x, bits_per_hash):
    PRIME_1 = jnp.uint32(2654435761)
    PRIME_2 = jnp.uint32(2246822519)
    PRIME_3 = jnp.uint32(3266489917)
    SEED = jnp.uint32(1)

    def rotate_left(v, n):
        return (v << n) | (v >> (BITS - n))

    def rnd(acc, lane):
        acc = acc + lane * PRIME_2
        acc = rotate_left(acc, 13)
        acc = acc * PRIME_1
        return acc

    batch_size = x.shape[0]
    xu = jax.lax.bitcast_convert_type(x, jnp.uint32)
    xu = jnp.reshape(xu, [batch_size, 4, -1])
    xu = jnp.swapaxes(xu, 0, 2)  # [n_stripes, 4, batch]
    input_length = xu.shape[0]
    acc1 = SEED + PRIME_1 + PRIME_2
    acc2 = SEED + PRIME_2
    acc3 = SEED + jnp.uint32(0)
    acc4 = SEED - PRIME_1
    acc = jnp.tile(jnp.array([[acc1], [acc2], [acc3], [acc4]], dtype=jnp.uint32), (1, batch_size))

    def loop_fn(acc, stripe):
        return rnd(acc, stripe), None

    acc, _ = jax.lax.scan(loop_fn, acc, xu)
    acc = rotate_left(acc[0], 1) + rotate_left(acc[1], 7) + rotate_left(acc[2], 12) + rotate_left(acc[3], 18)
    acc = acc + jnp.uint32(input_length)
    acc = acc ^ (acc >> 15)
    acc = acc * PRIME_2
    acc = acc ^ (acc >> 13)
    acc = acc * PRIME_3
    acc = acc ^ (acc >> 16)
    return acc >> (BITS - bits_per_hash)


def setup_inputs(seed: int = 0):
    key = jax.random.key(seed)
    x = jax.random.normal(key, (1048576, 16), dtype=jnp.float32)
    # haiku state: binary_set initialized to zeros, shape [2**(bits_per_hash-3)] uint8
    binary_set = jnp.zeros((2 ** (BITS_PER_HASH - 3),), dtype=jnp.uint8)
    return {"x": x, "binary_set": binary_set}


def reference(x, binary_set):
    indices = _xxhash_indices(x, BITS_PER_HASH)
    byte_indices = (indices // 8).astype(jnp.uint32)
    bit_indices = (indices % 8).astype(jnp.uint8)
    bytes_from_set = binary_set[byte_indices]
    seen = (bytes_from_set & (jnp.uint8(1) << bit_indices)) > 0
    return seen

if __name__ == "__main__":
    import jax
    _d = setup_inputs()
    print(jax.jit(kernel)(*tuple(_d.values())))

</pallas_src>

<mosaic_0001>
#map = affine_map<(d0, d1) -> (0, 0, 0, 0)>
#map1 = affine_map<(d0, d1) -> (0)>
module attributes {stable_mosaic.version = 14 : i64} {
  func.func @_sc_body(%arg0: i32, %arg1: i32, %arg2: memref<2x8192x8x128xf32, #tpu.memory_space<hbm>>, %arg3: memref<2097152xi8, #tpu.memory_space<hbm>>, %arg4: memref<1048576xi32, #tpu.memory_space<hbm>>, %arg5: memref<1048576xi32, #tpu.memory_space<hbm>>, %arg6: memref<16384xi8, #tpu.memory_space<vmem>>, %arg7: memref<4096xi32, #tpu.memory_space<vmem>>, %arg8: memref<2x16x8x128xf32, #tpu.memory_space<vmem>>, %arg9: memref<2x16x8x128xf32, #tpu.memory_space<vmem>>, %arg10: memref<2x2048xi32, #tpu.memory_space<vmem>>, %arg11: memref<2x2048xi32, #tpu.memory_space<vmem>>, %arg12: memref<2048xi32, #tpu.memory_space<vmem>>, %arg13: memref<2x2048xi32, #tpu.memory_space<vmem>>, %arg14: memref<!tpu.dma_semaphore, #tpu.memory_space<semaphore_mem>>, %arg15: memref<!tpu.dma_semaphore, #tpu.memory_space<semaphore_mem>>, %arg16: memref<!tpu.dma_semaphore, #tpu.memory_space<semaphore_mem>>) attributes {dimension_semantics = [#tpu.dimension_semantics<core_parallel>, #tpu.dimension_semantics<subcore_parallel>], iteration_bounds = array<i64: 2, 16>, scalar_prefetch = 0 : i64, scratch_operands = 11 : i64, tpu.core_type = #tpu.core_type<sc_vector_subcore>, window_params = [{transform_indices = #map}, {transform_indices = #map1}, {transform_indices = #map1}, {transform_indices = #map1}]} {
    %mul3A = arith.constant 2 : i32
    %mul3A_0 = arith.muli %arg1, %mul3A : i32
    %add3A = arith.addi %mul3A_0, %arg0 : i32
    %mul3A_1 = arith.constant 32768 : i32
    %mul3A_2 = arith.muli %add3A, %mul3A_1 : i32
    %mul3A_3 = arith.constant 524288 : i32
    %mul3A_4 = arith.muli %arg0, %mul3A_3 : i32
    %mul3A_5 = arith.constant 131072 : i32
    %mul3A_6 = arith.muli %arg1, %mul3A_5 : i32
    %add3A_7 = arith.constant 0 : i32
    %add3A_8 = arith.addi %mul3A_2, %add3A_7 : i32
    %jit3A = arith.constant 128 : i32
    %div3A = arith.divsi %add3A_8, %jit3A : i32
    %sign3A = arith.constant 0 : i32
    %sign3A_9 = arith.cmpi sgt, %add3A_8, %sign3A : i32
    %sign3A_10 = arith.extui %sign3A_9 : i1 to i32
    %sign3A_11 = arith.constant 0 : i32
    %sign3A_12 = arith.cmpi slt, %add3A_8, %sign3A_11 : i32
    %sign3A_13 = arith.extui %sign3A_12 : i1 to i32
    %sign3A_14 = arith.subi %sign3A_10, %sign3A_13 : i32
    %sign3A_15 = arith.constant 0 : i32
    %sign3A_16 = arith.cmpi sgt, %jit3A, %sign3A_15 : i32
    %sign3A_17 = arith.extui %sign3A_16 : i1 to i32
    %sign3A_18 = arith.constant 0 : i32
    %sign3A_19 = arith.cmpi slt, %jit3A, %sign3A_18 : i32
    %sign3A_20 = arith.extui %sign3A_19 : i1 to i32
    %sign3A_21 = arith.subi %sign3A_17, %sign3A_20 : i32
    %ne3A = arith.cmpi ne, %sign3A_14, %sign3A_21 : i32
    %rem3A = arith.remsi %add3A_8, %jit3A : i32
    %ne3A_22 = arith.constant 0 : i32
    %ne3A_23 = arith.cmpi ne, %rem3A, %ne3A_22 : i32
    %and3A = arith.andi %ne3A, %ne3A_23 : i1
    %sub3A = arith.constant 1 : i32
    %sub3A_24 = arith.subi %div3A, %sub3A : i32
    %select_n3A = arith.select %and3A, %sub3A_24, %div3A : i32
    %multiple_of3A = tpu.assume_multiple %select_n3A, 8 : i32
    %dma_start3A = arith.constant 0 : i32
    %dma_start3A_25 = arith.constant 0 : i32
    %dma_start3A_26 = arith.constant 0 : i32
    %dma_start3A_27 = arith.constant 0 : i32
    %dma_start3A_28 = arith.constant 0 : i32
    %dma_start3A_29 = tpu.memref_slice %arg8[%dma_start3A_25, %dma_start3A_26, %dma_start3A_27, %dma_start3A_28] : memref<2x16x8x128xf32, #tpu.memory_space<vmem>> -> memref<1x16x8x128xf32, #tpu.memory_space<vmem>>
    %dma_start3A_30 = tpu.memref_squeeze %dma_start3A_29 : memref<1x16x8x128xf32, #tpu.memory_space<vmem>> -> memref<16x8x128xf32, #tpu.memory_space<vmem>>
    %dma_start3A_31 = arith.constant 0 : i32
    %dma_start3A_32 = arith.constant 0 : i32
    %dma_start3A_33 = tpu.memref_slice %arg2[%dma_start3A, %multiple_of3A, %dma_start3A_31, %dma_start3A_32] : memref<2x8192x8x128xf32, #tpu.memory_space<hbm>> -> memref<1x16x8x128xf32, #tpu.memory_space<hbm>>
    %dma_start3A_34 = tpu.memref_squeeze %dma_start3A_33 : memref<1x16x8x128xf32, #tpu.memory_space<hbm>> -> memref<16x8x128xf32, #tpu.memory_space<hbm>>
    %dma_start3A_35 = arith.constant 0 : i32
    %dma_start3A_36 = arith.constant 0 : i32
    %dma_start3A_37 = arith.constant 0 : i32
    %dma_start3A_38 = tpu.memref_slice %arg8[%dma_start3A_25, %dma_start3A_35, %dma_start3A_36, %dma_start3A_37] : memref<2x16x8x128xf32, #tpu.memory_space<vmem>> -> memref<1x16x8x128xf32, #tpu.memory_space<vmem>>
    %dma_start3A_39 = tpu.memref_squeeze %dma_start3A_38 : memref<1x16x8x128xf32, #tpu.memory_space<vmem>> -> memref<16x8x128xf32, #tpu.memory_space<vmem>>
    %dma_start3A_40 = arith.constant 0 : i32
    %dma_start3A_41 = arith.constant 0 : i32
    %dma_start3A_42 = tpu.memref_slice %arg2[%dma_start3A, %multiple_of3A, %dma_start3A_40, %dma_start3A_41] : memref<2x8192x8x128xf32, #tpu.memory_space<hbm>> -> memref<1x16x8x128xf32, #tpu.memory_space<hbm>>
    %dma_start3A_43 = tpu.memref_squeeze %dma_start3A_42 : memref<1x16x8x128xf32, #tpu.memory_space<hbm>> -> memref<16x8x128xf32, #tpu.memory_space<hbm>>
    tpu.enqueue_dma source(%dma_start3A_43 : memref<16x8x128xf32, #tpu.memory_space<hbm>>) target(%dma_start3A_39 : memref<16x8x128xf32, #tpu.memory_space<vmem>>) target_semaphore(%arg14 : memref<!tpu.dma_semaphore, #tpu.memory_space<semaphore_mem>>)
    %dma_start3A_44 = arith.constant 1 : i32
    %dma_start3A_45 = arith.constant 0 : i32
    %dma_start3A_46 = arith.constant 0 : i32
    %dma_start3A_47 = arith.constant 0 : i32
    %dma_start3A_48 = arith.constant 0 : i32
    %dma_start3A_49 = tpu.memref_slice %arg9[%dma_start3A_45, %dma_start3A_46, %dma_start3A_47, %dma_start3A_48] : memref<2x16x8x128xf32, #tpu.memory_space<vmem>> -> memref<1x16x8x128xf32, #tpu.memory_space<vmem>>
    %dma_start3A_50 = tpu.memref_squeeze %dma_start3A_49 : memref<1x16x8x128xf32, #tpu.memory_space<vmem>> -> memref<16x8x128xf32, #tpu.memory_space<vmem>>
    %dma_start3A_51 = arith.constant 0 : i32
    %dma_start3A_52 = arith.constant 0 : i32
    %dma_start3A_53 = tpu.memref_slice %arg2[%dma_start3A_44, %multiple_of3A, %dma_start3A_51, %dma_start3A_52] : memref<2x8192x8x128xf32, #tpu.memory_space<hbm>> -> memref<1x16x8x128xf32, #tpu.memory_space<hbm>>
    %dma_start3A_54 = tpu.memref_squeeze %dma_start3A_53 : memref<1x16x8x128xf32, #tpu.memory_space<hbm>> -> memref<16x8x128xf32, #tpu.memory_space<hbm>>
    %dma_start3A_55 = arith.constant 0 : i32
    %dma_start3A_56 = arith.constant 0 : i32
    %dma_start3A_57 = arith.constant 0 : i32
    %dma_start3A_58 = tpu.memref_slice %arg9[%dma_start3A_45, %dma_start3A_55, %dma_start3A_56, %dma_start3A_57] : memref<2x16x8x128xf32, #tpu.memory_space<vmem>> -> memref<1x16x8x128xf32, #tpu.memory_space<vmem>>
    %dma_start3A_59 = tpu.memref_squeeze %dma_start3A_58 : memref<1x16x8x128xf32, #tpu.memory_space<vmem>> -> memref<16x8x128xf32, #tpu.memory_space<vmem>>
    %dma_start3A_60 = arith.constant 0 : i32
    %dma_start3A_61 = arith.constant 0 : i32
    %dma_start3A_62 = tpu.memref_slice %arg2[%dma_start3A_44, %multiple_of3A, %dma_start3A_60, %dma_start3A_61] : memref<2x8192x8x128xf32, #tpu.memory_space<hbm>> -> memref<1x16x8x128xf32, #tpu.memory_space<hbm>>
    %dma_start3A_63 = tpu.memref_squeeze %dma_start3A_62 : memref<1x16x8x128xf32, #tpu.memory_space<hbm>> -> memref<16x8x128xf32, #tpu.memory_space<hbm>>
    tpu.enqueue_dma source(%dma_start3A_63 : memref<16x8x128xf32, #tpu.memory_space<hbm>>) target(%dma_start3A_59 : memref<16x8x128xf32, #tpu.memory_space<vmem>>) target_semaphore(%arg14 : memref<!tpu.dma_semaphore, #tpu.memory_space<semaphore_mem>>)
    %add3A_64 = arith.constant 2048 : i32
    %add3A_65 = arith.addi %mul3A_2, %add3A_64 : i32
    %jit3A_66 = arith.constant 128 : i32
    %div3A_67 = arith.divsi %add3A_65, %jit3A_66 : i32
    %sign3A_68 = arith.constant 0 : i32
    %sign3A_69 = arith.cmpi sgt, %add3A_65, %sign3A_68 : i32
    %sign3A_70 = arith.extui %sign3A_69 : i1 to i32
    %sign3A_71 = arith.constant 0 : i32
    %sign3A_72 = arith.cmpi slt, %add3A_65, %sign3A_71 : i32
    %sign3A_73 = arith.extui %sign3A_72 : i1 to i32
    %sign3A_74 = arith.subi %sign3A_70, %sign3A_73 : i32
    %sign3A_75 = arith.constant 0 : i32
    %sign3A_76 = arith.cmpi sgt, %jit3A_66, %sign3A_75 : i32
    %sign3A_77 = arith.extui %sign3A_76 : i1 to i32
    %sign3A_78 = arith.constant 0 : i32
    %sign3A_79 = arith.cmpi slt, %jit3A_66, %sign3A_78 : i32
    %sign3A_80 = arith.extui %sign3A_79 : i1 to i32
    %sign3A_81 = arith.subi %sign3A_77, %sign3A_80 : i32
    %ne3A_82 = arith.cmpi ne, %sign3A_74, %sign3A_81 : i32
    %rem3A_83 = arith.remsi %add3A_65, %jit3A_66 : i32
    %ne3A_84 = arith.constant 0 : i32
    %ne3A_85 = arith.cmpi ne, %rem3A_83, %ne3A_84 : i32
    %and3A_86 = arith.andi %ne3A_82, %ne3A_85 : i1
    %sub3A_87 = arith.constant 1 : i32
    %sub3A_88 = arith.subi %div3A_67, %sub3A_87 : i32
    %select_n3A_89 = arith.select %and3A_86, %sub3A_88, %div3A_67 : i32
    %multiple_of3A_90 = tpu.assume_multiple %select_n3A_89, 8 : i32
    %dma_start3A_91 = arith.constant 0 : i32
    %dma_start3A_92 = arith.constant 1 : i32
    %dma_start3A_93 = arith.constant 0 : i32
    %dma_start3A_94 = arith.constant 0 : i32
    %dma_start3A_95 = arith.constant 0 : i32
    %dma_start3A_96 = tpu.memref_slice %arg8[%dma_start3A_92, %dma_start3A_93, %dma_start3A_94, %dma_start3A_95] : memref<2x16x8x128xf32, #tpu.memory_space<vmem>> -> memref<1x16x8x128xf32, #tpu.memory_space<vmem>>
    %dma_start3A_97 = tpu.memref_squeeze %dma_start3A_96 : memref<1x16x8x128xf32, #tpu.memory_space<vmem>> -> memref<16x8x128xf32, #tpu.memory_space<vmem>>
    %dma_start3A_98 = arith.constant 0 : i32
    %dma_start3A_99 = arith.constant 0 : i32
    %dma_start3A_100 = tpu.memref_slice %arg2[%dma_start3A_91, %multiple_of3A_90, %dma_start3A_98, %dma_start3A_99] : memref<2x8192x8x128xf32, #tpu.memory_space<hbm>> -> memref<1x16x8x128xf32, #tpu.memory_space<hbm>>
    %dma_start3A_101 = tpu.memref_squeeze %dma_start3A_100 : memref<1x16x8x128xf32, #tpu.memory_space<hbm>> -> memref<16x8x128xf32, #tpu.memory_space<hbm>>
    %dma_start3A_102 = arith.constant 0 : i32
    %dma_start3A_103 = arith.constant 0 : i32
    %dma_start3A_104 = arith.constant 0 : i32
    %dma_start3A_105 = tpu.memref_slice %arg8[%dma_start3A_92, %dma_start3A_102, %dma_start3A_103, %dma_start3A_104] : memref<2x16x8x128xf32, #tpu.memory_space<vmem>> -> memref<1x16x8x128xf32, #tpu.memory_space<vmem>>
    %dma_start3A_106 = tpu.memref_squeeze %dma_start3A_105 : memref<1x16x8x128xf32, #tpu.memory_space<vmem>> -> memref<16x8x128xf32, #tpu.memory_space<vmem>>
    %dma_start3A_107 = arith.constant 0 : i32
    %dma_start3A_108 = arith.constant 0 : i32
    %dma_start3A_109 = tpu.memref_slice %arg2[%dma_start3A_91, %multiple_of3A_90, %dma_start3A_107, %dma_start3A_108] : memref<2x8192x8x128xf32, #tpu.memory_space<hbm>> -> memref<1x16x8x128xf32, #tpu.memory_space<hbm>>
    %dma_start3A_110 = tpu.memref_squeeze %dma_start3A_109 : memref<1x16x8x128xf32, #tpu.memory_space<hbm>> -> memref<16x8x128xf32, #tpu.memory_space<hbm>>
    tpu.enqueue_dma source(%dma_start3A_110 : memref<16x8x128xf32, #tpu.memory_space<hbm>>) target(%dma_start3A_106 : memref<16x8x128xf32, #tpu.memory_space<vmem>>) target_semaphore(%arg14 : memref<!tpu.dma_semaphore, #tpu.memory_space<semaphore_mem>>)
    %dma_start3A_111 = arith.constant 1 : i32
    %dma_start3A_112 = arith.constant 1 : i32
    %dma_start3A_113 = arith.constant 0 : i32
    %dma_start3A_114 = arith.constant 0 : i32
    %dma_start3A_115 = arith.constant 0 : i32
    %dma_start3A_116 = tpu.memref_slice %arg9[%dma_start3A_112, %dma_start3A_113, %dma_start3A_114, %dma_start3A_115] : memref<2x16x8x128xf32, #tpu.memory_space<vmem>> -> memref<1x16x8x128xf32, #tpu.memory_space<vmem>>
    %dma_start3A_117 = tpu.memref_squeeze %dma_start3A_116 : memref<1x16x8x128xf32, #tpu.memory_space<vmem>> -> memref<16x8x128xf32, #tpu.memory_space<vmem>>
    %dma_start3A_118 = arith.constant 0 : i32
    %dma_start3A_119 = arith.constant 0 : i32
    %dma_start3A_120 = tpu.memref_slice %arg2[%dma_start3A_111, %multiple_of3A_90, %dma_start3A_118, %dma_start3A_119] : memref<2x8192x8x128xf32, #tpu.memory_space<hbm>> -> memref<1x16x8x128xf32, #tpu.memory_space<hbm>>
    %dma_start3A_121 = tpu.memref_squeeze %dma_start3A_120 : memref<1x16x8x128xf32, #tpu.memory_space<hbm>> -> memref<16x8x128xf32, #tpu.memory_space<hbm>>
    %dma_start3A_122 = arith.constant 0 : i32
    %dma_start3A_123 = arith.constant 0 : i32
    %dma_start3A_124 = arith.constant 0 : i32
    %dma_start3A_125 = tpu.memref_slice %arg9[%dma_start3A_112, %dma_start3A_122, %dma_start3A_123, %dma_start3A_124] : memref<2x16x8x128xf32, #tpu.memory_space<vmem>> -> memref<1x16x8x128xf32, #tpu.memory_space<vmem>>
    %dma_start3A_126 = tpu.memref_squeeze %dma_start3A_125 : memref<1x16x8x128xf32, #tpu.memory_space<vmem>> -> memref<16x8x128xf32, #tpu.memory_space<vmem>>
    %dma_start3A_127 = arith.constant 0 : i32
    %dma_start3A_128 = arith.constant 0 : i32
    %dma_start3A_129 = tpu.memref_slice %arg2[%dma_start3A_111, %multiple_of3A_90, %dma_start3A_127, %dma_start3A_128] : memref<2x8192x8x128xf32, #tpu.memory_space<hbm>> -> memref<1x16x8x128xf32, #tpu.memory_space<hbm>>
    %dma_start3A_130 = tpu.memref_squeeze %dma_start3A_129 : memref<1x16x8x128xf32, #tpu.memory_space<hbm>> -> memref<16x8x128xf32, #tpu.memory_space<hbm>>
    tpu.enqueue_dma source(%dma_start3A_130 : memref<16x8x128xf32, #tpu.memory_space<hbm>>) target(%dma_start3A_126 : memref<16x8x128xf32, #tpu.memory_space<vmem>>) target_semaphore(%arg14 : memref<!tpu.dma_semaphore, #tpu.memory_space<semaphore_mem>>)
    %scan3A = arith.constant 0 : i32
    %scan3A_131 = arith.constant 8 : i32
    %scan3A_132 = arith.addi %scan3A, %scan3A_131 : i32
    %scan3A_133 = arith.constant 1 : i32
    scf.for %scan3A_587 = %scan3A to %scan3A_132 step %scan3A_133  : i32 {
      %mul3A_588 = arith.constant 16384 : i32
      %mul3A_589 = arith.muli %scan3A_587, %mul3A_588 : i32
      %add3A_590 = arith.addi %mul3A_6, %mul3A_589 : i32
      %multiple_of3A_591 = tpu.assume_multiple %add3A_590, 64 : i32
      "tpu.region"() ({
        %run_scoped3A = tpu.sem_alloc : memref<!tpu.dma_semaphore, #tpu.memory_space<semaphore_mem>>
        %dma_start3A_623 = tpu.memref_slice %arg3[%multiple_of3A_591] : memref<2097152xi8, #tpu.memory_space<hbm>> -> memref<16384xi8, #tpu.memory_space<hbm>>
        %dma_start3A_624 = tpu.memref_slice %arg3[%multiple_of3A_591] : memref<2097152xi8, #tpu.memory_space<hbm>> -> memref<16384xi8, #tpu.memory_space<hbm>>
        tpu.enqueue_dma source(%dma_start3A_624 : memref<16384xi8, #tpu.memory_space<hbm>>) target(%arg6 : memref<16384xi8, #tpu.memory_space<vmem>>) target_semaphore(%run_scoped3A : memref<!tpu.dma_semaphore, #tpu.memory_space<semaphore_mem>>)
        %dma_wait3A_625 = tpu.memref_slice %arg3[%multiple_of3A_591] : memref<2097152xi8, #tpu.memory_space<hbm>> -> memref<16384xi8, #tpu.memory_space<hbm>>
        %dma_wait3A_626 = tpu.memref_slice %arg3[%multiple_of3A_591] : memref<2097152xi8, #tpu.memory_space<hbm>> -> memref<16384xi8, #tpu.memory_space<hbm>>
        tpu.wait_dma2 semaphore(%run_scoped3A : memref<!tpu.dma_semaphore, #tpu.memory_space<semaphore_mem>>) src(%dma_wait3A_626 : memref<16384xi8, #tpu.memory_space<hbm>>) dst(%arg6 : memref<16384xi8, #tpu.memory_space<vmem>>)
        tpu.yield
      }) : () -> ()
      %scan3A_592 = arith.constant 0 : i32
      %scan3A_593 = arith.constant 256 : i32
      %scan3A_594 = arith.addi %scan3A_592, %scan3A_593 : i32
      %scan3A_595 = arith.constant 4 : i32
      scf.for %scan3A_623 = %scan3A_592 to %scan3A_594 step %scan3A_595  : i32 {
        %shift_right_arithmetic3A = arith.constant 3 : i32
        %shift_right_arithmetic3A_624 = arith.shrsi %scan3A_623, %shift_right_arithmetic3A : i32
        %and3A_625 = arith.constant 7 : i32
        %and3A_626 = arith.andi %scan3A_623, %and3A_625 : i32
        %mul3A_627 = arith.constant 512 : i32
        %mul3A_628 = arith.muli %shift_right_arithmetic3A_624, %mul3A_627 : i32
        %mul3A_629 = arith.constant 16 : i32
        %mul3A_630 = arith.muli %and3A_626, %mul3A_629 : i32
        %add3A_631 = arith.addi %mul3A_628, %mul3A_630 : i32
        %multiple_of3A_632 = tpu.assume_multiple %add3A_631, 16 : i32
        %mul3A_633 = arith.constant 128 : i32
        %mul3A_634 = arith.muli %shift_right_arithmetic3A_624, %mul3A_633 : i32
        %mul3A_635 = arith.constant 16 : i32
        %mul3A_636 = arith.muli %and3A_626, %mul3A_635 : i32
        %add3A_637 = arith.addi %mul3A_634, %mul3A_636 : i32
        %multiple_of3A_638 = tpu.assume_multiple %add3A_637, 8 : i32
        %get3A = arith.index_cast %multiple_of3A_632 : i32 to index
        %get3A_639 = tpu.vector_load %arg6[%get3A] {strides = array<i32>} : memref<16384xi8, #tpu.memory_space<vmem>>, vector<64xi8>,
        %bitcast3A = vector.bitcast %get3A_639 : vector<64xi8> to vector<16xi32>
        %swap3A = arith.index_cast %multiple_of3A_638 : i32 to index
        %swap3A_640 = tpu.vector_load %arg7[%swap3A] {strides = array<i32>} : memref<4096xi32, #tpu.memory_space<vmem>>, vector<16xi32>,
        tpu.vector_store %arg7[%swap3A], %bitcast3A {strides = array<i32>} : memref<4096xi32, #tpu.memory_space<vmem>>, vector<16xi32>,
        %scan3A_641 = arith.constant 1 : i32
        %scan3A_642 = arith.addi %scan3A_623, %scan3A_641 : i32
        %shift_right_arithmetic3A_643 = arith.constant 3 : i32
        %shift_right_arithmetic3A_644 = arith.shrsi %scan3A_642, %shift_right_arithmetic3A_643 : i32
        %and3A_645 = arith.constant 7 : i32
        %and3A_646 = arith.andi %scan3A_642, %and3A_645 : i32
        %mul3A_647 = arith.constant 512 : i32
        %mul3A_648 = arith.muli %shift_right_arithmetic3A_644, %mul3A_647 : i32
        %mul3A_649 = arith.constant 16 : i32
        %mul3A_650 = arith.muli %and3A_646, %mul3A_649 : i32
        %add3A_651 = arith.addi %mul3A_648, %mul3A_650 : i32
        %multiple_of3A_652 = tpu.assume_multiple %add3A_651, 16 : i32
        %mul3A_653 = arith.constant 128 : i32
        %mul3A_654 = arith.muli %shift_right_arithmetic3A_644, %mul3A_653 : i32
        %mul3A_655 = arith.constant 16 : i32
        %mul3A_656 = arith.muli %and3A_646, %mul3A_655 : i32
        %add3A_657 = arith.addi %mul3A_654, %mul3A_656 : i32
        %multiple_of3A_658 = tpu.assume_multiple %add3A_657, 8 : i32
        %get3A_659 = arith.index_cast %multiple_of3A_652 : i32 to index
        %get3A_660 = tpu.vector_load %arg6[%get3A_659] {strides = array<i32>} : memref<16384xi8, #tpu.memory_space<vmem>>, vector<64xi8>,
        %bitcast3A_661 = vector.bitcast %get3A_660 : vector<64xi8> to vector<16xi32>
        %swap3A_662 = arith.index_cast %multiple_of3A_658 : i32 to index
        %swap3A_663 = tpu.vector_load %arg7[%swap3A_662] {strides = array<i32>} : memref<4096xi32, #tpu.memory_space<vmem>>, vector<16xi32>,
        tpu.vector_store %arg7[%swap3A_662], %bitcast3A_661 {strides = array<i32>} : memref<4096xi32, #tpu.memory_space<vmem>>, vector<16xi32>,
        %scan3A_664 = arith.constant 2 : i32
        %scan3A_665 = arith.addi %scan3A_623, %scan3A_664 : i32
        %shift_right_arithmetic3A_666 = arith.constant 3 : i32
        %shift_right_arithmetic3A_667 = arith.shrsi %scan3A_665, %shift_right_arithmetic3A_666 : i32
        %and3A_668 = arith.constant 7 : i32
        %and3A_669 = arith.andi %scan3A_665, %and3A_668 : i32
        %mul3A_670 = arith.constant 512 : i32
        %mul3A_671 = arith.muli %shift_right_arithmetic3A_667, %mul3A_670 : i32
        %mul3A_672 = arith.constant 16 : i32
        %mul3A_673 = arith.muli %and3A_669, %mul3A_672 : i32
        %add3A_674 = arith.addi %mul3A_671, %mul3A_673 : i32
        %multiple_of3A_675 = tpu.assume_multiple %add3A_674, 16 : i32
        %mul3A_676 = arith.constant 128 : i32
        %mul3A_677 = arith.muli %shift_right_arithmetic3A_667, %mul3A_676 : i32
        %mul3A_678 = arith.constant 16 : i32
        %mul3A_679 = arith.muli %and3A_669, %mul3A_678 : i32
        %add3A_680 = arith.addi %mul3A_677, %mul3A_679 : i32
        %multiple_of3A_681 = tpu.assume_multiple %add3A_680, 8 : i32
        %get3A_682 = arith.index_cast %multiple_of3A_675 : i32 to index
        %get3A_683 = tpu.vector_load %arg6[%get3A_682] {strides = array<i32>} : memref<16384xi8, #tpu.memory_space<vmem>>, vector<64xi8>,
        %bitcast3A_684 = vector.bitcast %get3A_683 : vector<64xi8> to vector<16xi32>
        %swap3A_685 = arith.index_cast %multiple_of3A_681 : i32 to index
        %swap3A_686 = tpu.vector_load %arg7[%swap3A_685] {strides = array<i32>} : memref<4096xi32, #tpu.memory_space<vmem>>, vector<16xi32>,
        tpu.vector_store %arg7[%swap3A_685], %bitcast3A_684 {strides = array<i32>} : memref<4096xi32, #tpu.memory_space<vmem>>, vector<16xi32>,
        %scan3A_687 = arith.constant 3 : i32
        %scan3A_688 = arith.addi %scan3A_623, %scan3A_687 : i32
        %shift_right_arithmetic3A_689 = arith.constant 3 : i32
        %shift_right_arithmetic3A_690 = arith.shrsi %scan3A_688, %shift_right_arithmetic3A_689 : i32
        %and3A_691 = arith.constant 7 : i32
        %and3A_692 = arith.andi %scan3A_688, %and3A_691 : i32
        %mul3A_693 = arith.constant 512 : i32
        %mul3A_694 = arith.muli %shift_right_arithmetic3A_690, %mul3A_693 : i32
        %mul3A_695 = arith.constant 16 : i32
        %mul3A_696 = arith.muli %and3A_692, %mul3A_695 : i32
        %add3A_697 = arith.addi %mul3A_694, %mul3A_696 : i32
        %multiple_of3A_698 = tpu.assume_multiple %add3A_697, 16 : i32
        %mul3A_699 = arith.constant 128 : i32
        %mul3A_700 = arith.muli %shift_right_arithmetic3A_690, %mul3A_699 : i32
        %mul3A_701 = arith.constant 16 : i32
        %mul3A_702 = arith.muli %and3A_692, %mul3A_701 : i32
        %add3A_703 = arith.addi %mul3A_700, %mul3A_702 : i32
        %multiple_of3A_704 = tpu.assume_multiple %add3A_703, 8 : i32
        %get3A_705 = arith.index_cast %multiple_of3A_698 : i32 to index
        %get3A_706 = tpu.vector_load %arg6[%get3A_705] {strides = array<i32>} : memref<16384xi8, #tpu.memory_space<vmem>>, vector<64xi8>,
        %bitcast3A_707 = vector.bitcast %get3A_706 : vector<64xi8> to vector<16xi32>
        %swap3A_708 = arith.index_cast %multiple_of3A_704 : i32 to index
        %swap3A_709 = tpu.vector_load %arg7[%swap3A_708] {strides = array<i32>} : memref<4096xi32, #tpu.memory_space<vmem>>, vector<16xi32>,
        tpu.vector_store %arg7[%swap3A_708], %bitcast3A_707 {strides = array<i32>} : memref<4096xi32, #tpu.memory_space<vmem>>, vector<16xi32>,
      }
      %scan3A_596 = arith.constant 256 : i32
      %jit3A_597 = arith.constant 4 : i32
      %div3A_598 = arith.divsi %multiple_of3A_591, %jit3A_597 : i32
      %sign3A_599 = arith.constant 0 : i32
      %sign3A_600 = arith.cmpi sgt, %multiple_of3A_591, %sign3A_599 : i32
      %sign3A_601 = arith.extui %sign3A_600 : i1 to i32
      %sign3A_602 = arith.constant 0 : i32
      %sign3A_603 = arith.cmpi slt, %multiple_of3A_591, %sign3A_602 : i32
      %sign3A_604 = arith.extui %sign3A_603 : i1 to i32
      %sign3A_605 = arith.subi %sign3A_601, %sign3A_604 : i32
      %sign3A_606 = arith.constant 0 : i32
      %sign3A_607 = arith.cmpi sgt, %jit3A_597, %sign3A_606 : i32
      %sign3A_608 = arith.extui %sign3A_607 : i1 to i32
      %sign3A_609 = arith.constant 0 : i32
      %sign3A_610 = arith.cmpi slt, %jit3A_597, %sign3A_609 : i32
      %sign3A_611 = arith.extui %sign3A_610 : i1 to i32
      %sign3A_612 = arith.subi %sign3A_608, %sign3A_611 : i32
      %ne3A_613 = arith.cmpi ne, %sign3A_605, %sign3A_612 : i32
      %rem3A_614 = arith.remsi %multiple_of3A_591, %jit3A_597 : i32
      %ne3A_615 = arith.constant 0 : i32
      %ne3A_616 = arith.cmpi ne, %rem3A_614, %ne3A_615 : i32
      %and3A_617 = arith.andi %ne3A_613, %ne3A_616 : i1
      %sub3A_618 = arith.constant 1 : i32
      %sub3A_619 = arith.subi %div3A_598, %sub3A_618 : i32
      %select_n3A_620 = arith.select %and3A_617, %sub3A_619, %div3A_598 : i32
      %add3A_621 = arith.addi %mul3A_4, %select_n3A_620 : i32
      %multiple_of3A_622 = tpu.assume_multiple %add3A_621, 8 : i32
      "tpu.region"() ({
        %run_scoped3A = tpu.sem_alloc : memref<!tpu.dma_semaphore, #tpu.memory_space<semaphore_mem>>
        %dma_start3A_623 = tpu.memref_slice %arg5[%multiple_of3A_622] : memref<1048576xi32, #tpu.memory_space<hbm>> -> memref<4096xi32, #tpu.memory_space<hbm>>
        %dma_start3A_624 = tpu.memref_slice %arg5[%multiple_of3A_622] : memref<1048576xi32, #tpu.memory_space<hbm>> -> memref<4096xi32, #tpu.memory_space<hbm>>
        tpu.enqueue_dma source(%arg7 : memref<4096xi32, #tpu.memory_space<vmem>>) target(%dma_start3A_624 : memref<4096xi32, #tpu.memory_space<hbm>>) target_semaphore(%run_scoped3A : memref<!tpu.dma_semaphore, #tpu.memory_space<semaphore_mem>>)
        %dma_wait3A_625 = tpu.memref_slice %arg5[%multiple_of3A_622] : memref<1048576xi32, #tpu.memory_space<hbm>> -> memref<4096xi32, #tpu.memory_space<hbm>>
        %dma_wait3A_626 = tpu.memref_slice %arg5[%multiple_of3A_622] : memref<1048576xi32, #tpu.memory_space<hbm>> -> memref<4096xi32, #tpu.memory_space<hbm>>
        tpu.wait_dma2 semaphore(%run_scoped3A : memref<!tpu.dma_semaphore, #tpu.memory_space<semaphore_mem>>) src(%arg7 : memref<4096xi32, #tpu.memory_space<vmem>>) dst(%dma_wait3A_626 : memref<4096xi32, #tpu.memory_space<hbm>>)
        tpu.yield
      }) : () -> ()
    }
    %scan3A_134 = arith.constant 8 : i32
    %barrier3A = arith.constant 0 : index
    tpu.barrier barrier_id(%barrier3A)
    %add3A_135 = arith.constant 0 : i32
    %add3A_136 = arith.addi %mul3A_2, %add3A_135 : i32
    %jit3A_137 = arith.constant 128 : i32
    %div3A_138 = arith.divsi %add3A_136, %jit3A_137 : i32
    %sign3A_139 = arith.constant 0 : i32
    %sign3A_140 = arith.cmpi sgt, %add3A_136, %sign3A_139 : i32
    %sign3A_141 = arith.extui %sign3A_140 : i1 to i32
    %sign3A_142 = arith.constant 0 : i32
    %sign3A_143 = arith.cmpi slt, %add3A_136, %sign3A_142 : i32
    %sign3A_144 = arith.extui %sign3A_143 : i1 to i32
    %sign3A_145 = arith.subi %sign3A_141, %sign3A_144 : i32
    %sign3A_146 = arith.constant 0 : i32
    %sign3A_147 = arith.cmpi sgt, %jit3A_137, %sign3A_146 : i32
    %sign3A_148 = arith.extui %sign3A_147 : i1 to i32
    %sign3A_149 = arith.constant 0 : i32
    %sign3A_150 = arith.cmpi slt, %jit3A_137, %sign3A_149 : i32
    %sign3A_151 = arith.extui %sign3A_150 : i1 to i32
    %sign3A_152 = arith.subi %sign3A_148, %sign3A_151 : i32
    %ne3A_153 = arith.cmpi ne, %sign3A_145, %sign3A_152 : i32
    %rem3A_154 = arith.remsi %add3A_136, %jit3A_137 : i32
    %ne3A_155 = arith.constant 0 : i32
    %ne3A_156 = arith.cmpi ne, %rem3A_154, %ne3A_155 : i32
    %and3A_157 = arith.andi %ne3A_153, %ne3A_156 : i1
    %sub3A_158 = arith.constant 1 : i32
    %sub3A_159 = arith.subi %div3A_138, %sub3A_158 : i32
    %select_n3A_160 = arith.select %and3A_157, %sub3A_159, %div3A_138 : i32
    %multiple_of3A_161 = tpu.assume_multiple %select_n3A_160, 8 : i32
    %dma_wait3A = arith.constant 0 : i32
    %dma_wait3A_162 = arith.constant 0 : i32
    %dma_wait3A_163 = arith.constant 0 : i32
    %dma_wait3A_164 = arith.constant 0 : i32
    %dma_wait3A_165 = arith.constant 0 : i32
    %dma_wait3A_166 = tpu.memref_slice %arg8[%dma_wait3A_162, %dma_wait3A_163, %dma_wait3A_164, %dma_wait3A_165] : memref<2x16x8x128xf32, #tpu.memory_space<vmem>> -> memref<1x16x8x128xf32, #tpu.memory_space<vmem>>
    %dma_wait3A_167 = tpu.memref_squeeze %dma_wait3A_166 : memref<1x16x8x128xf32, #tpu.memory_space<vmem>> -> memref<16x8x128xf32, #tpu.memory_space<vmem>>
    %dma_wait3A_168 = arith.constant 0 : i32
    %dma_wait3A_169 = arith.constant 0 : i32
    %dma_wait3A_170 = tpu.memref_slice %arg2[%dma_wait3A, %multiple_of3A_161, %dma_wait3A_168, %dma_wait3A_169] : memref<2x8192x8x128xf32, #tpu.memory_space<hbm>> -> memref<1x16x8x128xf32, #tpu.memory_space<hbm>>
    %dma_wait3A_171 = tpu.memref_squeeze %dma_wait3A_170 : memref<1x16x8x128xf32, #tpu.memory_space<hbm>> -> memref<16x8x128xf32, #tpu.memory_space<hbm>>
    %dma_wait3A_172 = arith.constant 0 : i32
    %dma_wait3A_173 = arith.constant 0 : i32
    %dma_wait3A_174 = arith.constant 0 : i32
    %dma_wait3A_175 = tpu.memref_slice %arg8[%dma_wait3A_162, %dma_wait3A_172, %dma_wait3A_173, %dma_wait3A_174] : memref<2x16x8x128xf32, #tpu.memory_space<vmem>> -> memref<1x16x8x128xf32, #tpu.memory_space<vmem>>
    %dma_wait3A_176 = tpu.memref_squeeze %dma_wait3A_175 : memref<1x16x8x128xf32, #tpu.memory_space<vmem>> -> memref<16x8x128xf32, #tpu.memory_space<vmem>>
    %dma_wait3A_177 = arith.constant 0 : i32
    %dma_wait3A_178 = arith.constant 0 : i32
    %dma_wait3A_179 = tpu.memref_slice %arg2[%dma_wait3A, %multiple_of3A_161, %dma_wait3A_177, %dma_wait3A_178] : memref<2x8192x8x128xf32, #tpu.memory_space<hbm>> -> memref<1x16x8x128xf32, #tpu.memory_space<hbm>>
    %dma_wait3A_180 = tpu.memref_squeeze %dma_wait3A_179 : memref<1x16x8x128xf32, #tpu.memory_space<hbm>> -> memref<16x8x128xf32, #tpu.memory_space<hbm>>
    tpu.wait_dma2 semaphore(%arg14 : memref<!tpu.dma_semaphore, #tpu.memory_space<semaphore_mem>>) src(%dma_wait3A_180 : memref<16x8x128xf32, #tpu.memory_space<hbm>>) dst(%dma_wait3A_176 : memref<16x8x128xf32, #tpu.memory_space<vmem>>)
    %dma_wait3A_181 = arith.constant 1 : i32
    %dma_wait3A_182 = arith.constant 0 : i32
    %dma_wait3A_183 = arith.constant 0 : i32
    %dma_wait3A_184 = arith.constant 0 : i32
    %dma_wait3A_185 = arith.constant 0 : i32
    %dma_wait3A_186 = tpu.memref_slice %arg9[%dma_wait3A_182, %dma_wait3A_183, %dma_wait3A_184, %dma_wait3A_185] : memref<2x16x8x128xf32, #tpu.memory_space<vmem>> -> memref<1x16x8x128xf32, #tpu.memory_space<vmem>>
    %dma_wait3A_187 = tpu.memref_squeeze %dma_wait3A_186 : memref<1x16x8x128xf32, #tpu.memory_space<vmem>> -> memref<16x8x128xf32, #tpu.memory_space<vmem>>
    %dma_wait3A_188 = arith.constant 0 : i32
    %dma_wait3A_189 = arith.constant 0 : i32
    %dma_wait3A_190 = tpu.memref_slice %arg2[%dma_wait3A_181, %multiple_of3A_161, %dma_wait3A_188, %dma_wait3A_189] : memref<2x8192x8x128xf32, #tpu.memory_space<hbm>> -> memref<1x16x8x128xf32, #tpu.memory_space<hbm>>
    %dma_wait3A_191 = tpu.memref_squeeze %dma_wait3A_190 : memref<1x16x8x128xf32, #tpu.memory_space<hbm>> -> memref<16x8x128xf32, #tpu.memory_space<hbm>>
    %dma_wait3A_192 = arith.constant 0 : i32
    %dma_wait3A_193 = arith.constant 0 : i32
    %dma_wait3A_194 = arith.constant 0 : i32
    %dma_wait3A_195 = tpu.memref_slice %arg9[%dma_wait3A_182, %dma_wait3A_192, %dma_wait3A_193, %dma_wait3A_194] : memref<2x16x8x128xf32, #tpu.memory_space<vmem>> -> memref<1x16x8x128xf32, #tpu.memory_space<vmem>>
    %dma_wait3A_196 = tpu.memref_squeeze %dma_wait3A_195 : memref<1x16x8x128xf32, #tpu.memory_space<vmem>> -> memref<16x8x128xf32, #tpu.memory_space<vmem>>
    %dma_wait3A_197 = arith.constant 0 : i32
    %dma_wait3A_198 = arith.constant 0 : i32
    %dma_wait3A_199 = tpu.memref_slice %arg2[%dma_wait3A_181, %multiple_of3A_161, %dma_wait3A_197, %dma_wait3A_198] : memref<2x8192x8x128xf32, #tpu.memory_space<hbm>> -> memref<1x16x8x128xf32, #tpu.memory_space<hbm>>
    %dma_wait3A_200 = tpu.memref_squeeze %dma_wait3A_199 : memref<1x16x8x128xf32, #tpu.memory_space<hbm>> -> memref<16x8x128xf32, #tpu.memory_space<hbm>>
    tpu.wait_dma2 semaphore(%arg14 : memref<!tpu.dma_semaphore, #tpu.memory_space<semaphore_mem>>) src(%dma_wait3A_200 : memref<16x8x128xf32, #tpu.memory_space<hbm>>) dst(%dma_wait3A_196 : memref<16x8x128xf32, #tpu.memory_space<vmem>>)
    %scan3A_201 = arith.constant 0 : i32
    %scan3A_202 = arith.constant 128 : i32
    %scan3A_203 = arith.addi %scan3A_201, %scan3A_202 : i32
    %scan3A_204 = arith.constant 1 : i32
    scf.for %scan3A_587 = %scan3A_201 to %scan3A_203 step %scan3A_204  : i32 {
      %shift_right_arithmetic3A = arith.constant 3 : i32
      %shift_right_arithmetic3A_588 = arith.shrsi %scan3A_587, %shift_right_arithmetic3A : i32
      %and3A_589 = arith.constant 7 : i32
      %and3A_590 = arith.andi %scan3A_587, %and3A_589 : i32
      %mul3A_591 = arith.constant 16 : i32
      %mul3A_592 = arith.muli %and3A_590, %mul3A_591 : i32
      %multiple_of3A_593 = tpu.assume_multiple %mul3A_592, 16 : i32
      %get3A = arith.constant 0 : i32
      %get3A_594 = arith.constant 0 : i32
      %get3A_595 = arith.index_cast %get3A : i32 to index
      %get3A_596 = arith.index_cast %shift_right_arithmetic3A_588 : i32 to index
      %get3A_597 = arith.index_cast %get3A_594 : i32 to index
      %get3A_598 = arith.index_cast %multiple_of3A_593 : i32 to index
      %get3A_599 = tpu.vector_load %arg8[%get3A_595, %get3A_596, %get3A_597, %get3A_598] {strides = array<i32>} : memref<2x16x8x128xf32, #tpu.memory_space<vmem>>, vector<16xf32>,
      %bitcast3A = vector.bitcast %get3A_599 : vector<16xf32> to vector<16xi32>
      %get3A_600 = arith.constant 0 : i32
      %get3A_601 = arith.constant 1 : i32
      %get3A_602 = arith.index_cast %get3A_600 : i32 to index
      %get3A_603 = arith.index_cast %shift_right_arithmetic3A_588 : i32 to index
      %get3A_604 = arith.index_cast %get3A_601 : i32 to index
      %get3A_605 = arith.index_cast %multiple_of3A_593 : i32 to index
      %get3A_606 = tpu.vector_load %arg8[%get3A_602, %get3A_603, %get3A_604, %get3A_605] {strides = array<i32>} : memref<2x16x8x128xf32, #tpu.memory_space<vmem>>, vector<16xf32>,
      %bitcast3A_607 = vector.bitcast %get3A_606 : vector<16xf32> to vector<16xi32>
      %get3A_608 = arith.constant 0 : i32
      %get3A_609 = arith.constant 2 : i32
      %get3A_610 = arith.index_cast %get3A_608 : i32 to index
      %get3A_611 = arith.index_cast %shift_right_arithmetic3A_588 : i32 to index
      %get3A_612 = arith.index_cast %get3A_609 : i32 to index
      %get3A_613 = arith.index_cast %multiple_of3A_593 : i32 to index
      %get3A_614 = tpu.vector_load %arg8[%get3A_610, %get3A_611, %get3A_612, %get3A_613] {strides = array<i32>} : memref<2x16x8x128xf32, #tpu.memory_space<vmem>>, vector<16xf32>,
      %bitcast3A_615 = vector.bitcast %get3A_614 : vector<16xf32> to vector<16xi32>
      %get3A_616 = arith.constant 0 : i32
      %get3A_617 = arith.constant 3 : i32
      %get3A_618 = arith.index_cast %get3A_616 : i32 to index
      %get3A_619 = arith.index_cast %shift_right_arithmetic3A_588 : i32 to index
      %get3A_620 = arith.index_cast %get3A_617 : i32 to index
      %get3A_621 = arith.index_cast %multiple_of3A_593 : i32 to index
      %get3A_622 = tpu.vector_load %arg8[%get3A_618, %get3A_619, %get3A_620, %get3A_621] {strides = array<i32>} : memref<2x16x8x128xf32, #tpu.memory_space<vmem>>, vector<16xf32>,
      %bitcast3A_623 = vector.bitcast %get3A_622 : vector<16xf32> to vector<16xi32>
      %get3A_624 = arith.constant 0 : i32
      %get3A_625 = arith.constant 4 : i32
      %get3A_626 = arith.index_cast %get3A_624 : i32 to index
      %get3A_627 = arith.index_cast %shift_right_arithmetic3A_588 : i32 to index
      %get3A_628 = arith.index_cast %get3A_625 : i32 to index
      %get3A_629 = arith.index_cast %multiple_of3A_593 : i32 to index
      %get3A_630 = tpu.vector_load %arg8[%get3A_626, %get3A_627, %get3A_628, %get3A_629] {strides = array<i32>} : memref<2x16x8x128xf32, #tpu.memory_space<vmem>>, vector<16xf32>,
      %bitcast3A_631 = vector.bitcast %get3A_630 : vector<16xf32> to vector<16xi32>
      %get3A_632 = arith.constant 0 : i32
      %get3A_633 = arith.constant 5 : i32
      %get3A_634 = arith.index_cast %get3A_632 : i32 to index
      %get3A_635 = arith.index_cast %shift_right_arithmetic3A_588 : i32 to index
      %get3A_636 = arith.index_cast %get3A_633 : i32 to index
      %get3A_637 = arith.index_cast %multiple_of3A_593 : i32 to index
      %get3A_638 = tpu.vector_load %arg8[%get3A_634, %get3A_635, %get3A_636, %get3A_637] {strides = array<i32>} : memref<2x16x8x128xf32, #tpu.memory_space<vmem>>, vector<16xf32>,
      %bitcast3A_639 = vector.bitcast %get3A_638 : vector<16xf32> to vector<16xi32>
      %get3A_640 = arith.constant 0 : i32
      %get3A_641 = arith.constant 6 : i32
      %get3A_642 = arith.index_cast %get3A_640 : i32 to index
      %get3A_643 = arith.index_cast %shift_right_arithmetic3A_588 : i32 to index
      %get3A_644 = arith.index_cast %get3A_641 : i32 to index
      %get3A_645 = arith.index_cast %multiple_of3A_593 : i32 to index
      %get3A_646 = tpu.vector_load %arg8[%get3A_642, %get3A_643, %get3A_644, %get3A_645] {strides = array<i32>} : memref<2x16x8x128xf32, #tpu.memory_space<vmem>>, vector<16xf32>,
      %bitcast3A_647 = vector.bitcast %get3A_646 : vector<16xf32> to vector<16xi32>
      %get3A_648 = arith.constant 0 : i32
      %get3A_649 = arith.constant 7 : i32
      %get3A_650 = arith.index_cast %get3A_648 : i32 to index
      %get3A_651 = arith.index_cast %shift_right_arithmetic3A_588 : i32 to index
      %get3A_652 = arith.index_cast %get3A_649 : i32 to index
      %get3A_653 = arith.index_cast %multiple_of3A_593 : i32 to index
      %get3A_654 = tpu.vector_load %arg8[%get3A_650, %get3A_651, %get3A_652, %get3A_653] {strides = array<i32>} : memref<2x16x8x128xf32, #tpu.memory_space<vmem>>, vector<16xf32>,
      %bitcast3A_655 = vector.bitcast %get3A_654 : vector<16xf32> to vector<16xi32>
      %get3A_656 = arith.constant 0 : i32
      %get3A_657 = arith.constant 0 : i32
      %get3A_658 = arith.index_cast %get3A_656 : i32 to index
      %get3A_659 = arith.index_cast %shift_right_arithmetic3A_588 : i32 to index
      %get3A_660 = arith.index_cast %get3A_657 : i32 to index
      %get3A_661 = arith.index_cast %multiple_of3A_593 : i32 to index
      %get3A_662 = tpu.vector_load %arg9[%get3A_658, %get3A_659, %get3A_660, %get3A_661] {strides = array<i32>} : memref<2x16x8x128xf32, #tpu.memory_space<vmem>>, vector<16xf32>,
      %bitcast3A_663 = vector.bitcast %get3A_662 : vector<16xf32> to vector<16xi32>
      %get3A_664 = arith.constant 0 : i32
      %get3A_665 = arith.constant 1 : i32
      %get3A_666 = arith.index_cast %get3A_664 : i32 to index
      %get3A_667 = arith.index_cast %shift_right_arithmetic3A_588 : i32 to index
      %get3A_668 = arith.index_cast %get3A_665 : i32 to index
      %get3A_669 = arith.index_cast %multiple_of3A_593 : i32 to index
      %get3A_670 = tpu.vector_load %arg9[%get3A_666, %get3A_667, %get3A_668, %get3A_669] {strides = array<i32>} : memref<2x16x8x128xf32, #tpu.memory_space<vmem>>, vector<16xf32>,
      %bitcast3A_671 = vector.bitcast %get3A_670 : vector<16xf32> to vector<16xi32>
      %get3A_672 = arith.constant 0 : i32
      %get3A_673 = arith.constant 2 : i32
      %get3A_674 = arith.index_cast %get3A_672 : i32 to index
      %get3A_675 = arith.index_cast %shift_right_arithmetic3A_588 : i32 to index
      %get3A_676 = arith.index_cast %get3A_673 : i32 to index
      %get3A_677 = arith.index_cast %multiple_of3A_593 : i32 to index
      %get3A_678 = tpu.vector_load %arg9[%get3A_674, %get3A_675, %get3A_676, %get3A_677] {strides = array<i32>} : memref<2x16x8x128xf32, #tpu.memory_space<vmem>>, vector<16xf32>,
      %bitcast3A_679 = vector.bitcast %get3A_678 : vector<16xf32> to vector<16xi32>
      %get3A_680 = arith.constant 0 : i32
      %get3A_681 = arith.constant 3 : i32
      %get3A_682 = arith.index_cast %get3A_680 : i32 to index
      %get3A_683 = arith.index_cast %shift_right_arithmetic3A_588 : i32 to index
      %get3A_684 = arith.index_cast %get3A_681 : i32 to index
      %get3A_685 = arith.index_cast %multiple_of3A_593 : i32 to index
      %get3A_686 = tpu.vector_load %arg9[%get3A_682, %get3A_683, %get3A_684, %get3A_685] {strides = array<i32>} : memref<2x16x8x128xf32, #tpu.memory_space<vmem>>, vector<16xf32>,
      %bitcast3A_687 = vector.bitcast %get3A_686 : vector<16xf32> to vector<16xi32>
      %get3A_688 = arith.constant 0 : i32
      %get3A_689 = arith.constant 4 : i32
      %get3A_690 = arith.index_cast %get3A_688 : i32 to index
      %get3A_691 = arith.index_cast %shift_right_arithmetic3A_588 : i32 to index
      %get3A_692 = arith.index_cast %get3A_689 : i32 to index
      %get3A_693 = arith.index_cast %multiple_of3A_593 : i32 to index
      %get3A_694 = tpu.vector_load %arg9[%get3A_690, %get3A_691, %get3A_692, %get3A_693] {strides = array<i32>} : memref<2x16x8x128xf32, #tpu.memory_space<vmem>>, vector<16xf32>,
      %bitcast3A_695 = vector.bitcast %get3A_694 : vector<16xf32> to vector<16xi32>
      %get3A_696 = arith.constant 0 : i32
      %get3A_697 = arith.constant 5 : i32
      %get3A_698 = arith.index_cast %get3A_696 : i32 to index
      %get3A_699 = arith.index_cast %shift_right_arithmetic3A_588 : i32 to index
      %get3A_700 = arith.index_cast %get3A_697 : i32 to index
      %get3A_701 = arith.index_cast %multiple_of3A_593 : i32 to index
      %get3A_702 = tpu.vector_load %arg9[%get3A_698, %get3A_699, %get3A_700, %get3A_701] {strides = array<i32>} : memref<2x16x8x128xf32, #tpu.memory_space<vmem>>, vector<16xf32>,
      %bitcast3A_703 = vector.bitcast %get3A_702 : vector<16xf32> to vector<16xi32>
      %get3A_704 = arith.constant 0 : i32
      %get3A_705 = arith.constant 6 : i32
      %get3A_706 = arith.index_cast %get3A_704 : i32 to index
      %get3A_707 = arith.index_cast %shift_right_arithmetic3A_588 : i32 to index
      %get3A_708 = arith.index_cast %get3A_705 : i32 to index
      %get3A_709 = arith.index_cast %multiple_of3A_593 : i32 to index
      %get3A_710 = tpu.vector_load %arg9[%get3A_706, %get3A_707, %get3A_708, %get3A_709] {strides = array<i32>} : memref<2x16x8x128xf32, #tpu.memory_space<vmem>>, vector<16xf32>,
      %bitcast3A_711 = vector.bitcast %get3A_710 : vector<16xf32> to vector<16xi32>
      %get3A_712 = arith.constant 0 : i32
      %get3A_713 = arith.constant 7 : i32
      %get3A_714 = arith.index_cast %get3A_712 : i32 to index
      %get3A_715 = arith.index_cast %shift_right_arithmetic3A_588 : i32 to index
      %get3A_716 = arith.index_cast %get3A_713 : i32 to index
      %get3A_717 = arith.index_cast %multiple_of3A_593 : i32 to index
      %get3A_718 = tpu.vector_load %arg9[%get3A_714, %get3A_715, %get3A_716, %get3A_717] {strides = array<i32>} : memref<2x16x8x128xf32, #tpu.memory_space<vmem>>, vector<16xf32>,
      %bitcast3A_719 = vector.bitcast %get3A_718 : vector<16xf32> to vector<16xi32>
      %broadcast_in_dim3A = arith.constant 606290985 : i32
      %broadcast_in_dim3A_720 = vector.broadcast %broadcast_in_dim3A : i32 to vector<16xi32>
      %mul3A_721 = arith.constant -2048144777 : i32
      %mul3A_722 = vector.broadcast %mul3A_721 : i32 to vector<16xi32>
      %mul3A_723 = arith.muli %bitcast3A, %mul3A_722 : vector<16xi32>
      %add3A_724 = arith.addi %broadcast_in_dim3A_720, %mul3A_723 : vector<16xi32>
      %shift_left3A = arith.constant 13 : i32
      %shift_left3A_725 = vector.broadcast %shift_left3A : i32 to vector<16xi32>
      %shift_left3A_726 = arith.shli %add3A_724, %shift_left3A_725 : vector<16xi32>
      %broadcast_in_dim3A_727 = arith.constant 19 : i32
      %broadcast_in_dim3A_728 = vector.broadcast %broadcast_in_dim3A_727 : i32 to vector<16xi32>
      %shift_right_logical3A = arith.shrui %add3A_724, %broadcast_in_dim3A_728 : vector<16xi32>
      %or3A = arith.ori %shift_left3A_726, %shift_right_logical3A : vector<16xi32>
      %mul3A_729 = arith.constant -1640531535 : i32
      %mul3A_730 = vector.broadcast %mul3A_729 : i32 to vector<16xi32>
      %mul3A_731 = arith.muli %or3A, %mul3A_730 : vector<16xi32>
      %mul3A_732 = arith.constant -2048144777 : i32
      %mul3A_733 = vector.broadcast %mul3A_732 : i32 to vector<16xi32>
      %mul3A_734 = arith.muli %bitcast3A_607, %mul3A_733 : vector<16xi32>
      %add3A_735 = arith.addi %mul3A_731, %mul3A_734 : vector<16xi32>
      %shift_left3A_736 = arith.constant 13 : i32
      %shift_left3A_737 = vector.broadcast %shift_left3A_736 : i32 to vector<16xi32>
      %shift_left3A_738 = arith.shli %add3A_735, %shift_left3A_737 : vector<16xi32>
      %broadcast_in_dim3A_739 = arith.constant 19 : i32
      %broadcast_in_dim3A_740 = vector.broadcast %broadcast_in_dim3A_739 : i32 to vector<16xi32>
      %shift_right_logical3A_741 = arith.shrui %add3A_735, %broadcast_in_dim3A_740 : vector<16xi32>
      %or3A_742 = arith.ori %shift_left3A_738, %shift_right_logical3A_741 : vector<16xi32>
      %mul3A_743 = arith.constant -1640531535 : i32
      %mul3A_744 = vector.broadcast %mul3A_743 : i32 to vector<16xi32>
      %mul3A_745 = arith.muli %or3A_742, %mul3A_744 : vector<16xi32>
      %mul3A_746 = arith.constant -2048144777 : i32
      %mul3A_747 = vector.broadcast %mul3A_746 : i32 to vector<16xi32>
      %mul3A_748 = arith.muli %bitcast3A_615, %mul3A_747 : vector<16xi32>
      %add3A_749 = arith.addi %mul3A_745, %mul3A_748 : vector<16xi32>
      %shift_left3A_750 = arith.constant 13 : i32
      %shift_left3A_751 = vector.broadcast %shift_left3A_750 : i32 to vector<16xi32>
      %shift_left3A_752 = arith.shli %add3A_749, %shift_left3A_751 : vector<16xi32>
      %broadcast_in_dim3A_753 = arith.constant 19 : i32
      %broadcast_in_dim3A_754 = vector.broadcast %broadcast_in_dim3A_753 : i32 to vector<16xi32>
      %shift_right_logical3A_755 = arith.shrui %add3A_749, %broadcast_in_dim3A_754 : vector<16xi32>
      %or3A_756 = arith.ori %shift_left3A_752, %shift_right_logical3A_755 : vector<16xi32>
      %mul3A_757 = arith.constant -1640531535 : i32
      %mul3A_758 = vector.broadcast %mul3A_757 : i32 to vector<16xi32>
      %mul3A_759 = arith.muli %or3A_756, %mul3A_758 : vector<16xi32>
      %mul3A_760 = arith.constant -2048144777 : i32
      %mul3A_761 = vector.broadcast %mul3A_760 : i32 to vector<16xi32>
      %mul3A_762 = arith.muli %bitcast3A_623, %mul3A_761 : vector<16xi32>
      %add3A_763 = arith.addi %mul3A_759, %mul3A_762 : vector<16xi32>
      %shift_left3A_764 = arith.constant 13 : i32
      %shift_left3A_765 = vector.broadcast %shift_left3A_764 : i32 to vector<16xi32>
      %shift_left3A_766 = arith.shli %add3A_763, %shift_left3A_765 : vector<16xi32>
      %broadcast_in_dim3A_767 = arith.constant 19 : i32
      %broadcast_in_dim3A_768 = vector.broadcast %broadcast_in_dim3A_767 : i32 to vector<16xi32>
      %shift_right_logical3A_769 = arith.shrui %add3A_763, %broadcast_in_dim3A_768 : vector<16xi32>
      %or3A_770 = arith.ori %shift_left3A_766, %shift_right_logical3A_769 : vector<16xi32>
      %mul3A_771 = arith.constant -1640531535 : i32
      %mul3A_772 = vector.broadcast %mul3A_771 : i32 to vector<16xi32>
      %mul3A_773 = arith.muli %or3A_770, %mul3A_772 : vector<16xi32>
      %broadcast_in_dim3A_774 = arith.constant -2048144776 : i32
      %broadcast_in_dim3A_775 = vector.broadcast %broadcast_in_dim3A_774 : i32 to vector<16xi32>
      %mul3A_776 = arith.constant -2048144777 : i32
      %mul3A_777 = vector.broadcast %mul3A_776 : i32 to vector<16xi32>
      %mul3A_778 = arith.muli %bitcast3A_631, %mul3A_777 : vector<16xi32>
      %add3A_779 = arith.addi %broadcast_in_dim3A_775, %mul3A_778 : vector<16xi32>
      %shift_left3A_780 = arith.constant 13 : i32
      %shift_left3A_781 = vector.broadcast %shift_left3A_780 : i32 to vector<16xi32>
      %shift_left3A_782 = arith.shli %add3A_779, %shift_left3A_781 : vector<16xi32>
      %broadcast_in_dim3A_783 = arith.constant 19 : i32
      %broadcast_in_dim3A_784 = vector.broadcast %broadcast_in_dim3A_783 : i32 to vector<16xi32>
      %shift_right_logical3A_785 = arith.shrui %add3A_779, %broadcast_in_dim3A_784 : vector<16xi32>
      %or3A_786 = arith.ori %shift_left3A_782, %shift_right_logical3A_785 : vector<16xi32>
      %mul3A_787 = arith.constant -1640531535 : i32
      %mul3A_788 = vector.broadcast %mul3A_787 : i32 to vector<16xi32>
      %mul3A_789 = arith.muli %or3A_786, %mul3A_788 : vector<16xi32>
      %mul3A_790 = arith.constant -2048144777 : i32
      %mul3A_791 = vector.broadcast %mul3A_790 : i32 to vector<16xi32>
      %mul3A_792 = arith.muli %bitcast3A_639, %mul3A_791 : vector<16xi32>
      %add3A_793 = arith.addi %mul3A_789, %mul3A_792 : vector<16xi32>
      %shift_left3A_794 = arith.constant 13 : i32
      %shift_left3A_795 = vector.broadcast %shift_left3A_794 : i32 to vector<16xi32>
      %shift_left3A_796 = arith.shli %add3A_793, %shift_left3A_795 : vector<16xi32>
      %broadcast_in_dim3A_797 = arith.constant 19 : i32
      %broadcast_in_dim3A_798 = vector.broadcast %broadcast_in_dim3A_797 : i32 to vector<16xi32>
      %shift_right_logical3A_799 = arith.shrui %add3A_793, %broadcast_in_dim3A_798 : vector<16xi32>
      %or3A_800 = arith.ori %shift_left3A_796, %shift_right_logical3A_799 : vector<16xi32>
      %mul3A_801 = arith.constant -1640531535 : i32
      %mul3A_802 = vector.broadcast %mul3A_801 : i32 to vector<16xi32>
      %mul3A_803 = arith.muli %or3A_800, %mul3A_802 : vector<16xi32>
      %mul3A_804 = arith.constant -2048144777 : i32
      %mul3A_805 = vector.broadcast %mul3A_804 : i32 to vector<16xi32>
      %mul3A_806 = arith.muli %bitcast3A_647, %mul3A_805 : vector<16xi32>
      %add3A_807 = arith.addi %mul3A_803, %mul3A_806 : vector<16xi32>
      %shift_left3A_808 = arith.constant 13 : i32
      %shift_left3A_809 = vector.broadcast %shift_left3A_808 : i32 to vector<16xi32>
      %shift_left3A_810 = arith.shli %add3A_807, %shift_left3A_809 : vector<16xi32>
      %broadcast_in_dim3A_811 = arith.constant 19 : i32
      %broadcast_in_dim3A_812 = vector.broadcast %broadcast_in_dim3A_811 : i32 to vector<16xi32>
      %shift_right_logical3A_813 = arith.shrui %add3A_807, %broadcast_in_dim3A_812 : vector<16xi32>
      %or3A_814 = arith.ori %shift_left3A_810, %shift_right_logical3A_813 : vector<16xi32>
      %mul3A_815 = arith.constant -1640531535 : i32
      %mul3A_816 = vector.broadcast %mul3A_815 : i32 to vector<16xi32>
      %mul3A_817 = arith.muli %or3A_814, %mul3A_816 : vector<16xi32>
      %mul3A_818 = arith.constant -2048144777 : i32
      %mul3A_819 = vector.broadcast %mul3A_818 : i32 to vector<16xi32>
      %mul3A_820 = arith.muli %bitcast3A_655, %mul3A_819 : vector<16xi32>
      %add3A_821 = arith.addi %mul3A_817, %mul3A_820 : vector<16xi32>
      %shift_left3A_822 = arith.constant 13 : i32
      %shift_left3A_823 = vector.broadcast %shift_left3A_822 : i32 to vector<16xi32>
      %shift_left3A_824 = arith.shli %add3A_821, %shift_left3A_823 : vector<16xi32>
      %broadcast_in_dim3A_825 = arith.constant 19 : i32
      %broadcast_in_dim3A_826 = vector.broadcast %broadcast_in_dim3A_825 : i32 to vector<16xi32>
      %shift_right_logical3A_827 = arith.shrui %add3A_821, %broadcast_in_dim3A_826 : vector<16xi32>
      %or3A_828 = arith.ori %shift_left3A_824, %shift_right_logical3A_827 : vector<16xi32>
      %mul3A_829 = arith.constant -1640531535 : i32
      %mul3A_830 = vector.broadcast %mul3A_829 : i32 to vector<16xi32>
      %mul3A_831 = arith.muli %or3A_828, %mul3A_830 : vector<16xi32>
      %broadcast_in_dim3A_832 = arith.constant 1 : i32
      %broadcast_in_dim3A_833 = vector.broadcast %broadcast_in_dim3A_832 : i32 to vector<16xi32>
      %mul3A_834 = arith.constant -2048144777 : i32
      %mul3A_835 = vector.broadcast %mul3A_834 : i32 to vector<16xi32>
      %mul3A_836 = arith.muli %bitcast3A_663, %mul3A_835 : vector<16xi32>
      %add3A_837 = arith.addi %broadcast_in_dim3A_833, %mul3A_836 : vector<16xi32>
      %shift_left3A_838 = arith.constant 13 : i32
      %shift_left3A_839 = vector.broadcast %shift_left3A_838 : i32 to vector<16xi32>
      %shift_left3A_840 = arith.shli %add3A_837, %shift_left3A_839 : vector<16xi32>
      %broadcast_in_dim3A_841 = arith.constant 19 : i32
      %broadcast_in_dim3A_842 = vector.broadcast %broadcast_in_dim3A_841 : i32 to vector<16xi32>
      %shift_right_logical3A_843 = arith.shrui %add3A_837, %broadcast_in_dim3A_842 : vector<16xi32>
      %or3A_844 = arith.ori %shift_left3A_840, %shift_right_logical3A_843 : vector<16xi32>
      %mul3A_845 = arith.constant -1640531535 : i32
      %mul3A_846 = vector.broadcast %mul3A_845 : i32 to vector<16xi32>
      %mul3A_847 = arith.muli %or3A_844, %mul3A_846 : vector<16xi32>
      %mul3A_848 = arith.constant -2048144777 : i32
      %mul3A_849 = vector.broadcast %mul3A_848 : i32 to vector<16xi32>
      %mul3A_850 = arith.muli %bitcast3A_671, %mul3A_849 : vector<16xi32>
      %add3A_851 = arith.addi %mul3A_847, %mul3A_850 : vector<16xi32>
      %shift_left3A_852 = arith.constant 13 : i32
      %shift_left3A_853 = vector.broadcast %shift_left3A_852 : i32 to vector<16xi32>
      %shift_left3A_854 = arith.shli %add3A_851, %shift_left3A_853 : vector<16xi32>
      %broadcast_in_dim3A_855 = arith.constant 19 : i32
      %broadcast_in_dim3A_856 = vector.broadcast %broadcast_in_dim3A_855 : i32 to vector<16xi32>
      %shift_right_logical3A_857 = arith.shrui %add3A_851, %broadcast_in_dim3A_856 : vector<16xi32>
      %or3A_858 = arith.ori %shift_left3A_854, %shift_right_logical3A_857 : vector<16xi32>
      %mul3A_859 = arith.constant -1640531535 : i32
      %mul3A_860 = vector.broadcast %mul3A_859 : i32 to vector<16xi32>
      %mul3A_861 = arith.muli %or3A_858, %mul3A_860 : vector<16xi32>
      %mul3A_862 = arith.constant -2048144777 : i32
      %mul3A_863 = vector.broadcast %mul3A_862 : i32 to vector<16xi32>
      %mul3A_864 = arith.muli %bitcast3A_679, %mul3A_863 : vector<16xi32>
      %add3A_865 = arith.addi %mul3A_861, %mul3A_864 : vector<16xi32>
      %shift_left3A_866 = arith.constant 13 : i32
      %shift_left3A_867 = vector.broadcast %shift_left3A_866 : i32 to vector<16xi32>
      %shift_left3A_868 = arith.shli %add3A_865, %shift_left3A_867 : vector<16xi32>
      %broadcast_in_dim3A_869 = arith.constant 19 : i32
      %broadcast_in_dim3A_870 = vector.broadcast %broadcast_in_dim3A_869 : i32 to vector<16xi32>
      %shift_right_logical3A_871 = arith.shrui %add3A_865, %broadcast_in_dim3A_870 : vector<16xi32>
      %or3A_872 = arith.ori %shift_left3A_868, %shift_right_logical3A_871 : vector<16xi32>
      %mul3A_873 = arith.constant -1640531535 : i32
      %mul3A_874 = vector.broadcast %mul3A_873 : i32 to vector<16xi32>
      %mul3A_875 = arith.muli %or3A_872, %mul3A_874 : vector<16xi32>
      %mul3A_876 = arith.constant -2048144777 : i32
      %mul3A_877 = vector.broadcast %mul3A_876 : i32 to vector<16xi32>
      %mul3A_878 = arith.muli %bitcast3A_687, %mul3A_877 : vector<16xi32>
      %add3A_879 = arith.addi %mul3A_875, %mul3A_878 : vector<16xi32>
      %shift_left3A_880 = arith.constant 13 : i32
      %shift_left3A_881 = vector.broadcast %shift_left3A_880 : i32 to vector<16xi32>
      %shift_left3A_882 = arith.shli %add3A_879, %shift_left3A_881 : vector<16xi32>
      %broadcast_in_dim3A_883 = arith.constant 19 : i32
      %broadcast_in_dim3A_884 = vector.broadcast %broadcast_in_dim3A_883 : i32 to vector<16xi32>
      %shift_right_logical3A_885 = arith.shrui %add3A_879, %broadcast_in_dim3A_884 : vector<16xi32>
      %or3A_886 = arith.ori %shift_left3A_882, %shift_right_logical3A_885 : vector<16xi32>
      %mul3A_887 = arith.constant -1640531535 : i32
      %mul3A_888 = vector.broadcast %mul3A_887 : i32 to vector<16xi32>
      %mul3A_889 = arith.muli %or3A_886, %mul3A_888 : vector<16xi32>
      %broadcast_in_dim3A_890 = arith.constant 1640531536 : i32
      %broadcast_in_dim3A_891 = vector.broadcast %broadcast_in_dim3A_890 : i32 to vector<16xi32>
      %mul3A_892 = arith.constant -2048144777 : i32
      %mul3A_893 = vector.broadcast %mul3A_892 : i32 to vector<16xi32>
      %mul3A_894 = arith.muli %bitcast3A_695, %mul3A_893 : vector<16xi32>
      %add3A_895 = arith.addi %broadcast_in_dim3A_891, %mul3A_894 : vector<16xi32>
      %shift_left3A_896 = arith.constant 13 : i32
      %shift_left3A_897 = vector.broadcast %shift_left3A_896 : i32 to vector<16xi32>
      %shift_left3A_898 = arith.shli %add3A_895, %shift_left3A_897 : vector<16xi32>
      %broadcast_in_dim3A_899 = arith.constant 19 : i32
      %broadcast_in_dim3A_900 = vector.broadcast %broadcast_in_dim3A_899 : i32 to vector<16xi32>
      %shift_right_logical3A_901 = arith.shrui %add3A_895, %broadcast_in_dim3A_900 : vector<16xi32>
      %or3A_902 = arith.ori %shift_left3A_898, %shift_right_logical3A_901 : vector<16xi32>
      %mul3A_903 = arith.constant -1640531535 : i32
      %mul3A_904 = vector.broadcast %mul3A_903 : i32 to vector<16xi32>
      %mul3A_905 = arith.muli %or3A_902, %mul3A_904 : vector<16xi32>
      %mul3A_906 = arith.constant -2048144777 : i32
      %mul3A_907 = vector.broadcast %mul3A_906 : i32 to vector<16xi32>
      %mul3A_908 = arith.muli %bitcast3A_703, %mul3A_907 : vector<16xi32>
      %add3A_909 = arith.addi %mul3A_905, %mul3A_908 : vector<16xi32>
      %shift_left3A_910 = arith.constant 13 : i32
      %shift_left3A_911 = vector.broadcast %shift_left3A_910 : i32 to vector<16xi32>
      %shift_left3A_912 = arith.shli %add3A_909, %shift_left3A_911 : vector<16xi32>
      %broadcast_in_dim3A_913 = arith.constant 19 : i32
      %broadcast_in_dim3A_914 = vector.broadcast %broadcast_in_dim3A_913 : i32 to vector<16xi32>
      %shift_right_logical3A_915 = arith.shrui %add3A_909, %broadcast_in_dim3A_914 : vector<16xi32>
      %or3A_916 = arith.ori %shift_left3A_912, %shift_right_logical3A_915 : vector<16xi32>
      %mul3A_917 = arith.constant -1640531535 : i32
      %mul3A_918 = vector.broadcast %mul3A_917 : i32 to vector<16xi32>
      %mul3A_919 = arith.muli %or3A_916, %mul3A_918 : vector<16xi32>
      %mul3A_920 = arith.constant -2048144777 : i32
      %mul3A_921 = vector.broadcast %mul3A_920 : i32 to vector<16xi32>
      %mul3A_922 = arith.muli %bitcast3A_711, %mul3A_921 : vector<16xi32>
      %add3A_923 = arith.addi %mul3A_919, %mul3A_922 : vector<16xi32>
      %shift_left3A_924 = arith.constant 13 : i32
      %shift_left3A_925 = vector.broadcast %shift_left3A_924 : i32 to vector<16xi32>
      %shift_left3A_926 = arith.shli %add3A_923, %shift_left3A_925 : vector<16xi32>
      %broadcast_in_dim3A_927 = arith.constant 19 : i32
      %broadcast_in_dim3A_928 = vector.broadcast %broadcast_in_dim3A_927 : i32 to vector<16xi32>
      %shift_right_logical3A_929 = arith.shrui %add3A_923, %broadcast_in_dim3A_928 : vector<16xi32>
      %or3A_930 = arith.ori %shift_left3A_926, %shift_right_logical3A_929 : vector<16xi32>
      %mul3A_931 = arith.constant -1640531535 : i32
      %mul3A_932 = vector.broadcast %mul3A_931 : i32 to vector<16xi32>
      %mul3A_933 = arith.muli %or3A_930, %mul3A_932 : vector<16xi32>
      %mul3A_934 = arith.constant -2048144777 : i32
      %mul3A_935 = vector.broadcast %mul3A_934 : i32 to vector<16xi32>
      %mul3A_936 = arith.muli %bitcast3A_719, %mul3A_935 : vector<16xi32>
      %add3A_937 = arith.addi %mul3A_933, %mul3A_936 : vector<16xi32>
      %shift_left3A_938 = arith.constant 13 : i32
      %shift_left3A_939 = vector.broadcast %shift_left3A_938 : i32 to vector<16xi32>
      %shift_left3A_940 = arith.shli %add3A_937, %shift_left3A_939 : vector<16xi32>
      %broadcast_in_dim3A_941 = arith.constant 19 : i32
      %broadcast_in_dim3A_942 = vector.broadcast %broadcast_in_dim3A_941 : i32 to vector<16xi32>
      %shift_right_logical3A_943 = arith.shrui %add3A_937, %broadcast_in_dim3A_942 : vector<16xi32>
      %or3A_944 = arith.ori %shift_left3A_940, %shift_right_logical3A_943 : vector<16xi32>
      %mul3A_945 = arith.constant -1640531535 : i32
      %mul3A_946 = vector.broadcast %mul3A_945 : i32 to vector<16xi32>
      %mul3A_947 = arith.muli %or3A_944, %mul3A_946 : vector<16xi32>
      %shift_left3A_948 = arith.constant 1 : i32
      %shift_left3A_949 = vector.broadcast %shift_left3A_948 : i32 to vector<16xi32>
      %shift_left3A_950 = arith.shli %mul3A_773, %shift_left3A_949 : vector<16xi32>
      %broadcast_in_dim3A_951 = arith.constant 31 : i32
      %broadcast_in_dim3A_952 = vector.broadcast %broadcast_in_dim3A_951 : i32 to vector<16xi32>
      %shift_right_logical3A_953 = arith.shrui %mul3A_773, %broadcast_in_dim3A_952 : vector<16xi32>
      %or3A_954 = arith.ori %shift_left3A_950, %shift_right_logical3A_953 : vector<16xi32>
      %shift_left3A_955 = arith.constant 7 : i32
      %shift_left3A_956 = vector.broadcast %shift_left3A_955 : i32 to vector<16xi32>
      %shift_left3A_957 = arith.shli %mul3A_831, %shift_left3A_956 : vector<16xi32>
      %broadcast_in_dim3A_958 = arith.constant 25 : i32
      %broadcast_in_dim3A_959 = vector.broadcast %broadcast_in_dim3A_958 : i32 to vector<16xi32>
      %shift_right_logical3A_960 = arith.shrui %mul3A_831, %broadcast_in_dim3A_959 : vector<16xi32>
      %or3A_961 = arith.ori %shift_left3A_957, %shift_right_logical3A_960 : vector<16xi32>
      %add3A_962 = arith.addi %or3A_954, %or3A_961 : vector<16xi32>
      %shift_left3A_963 = arith.constant 12 : i32
      %shift_left3A_964 = vector.broadcast %shift_left3A_963 : i32 to vector<16xi32>
      %shift_left3A_965 = arith.shli %mul3A_889, %shift_left3A_964 : vector<16xi32>
      %broadcast_in_dim3A_966 = arith.constant 20 : i32
      %broadcast_in_dim3A_967 = vector.broadcast %broadcast_in_dim3A_966 : i32 to vector<16xi32>
      %shift_right_logical3A_968 = arith.shrui %mul3A_889, %broadcast_in_dim3A_967 : vector<16xi32>
      %or3A_969 = arith.ori %shift_left3A_965, %shift_right_logical3A_968 : vector<16xi32>
      %add3A_970 = arith.addi %add3A_962, %or3A_969 : vector<16xi32>
      %shift_left3A_971 = arith.constant 18 : i32
      %shift_left3A_972 = vector.broadcast %shift_left3A_971 : i32 to vector<16xi32>
      %shift_left3A_973 = arith.shli %mul3A_947, %shift_left3A_972 : vector<16xi32>
      %broadcast_in_dim3A_974 = arith.constant 14 : i32
      %broadcast_in_dim3A_975 = vector.broadcast %broadcast_in_dim3A_974 : i32 to vector<16xi32>
      %shift_right_logical3A_976 = arith.shrui %mul3A_947, %broadcast_in_dim3A_975 : vector<16xi32>
      %or3A_977 = arith.ori %shift_left3A_973, %shift_right_logical3A_976 : vector<16xi32>
      %add3A_978 = arith.addi %add3A_970, %or3A_977 : vector<16xi32>
      %add3A_979 = arith.constant 4 : i32
      %add3A_980 = vector.broadcast %add3A_979 : i32 to vector<16xi32>
      %add3A_981 = arith.addi %add3A_978, %add3A_980 : vector<16xi32>
      %broadcast_in_dim3A_982 = arith.constant 15 : i32
      %broadcast_in_dim3A_983 = vector.broadcast %broadcast_in_dim3A_982 : i32 to vector<16xi32>
      %shift_right_logical3A_984 = arith.shrui %add3A_981, %broadcast_in_dim3A_983 : vector<16xi32>
      %xor3A = arith.xori %add3A_981, %shift_right_logical3A_984 : vector<16xi32>
      %mul3A_985 = arith.constant -2048144777 : i32
      %mul3A_986 = vector.broadcast %mul3A_985 : i32 to vector<16xi32>
      %mul3A_987 = arith.muli %xor3A, %mul3A_986 : vector<16xi32>
      %broadcast_in_dim3A_988 = arith.constant 13 : i32
      %broadcast_in_dim3A_989 = vector.broadcast %broadcast_in_dim3A_988 : i32 to vector<16xi32>
      %shift_right_logical3A_990 = arith.shrui %mul3A_987, %broadcast_in_dim3A_989 : vector<16xi32>
      %xor3A_991 = arith.xori %mul3A_987, %shift_right_logical3A_990 : vector<16xi32>
      %mul3A_992 = arith.constant -1028477379 : i32
      %mul3A_993 = vector.broadcast %mul3A_992 : i32 to vector<16xi32>
      %mul3A_994 = arith.muli %xor3A_991, %mul3A_993 : vector<16xi32>
      %broadcast_in_dim3A_995 = arith.constant 16 : i32
      %broadcast_in_dim3A_996 = vector.broadcast %broadcast_in_dim3A_995 : i32 to vector<16xi32>
      %shift_right_logical3A_997 = arith.shrui %mul3A_994, %broadcast_in_dim3A_996 : vector<16xi32>
      %xor3A_998 = arith.xori %mul3A_994, %shift_right_logical3A_997 : vector<16xi32>
      %mul3A_999 = arith.constant 16 : i32
      %mul3A_1000 = arith.muli %scan3A_587, %mul3A_999 : i32
      %multiple_of3A_1001 = tpu.assume_multiple %mul3A_1000, 8 : i32
      %broadcast_in_dim3A_1002 = arith.constant 13 : i32
      %broadcast_in_dim3A_1003 = vector.broadcast %broadcast_in_dim3A_1002 : i32 to vector<16xi32>
      %shift_right_logical3A_1004 = arith.shrui %xor3A_998, %broadcast_in_dim3A_1003 : vector<16xi32>
      %and3A_1005 = arith.constant -128 : i32
      %and3A_1006 = vector.broadcast %and3A_1005 : i32 to vector<16xi32>
      %and3A_1007 = arith.andi %shift_right_logical3A_1004, %and3A_1006 : vector<16xi32>
      %broadcast_in_dim3A_1008 = arith.constant 11 : i32
      %broadcast_in_dim3A_1009 = vector.broadcast %broadcast_in_dim3A_1008 : i32 to vector<16xi32>
      %shift_right_logical3A_1010 = arith.shrui %xor3A_998, %broadcast_in_dim3A_1009 : vector<16xi32>
      %and3A_1011 = arith.constant 127 : i32
      %and3A_1012 = vector.broadcast %and3A_1011 : i32 to vector<16xi32>
      %and3A_1013 = arith.andi %shift_right_logical3A_1010, %and3A_1012 : vector<16xi32>
      %or3A_1014 = arith.ori %and3A_1007, %and3A_1013 : vector<16xi32>
      %add3A_1015 = vector.broadcast %mul3A_4 : i32 to vector<16xi32>
      %add3A_1016 = arith.addi %or3A_1014, %add3A_1015 : vector<16xi32>
      %swap3A = arith.constant 0 : i32
      %swap3A_1017 = arith.index_cast %swap3A : i32 to index
      %swap3A_1018 = arith.index_cast %multiple_of3A_1001 : i32 to index
      %swap3A_1019 = tpu.vector_load %arg10[%swap3A_1017, %swap3A_1018] {strides = array<i32>} : memref<2x2048xi32, #tpu.memory_space<vmem>>, vector<16xi32>,
      tpu.vector_store %arg10[%swap3A_1017, %swap3A_1018], %add3A_1016 {strides = array<i32>} : memref<2x2048xi32, #tpu.memory_space<vmem>>, vector<16xi32>,
      %broadcast_in_dim3A_1020 = arith.constant 15 : i32
      %broadcast_in_dim3A_1021 = vector.broadcast %broadcast_in_dim3A_1020 : i32 to vector<16xi32>
      %shift_right_logical3A_1022 = arith.shrui %xor3A_998, %broadcast_in_dim3A_1021 : vector<16xi32>
      %and3A_1023 = arith.constant 24 : i32
      %and3A_1024 = vector.broadcast %and3A_1023 : i32 to vector<16xi32>
      %and3A_1025 = arith.andi %shift_right_logical3A_1022, %and3A_1024 : vector<16xi32>
      %broadcast_in_dim3A_1026 = arith.constant 8 : i32
      %broadcast_in_dim3A_1027 = vector.broadcast %broadcast_in_dim3A_1026 : i32 to vector<16xi32>
      %shift_right_logical3A_1028 = arith.shrui %xor3A_998, %broadcast_in_dim3A_1027 : vector<16xi32>
      %and3A_1029 = arith.constant 7 : i32
      %and3A_1030 = vector.broadcast %and3A_1029 : i32 to vector<16xi32>
      %and3A_1031 = arith.andi %shift_right_logical3A_1028, %and3A_1030 : vector<16xi32>
      %or3A_1032 = arith.ori %and3A_1025, %and3A_1031 : vector<16xi32>
      %swap3A_1033 = arith.constant 0 : i32
      %swap3A_1034 = arith.index_cast %swap3A_1033 : i32 to index
      %swap3A_1035 = arith.index_cast %multiple_of3A_1001 : i32 to index
      %swap3A_1036 = tpu.vector_load %arg11[%swap3A_1034, %swap3A_1035] {strides = array<i32>} : memref<2x2048xi32, #tpu.memory_space<vmem>>, vector<16xi32>,
      tpu.vector_store %arg11[%swap3A_1034, %swap3A_1035], %or3A_1032 {strides = array<i32>} : memref<2x2048xi32, #tpu.memory_space<vmem>>, vector<16xi32>,
    }
    %scan3A_205 = arith.constant 128 : i32
    %add3A_206 = arith.constant 4096 : i32
    %add3A_207 = arith.addi %mul3A_2, %add3A_206 : i32
    %jit3A_208 = arith.constant 128 : i32
    %div3A_209 = arith.divsi %add3A_207, %jit3A_208 : i32
    %sign3A_210 = arith.constant 0 : i32
    %sign3A_211 = arith.cmpi sgt, %add3A_207, %sign3A_210 : i32
    %sign3A_212 = arith.extui %sign3A_211 : i1 to i32
    %sign3A_213 = arith.constant 0 : i32
    %sign3A_214 = arith.cmpi slt, %add3A_207, %sign3A_213 : i32
    %sign3A_215 = arith.extui %sign3A_214 : i1 to i32
    %sign3A_216 = arith.subi %sign3A_212, %sign3A_215 : i32
    %sign3A_217 = arith.constant 0 : i32
    %sign3A_218 = arith.cmpi sgt, %jit3A_208, %sign3A_217 : i32
    %sign3A_219 = arith.extui %sign3A_218 : i1 to i32
    %sign3A_220 = arith.constant 0 : i32
    %sign3A_221 = arith.cmpi slt, %jit3A_208, %sign3A_220 : i32
    %sign3A_222 = arith.extui %sign3A_221 : i1 to i32
    %sign3A_223 = arith.subi %sign3A_219, %sign3A_222 : i32
    %ne3A_224 = arith.cmpi ne, %sign3A_216, %sign3A_223 : i32
    %rem3A_225 = arith.remsi %add3A_207, %jit3A_208 : i32
    %ne3A_226 = arith.constant 0 : i32
    %ne3A_227 = arith.cmpi ne, %rem3A_225, %ne3A_226 : i32
    %and3A_228 = arith.andi %ne3A_224, %ne3A_227 : i1
    %sub3A_229 = arith.constant 1 : i32
    %sub3A_230 = arith.subi %div3A_209, %sub3A_229 : i32
    %select_n3A_231 = arith.select %and3A_228, %sub3A_230, %div3A_209 : i32
    %multiple_of3A_232 = tpu.assume_multiple %select_n3A_231, 8 : i32
    %dma_start3A_233 = arith.constant 0 : i32
    %dma_start3A_234 = arith.constant 0 : i32
    %dma_start3A_235 = arith.constant 0 : i32
    %dma_start3A_236 = arith.constant 0 : i32
    %dma_start3A_237 = arith.constant 0 : i32
    %dma_start3A_238 = tpu.memref_slice %arg8[%dma_start3A_234, %dma_start3A_235, %dma_start3A_236, %dma_start3A_237] : memref<2x16x8x128xf32, #tpu.memory_space<vmem>> -> memref<1x16x8x128xf32, #tpu.memory_space<vmem>>
    %dma_start3A_239 = tpu.memref_squeeze %dma_start3A_238 : memref<1x16x8x128xf32, #tpu.memory_space<vmem>> -> memref<16x8x128xf32, #tpu.memory_space<vmem>>
    %dma_start3A_240 = arith.constant 0 : i32
    %dma_start3A_241 = arith.constant 0 : i32
    %dma_start3A_242 = tpu.memref_slice %arg2[%dma_start3A_233, %multiple_of3A_232, %dma_start3A_240, %dma_start3A_241] : memref<2x8192x8x128xf32, #tpu.memory_space<hbm>> -> memref<1x16x8x128xf32, #tpu.memory_space<hbm>>
    %dma_start3A_243 = tpu.memref_squeeze %dma_start3A_242 : memref<1x16x8x128xf32, #tpu.memory_space<hbm>> -> memref<16x8x128xf32, #tpu.memory_space<hbm>>
    %dma_start3A_244 = arith.constant 0 : i32
    %dma_start3A_245 = arith.constant 0 : i32
    %dma_start3A_246 = arith.constant 0 : i32
    %dma_start3A_247 = tpu.memref_slice %arg8[%dma_start3A_234, %dma_start3A_244, %dma_start3A_245, %dma_start3A_246] : memref<2x16x8x128xf32, #tpu.memory_space<vmem>> -> memref<1x16x8x128xf32, #tpu.memory_space<vmem>>
    %dma_start3A_248 = tpu.memref_squeeze %dma_start3A_247 : memref<1x16x8x128xf32, #tpu.memory_space<vmem>> -> memref<16x8x128xf32, #tpu.memory_space<vmem>>
    %dma_start3A_249 = arith.constant 0 : i32
    %dma_start3A_250 = arith.constant 0 : i32
    %dma_start3A_251 = tpu.memref_slice %arg2[%dma_start3A_233, %multiple_of3A_232, %dma_start3A_249, %dma_start3A_250] : memref<2x8192x8x128xf32, #tpu.memory_space<hbm>> -> memref<1x16x8x128xf32, #tpu.memory_space<hbm>>
    %dma_start3A_252 = tpu.memref_squeeze %dma_start3A_251 : memref<1x16x8x128xf32, #tpu.memory_space<hbm>> -> memref<16x8x128xf32, #tpu.memory_space<hbm>>
    tpu.enqueue_dma source(%dma_start3A_252 : memref<16x8x128xf32, #tpu.memory_space<hbm>>) target(%dma_start3A_248 : memref<16x8x128xf32, #tpu.memory_space<vmem>>) target_semaphore(%arg14 : memref<!tpu.dma_semaphore, #tpu.memory_space<semaphore_mem>>)
    %dma_start3A_253 = arith.constant 1 : i32
    %dma_start3A_254 = arith.constant 0 : i32
    %dma_start3A_255 = arith.constant 0 : i32
    %dma_start3A_256 = arith.constant 0 : i32
    %dma_start3A_257 = arith.constant 0 : i32
    %dma_start3A_258 = tpu.memref_slice %arg9[%dma_start3A_254, %dma_start3A_255, %dma_start3A_256, %dma_start3A_257] : memref<2x16x8x128xf32, #tpu.memory_space<vmem>> -> memref<1x16x8x128xf32, #tpu.memory_space<vmem>>
    %dma_start3A_259 = tpu.memref_squeeze %dma_start3A_258 : memref<1x16x8x128xf32, #tpu.memory_space<vmem>> -> memref<16x8x128xf32, #tpu.memory_space<vmem>>
    %dma_start3A_260 = arith.constant 0 : i32
    %dma_start3A_261 = arith.constant 0 : i32
    %dma_start3A_262 = tpu.memref_slice %arg2[%dma_start3A_253, %multiple_of3A_232, %dma_start3A_260, %dma_start3A_261] : memref<2x8192x8x128xf32, #tpu.memory_space<hbm>> -> memref<1x16x8x128xf32, #tpu.memory_space<hbm>>
    %dma_start3A_263 = tpu.memref_squeeze %dma_start3A_262 : memref<1x16x8x128xf32, #tpu.memory_space<hbm>> -> memref<16x8x128xf32, #tpu.memory_space<hbm>>
    %dma_start3A_264 = arith.constant 0 : i32
    %dma_start3A_265 = arith.constant 0 : i32
    %dma_start3A_266 = arith.constant 0 : i32
    %dma_start3A_267 = tpu.memref_slice %arg9[%dma_start3A_254, %dma_start3A_264, %dma_start3A_265, %dma_start3A_266] : memref<2x16x8x128xf32, #tpu.memory_space<vmem>> -> memref<1x16x8x128xf32, #tpu.memory_space<vmem>>
    %dma_start3A_268 = tpu.memref_squeeze %dma_start3A_267 : memref<1x16x8x128xf32, #tpu.memory_space<vmem>> -> memref<16x8x128xf32, #tpu.memory_space<vmem>>
    %dma_start3A_269 = arith.constant 0 : i32
    %dma_start3A_270 = arith.constant 0 : i32
    %dma_start3A_271 = tpu.memref_slice %arg2[%dma_start3A_253, %multiple_of3A_232, %dma_start3A_269, %dma_start3A_270] : memref<2x8192x8x128xf32, #tpu.memory_space<hbm>> -> memref<1x16x8x128xf32, #tpu.memory_space<hbm>>
    %dma_start3A_272 = tpu.memref_squeeze %dma_start3A_271 : memref<1x16x8x128xf32, #tpu.memory_space<hbm>> -> memref<16x8x128xf32, #tpu.memory_space<hbm>>
    tpu.enqueue_dma source(%dma_start3A_272 : memref<16x8x128xf32, #tpu.memory_space<hbm>>) target(%dma_start3A_268 : memref<16x8x128xf32, #tpu.memory_space<vmem>>) target_semaphore(%arg14 : memref<!tpu.dma_semaphore, #tpu.memory_space<semaphore_mem>>)
    %dma_start3A_273 = arith.constant 0 : i32
    %dma_start3A_274 = arith.constant 0 : i32
    %dma_start3A_275 = tpu.memref_slice %arg12[%dma_start3A_274] : memref<2048xi32, #tpu.memory_space<vmem>> -> memref<128xi32, #tpu.memory_space<vmem>>
    %dma_start3A_276 = arith.constant 0 : i32
    %dma_start3A_277 = tpu.memref_slice %arg10[%dma_start3A_273, %dma_start3A_276] : memref<2x2048xi32, #tpu.memory_space<vmem>> -> memref<1x128xi32, #tpu.memory_space<vmem>>
    %dma_start3A_278 = tpu.memref_squeeze %dma_start3A_277 : memref<1x128xi32, #tpu.memory_space<vmem>> -> memref<128xi32, #tpu.memory_space<vmem>>
    %dma_start3A_279 = arith.constant 0 : i32
    %dma_start3A_280 = tpu.memref_slice %arg5[%dma_start3A_279] : memref<1048576xi32, #tpu.memory_space<hbm>> -> memref<1048576xi32, #tpu.memory_space<hbm>>
    tpu.enqueue_indirect_dma source(%dma_start3A_280 : memref<1048576xi32, #tpu.memory_space<hbm>>) target(%dma_start3A_275 : memref<128xi32, #tpu.memory_space<vmem>>) offsets(%dma_start3A_278 : memref<128xi32, #tpu.memory_space<vmem>>) semaphore(%arg15 : memref<!tpu.dma_semaphore, #tpu.memory_space<semaphore_mem>>)
    %dma_start3A_281 = arith.constant 0 : i32
    %dma_start3A_282 = arith.constant 128 : i32
    %dma_start3A_283 = tpu.memref_slice %arg12[%dma_start3A_282] : memref<2048xi32, #tpu.memory_space<vmem>> -> memref<128xi32, #tpu.memory_space<vmem>>
    %dma_start3A_284 = arith.constant 128 : i32
    %dma_start3A_285 = tpu.memref_slice %arg10[%dma_start3A_281, %dma_start3A_284] : memref<2x2048xi32, #tpu.memory_space<vmem>> -> memref<1x128xi32, #tpu.memory_space<vmem>>
    %dma_start3A_286 = tpu.memref_squeeze %dma_start3A_285 : memref<1x128xi32, #tpu.memory_space<vmem>> -> memref<128xi32, #tpu.memory_space<vmem>>
    %dma_start3A_287 = arith.constant 0 : i32
    %dma_start3A_288 = tpu.memref_slice %arg5[%dma_start3A_287] : memref<1048576xi32, #tpu.memory_space<hbm>> -> memref<1048576xi32, #tpu.memory_space<hbm>>
    tpu.enqueue_indirect_dma source(%dma_start3A_288 : memref<1048576xi32, #tpu.memory_space<hbm>>) target(%dma_start3A_283 : memref<128xi32, #tpu.memory_space<vmem>>) offsets(%dma_start3A_286 : memref<128xi32, #tpu.memory_space<vmem>>) semaphore(%arg15 : memref<!tpu.dma_semaphore, #tpu.memory_space<semaphore_mem>>)
    %dma_start3A_289 = arith.constant 0 : i32
    %dma_start3A_290 = arith.constant 256 : i32
    %dma_start3A_291 = tpu.memref_slice %arg12[%dma_start3A_290] : memref<2048xi32, #tpu.memory_space<vmem>> -> memref<128xi32, #tpu.memory_space<vmem>>
    %dma_start3A_292 = arith.constant 256 : i32
    %dma_start3A_293 = tpu.memref_slice %arg10[%dma_start3A_289, %dma_start3A_292] : memref<2x2048xi32, #tpu.memory_space<vmem>> -> memref<1x128xi32, #tpu.memory_space<vmem>>
    %dma_start3A_294 = tpu.memref_squeeze %dma_start3A_293 : memref<1x128xi32, #tpu.memory_space<vmem>> -> memref<128xi32, #tpu.memory_space<vmem>>
    %dma_start3A_295 = arith.constant 0 : i32
    %dma_start3A_296 = tpu.memref_slice %arg5[%dma_start3A_295] : memref<1048576xi32, #tpu.memory_space<hbm>> -> memref<1048576xi32, #tpu.memory_space<hbm>>
    tpu.enqueue_indirect_dma source(%dma_start3A_296 : memref<1048576xi32, #tpu.memory_space<hbm>>) target(%dma_start3A_291 : memref<128xi32, #tpu.memory_space<vmem>>) offsets(%dma_start3A_294 : memref<128xi32, #tpu.memory_space<vmem>>) semaphore(%arg15 : memref<!tpu.dma_semaphore, #tpu.memory_space<semaphore_mem>>)
    %dma_start3A_297 = arith.constant 0 : i32
    %dma_start3A_298 = arith.constant 384 : i32
    %dma_start3A_299 = tpu.memref_slice %arg12[%dma_start3A_298] : memref<2048xi32, #tpu.memory_space<vmem>> -> memref<128xi32, #tpu.memory_space<vmem>>
    %dma_start3A_300 = arith.constant 384 : i32
    %dma_start3A_301 = tpu.memref_slice %arg10[%dma_start3A_297, %dma_start3A_300] : memref<2x2048xi32, #tpu.memory_space<vmem>> -> memref<1x128xi32, #tpu.memory_space<vmem>>
    %dma_start3A_302 = tpu.memref_squeeze %dma_start3A_301 : memref<1x128xi32, #tpu.memory_space<vmem>> -> memref<128xi32, #tpu.memory_space<vmem>>
    %dma_start3A_303 = arith.constant 0 : i32
    %dma_start3A_304 = tpu.memref_slice %arg5[%dma_start3A_303] : memref<1048576xi32, #tpu.memory_space<hbm>> -> memref<1048576xi32, #tpu.memory_space<hbm>>
    tpu.enqueue_indirect_dma source(%dma_start3A_304 : memref<1048576xi32, #tpu.memory_space<hbm>>) target(%dma_start3A_299 : memref<128xi32, #tpu.memory_space<vmem>>) offsets(%dma_start3A_302 : memref<128xi32, #tpu.memory_space<vmem>>) semaphore(%arg15 : memref<!tpu.dma_semaphore, #tpu.memory_space<semaphore_mem>>)
    %dma_start3A_305 = arith.constant 0 : i32
    %dma_start3A_306 = arith.constant 512 : i32
    %dma_start3A_307 = tpu.memref_slice %arg12[%dma_start3A_306] : memref<2048xi32, #tpu.memory_space<vmem>> -> memref<128xi32, #tpu.memory_space<vmem>>
    %dma_start3A_308 = arith.constant 512 : i32
    %dma_start3A_309 = tpu.memref_slice %arg10[%dma_start3A_305, %dma_start3A_308] : memref<2x2048xi32, #tpu.memory_space<vmem>> -> memref<1x128xi32, #tpu.memory_space<vmem>>
    %dma_start3A_310 = tpu.memref_squeeze %dma_start3A_309 : memref<1x128xi32, #tpu.memory_space<vmem>> -> memref<128xi32, #tpu.memory_space<vmem>>
    %dma_start3A_311 = arith.constant 0 : i32
    %dma_start3A_312 = tpu.memref_slice %arg5[%dma_start3A_311] : memref<1048576xi32, #tpu.memory_space<hbm>> -> memref<1048576xi32, #tpu.memory_space<hbm>>
    tpu.enqueue_indirect_dma source(%dma_start3A_312 : memref<1048576xi32, #tpu.memory_space<hbm>>) target(%dma_start3A_307 : memref<128xi32, #tpu.memory_space<vmem>>) offsets(%dma_start3A_310 : memref<128xi32, #tpu.memory_space<vmem>>) semaphore(%arg15 : memref<!tpu.dma_semaphore, #tpu.memory_space<semaphore_mem>>)
    %dma_start3A_313 = arith.constant 0 : i32
    %dma_start3A_314 = arith.constant 640 : i32
    %dma_start3A_315 = tpu.memref_slice %arg12[%dma_start3A_314] : memref<2048xi32, #tpu.memory_space<vmem>> -> memref<128xi32, #tpu.memory_space<vmem>>
    %dma_start3A_316 = arith.constant 640 : i32
    %dma_start3A_317 = tpu.memref_slice %arg10[%dma_start3A_313, %dma_start3A_316] : memref<2x2048xi32, #tpu.memory_space<vmem>> -> memref<1x128xi32, #tpu.memory_space<vmem>>
    %dma_start3A_318 = tpu.memref_squeeze %dma_start3A_317 : memref<1x128xi32, #tpu.memory_space<vmem>> -> memref<128xi32, #tpu.memory_space<vmem>>
    %dma_start3A_319 = arith.constant 0 : i32
    %dma_start3A_320 = tpu.memref_slice %arg5[%dma_start3A_319] : memref<1048576xi32, #tpu.memory_space<hbm>> -> memref<1048576xi32, #tpu.memory_space<hbm>>
    tpu.enqueue_indirect_dma source(%dma_start3A_320 : memref<1048576xi32, #tpu.memory_space<hbm>>) target(%dma_start3A_315 : memref<128xi32, #tpu.memory_space<vmem>>) offsets(%dma_start3A_318 : memref<128xi32, #tpu.memory_space<vmem>>) semaphore(%arg15 : memref<!tpu.dma_semaphore, #tpu.memory_space<semaphore_mem>>)
    %dma_start3A_321 = arith.constant 0 : i32
    %dma_start3A_322 = arith.constant 768 : i32
    %dma_start3A_323 = tpu.memref_slice %arg12[%dma_start3A_322] : memref<2048xi32, #tpu.memory_space<vmem>> -> memref<128xi32, #tpu.memory_space<vmem>>
    %dma_start3A_324 = arith.constant 768 : i32
    %dma_start3A_325 = tpu.memref_slice %arg10[%dma_start3A_321, %dma_start3A_324] : memref<2x2048xi32, #tpu.memory_space<vmem>> -> memref<1x128xi32, #tpu.memory_space<vmem>>
    %dma_start3A_326 = tpu.memref_squeeze %dma_start3A_325 : memref<1x128xi32, #tpu.memory_space<vmem>> -> memref<128xi32, #tpu.memory_space<vmem>>
    %dma_start3A_327 = arith.constant 0 : i32
    %dma_start3A_328 = tpu.memref_slice %arg5[%dma_start3A_327] : memref<1048576xi32, #tpu.memory_space<hbm>> -> memref<1048576xi32, #tpu.memory_space<hbm>>
    tpu.enqueue_indirect_dma source(%dma_start3A_328 : memref<1048576xi32, #tpu.memory_space<hbm>>) target(%dma_start3A_323 : memref<128xi32, #tpu.memory_space<vmem>>) offsets(%dma_start3A_326 : memref<128xi32, #tpu.memory_space<vmem>>) semaphore(%arg15 : memref<!tpu.dma_semaphore, #tpu.memory_space<semaphore_mem>>)
    %dma_start3A_329 = arith.constant 0 : i32
    %dma_start3A_330 = arith.constant 896 : i32
    %dma_start3A_331 = tpu.memref_slice %arg12[%dma_start3A_330] : memref<2048xi32, #tpu.memory_space<vmem>> -> memref<128xi32, #tpu.memory_space<vmem>>
    %dma_start3A_332 = arith.constant 896 : i32
    %dma_start3A_333 = tpu.memref_slice %arg10[%dma_start3A_329, %dma_start3A_332] : memref<2x2048xi32, #tpu.memory_space<vmem>> -> memref<1x128xi32, #tpu.memory_space<vmem>>
    %dma_start3A_334 = tpu.memref_squeeze %dma_start3A_333 : memref<1x128xi32, #tpu.memory_space<vmem>> -> memref<128xi32, #tpu.memory_space<vmem>>
    %dma_start3A_335 = arith.constant 0 : i32
    %dma_start3A_336 = tpu.memref_slice %arg5[%dma_start3A_335] : memref<1048576xi32, #tpu.memory_space<hbm>> -> memref<1048576xi32, #tpu.memory_space<hbm>>
    tpu.enqueue_indirect_dma source(%dma_start3A_336 : memref<1048576xi32, #tpu.memory_space<hbm>>) target(%dma_start3A_331 : memref<128xi32, #tpu.memory_space<vmem>>) offsets(%dma_start3A_334 : memref<128xi32, #tpu.memory_space<vmem>>) semaphore(%arg15 : memref<!tpu.dma_semaphore, #tpu.memory_space<semaphore_mem>>)
    %dma_start3A_337 = arith.constant 0 : i32
    %dma_start3A_338 = arith.constant 1024 : i32
    %dma_start3A_339 = tpu.memref_slice %arg12[%dma_start3A_338] : memref<2048xi32, #tpu.memory_space<vmem>> -> memref<128xi32, #tpu.memory_space<vmem>>
    %dma_start3A_340 = arith.constant 1024 : i32
    %dma_start3A_341 = tpu.memref_slice %arg10[%dma_start3A_337, %dma_start3A_340] : memref<2x2048xi32, #tpu.memory_space<vmem>> -> memref<1x128xi32, #tpu.memory_space<vmem>>
    %dma_start3A_342 = tpu.memref_squeeze %dma_start3A_341 : memref<1x128xi32, #tpu.memory_space<vmem>> -> memref<128xi32, #tpu.memory_space<vmem>>
    %dma_start3A_343 = arith.constant 0 : i32
    %dma_start3A_344 = tpu.memref_slice %arg5[%dma_start3A_343] : memref<1048576xi32, #tpu.memory_space<hbm>> -> memref<1048576xi32, #tpu.memory_space<hbm>>
    tpu.enqueue_indirect_dma source(%dma_start3A_344 : memref<1048576xi32, #tpu.memory_space<hbm>>) target(%dma_start3A_339 : memref<128xi32, #tpu.memory_space<vmem>>) offsets(%dma_start3A_342 : memref<128xi32, #tpu.memory_space<vmem>>) semaphore(%arg15 : memref<!tpu.dma_semaphore, #tpu.memory_space<semaphore_mem>>)
    %dma_start3A_345 = arith.constant 0 : i32
    %dma_start3A_346 = arith.constant 1152 : i32
    %dma_start3A_347 = tpu.memref_slice %arg12[%dma_start3A_346] : memref<2048xi32, #tpu.memory_space<vmem>> -> memref<128xi32, #tpu.memory_space<vmem>>
    %dma_start3A_348 = arith.constant 1152 : i32
    %dma_start3A_349 = tpu.memref_slice %arg10[%dma_start3A_345, %dma_start3A_348] : memref<2x2048xi32, #tpu.memory_space<vmem>> -> memref<1x128xi32, #tpu.memory_space<vmem>>
    %dma_start3A_350 = tpu.memref_squeeze %dma_start3A_349 : memref<1x128xi32, #tpu.memory_space<vmem>> -> memref<128xi32, #tpu.memory_space<vmem>>
    %dma_start3A_351 = arith.constant 0 : i32
    %dma_start3A_352 = tpu.memref_slice %arg5[%dma_start3A_351] : memref<1048576xi32, #tpu.memory_space<hbm>> -> memref<1048576xi32, #tpu.memory_space<hbm>>
    tpu.enqueue_indirect_dma source(%dma_start3A_352 : memref<1048576xi32, #tpu.memory_space<hbm>>) target(%dma_start3A_347 : memref<128xi32, #tpu.memory_space<vmem>>) offsets(%dma_start3A_350 : memref<128xi32, #tpu.memory_space<vmem>>) semaphore(%arg15 : memref<!tpu.dma_semaphore, #tpu.memory_space<semaphore_mem>>)
    %dma_start3A_353 = arith.constant 0 : i32
    %dma_start3A_354 = arith.constant 1280 : i32
    %dma_start3A_355 = tpu.memref_slice %arg12[%dma_start3A_354] : memref<2048xi32, #tpu.memory_space<vmem>> -> memref<128xi32, #tpu.memory_space<vmem>>
    %dma_start3A_356 = arith.constant 1280 : i32
    %dma_start3A_357 = tpu.memref_slice %arg10[%dma_start3A_353, %dma_start3A_356] : memref<2x2048xi32, #tpu.memory_space<vmem>> -> memref<1x128xi32, #tpu.memory_space<vmem>>
    %dma_start3A_358 = tpu.memref_squeeze %dma_start3A_357 : memref<1x128xi32, #tpu.memory_space<vmem>> -> memref<128xi32, #tpu.memory_space<vmem>>
    %dma_start3A_359 = arith.constant 0 : i32
    %dma_start3A_360 = tpu.memref_slice %arg5[%dma_start3A_359] : memref<1048576xi32, #tpu.memory_space<hbm>> -> memref<1048576xi32, #tpu.memory_space<hbm>>
    tpu.enqueue_indirect_dma source(%dma_start3A_360 : memref<1048576xi32, #tpu.memory_space<hbm>>) target(%dma_start3A_355 : memref<128xi32, #tpu.memory_space<vmem>>) offsets(%dma_start3A_358 : memref<128xi32, #tpu.memory_space<vmem>>) semaphore(%arg15 : memref<!tpu.dma_semaphore, #tpu.memory_space<semaphore_mem>>)
    %dma_start3A_361 = arith.constant 0 : i32
    %dma_start3A_362 = arith.constant 1408 : i32
    %dma_start3A_363 = tpu.memref_slice %arg12[%dma_start3A_362] : memref<2048xi32, #tpu.memory_space<vmem>> -> memref<128xi32, #tpu.memory_space<vmem>>
    %dma_start3A_364 = arith.constant 1408 : i32
    %dma_start3A_365 = tpu.memref_slice %arg10[%dma_start3A_361, %dma_start3A_364] : memref<2x2048xi32, #tpu.memory_space<vmem>> -> memref<1x128xi32, #tpu.memory_space<vmem>>
    %dma_start3A_366 = tpu.memref_squeeze %dma_start3A_365 : memref<1x128xi32, #tpu.memory_space<vmem>> -> memref<128xi32, #tpu.memory_space<vmem>>
    %dma_start3A_367 = arith.constant 0 : i32
    %dma_start3A_368 = tpu.memref_slice %arg5[%dma_start3A_367] : memref<1048576xi32, #tpu.memory_space<hbm>> -> memref<1048576xi32, #tpu.memory_space<hbm>>
    tpu.enqueue_indirect_dma source(%dma_start3A_368 : memref<1048576xi32, #tpu.memory_space<hbm>>) target(%dma_start3A_363 : memref<128xi32, #tpu.memory_space<vmem>>) offsets(%dma_start3A_366 : memref<128xi32, #tpu.memory_space<vmem>>) semaphore(%arg15 : memref<!tpu.dma_semaphore, #tpu.memory_space<semaphore_mem>>)
    %dma_start3A_369 = arith.constant 0 : i32
    %dma_start3A_370 = arith.constant 1536 : i32
    %dma_start3A_371 = tpu.memref_slice %arg12[%dma_start3A_370] : memref<2048xi32, #tpu.memory_space<vmem>> -> memref<128xi32, #tpu.memory_space<vmem>>
    %dma_start3A_372 = arith.constant 1536 : i32
    %dma_start3A_373 = tpu.memref_slice %arg10[%dma_start3A_369, %dma_start3A_372] : memref<2x2048xi32, #tpu.memory_space<vmem>> -> memref<1x128xi32, #tpu.memory_space<vmem>>
    %dma_start3A_374 = tpu.memref_squeeze %dma_start3A_373 : memref<1x128xi32, #tpu.memory_space<vmem>> -> memref<128xi32, #tpu.memory_space<vmem>>
    %dma_start3A_375 = arith.constant 0 : i32
    %dma_start3A_376 = tpu.memref_slice %arg5[%dma_start3A_375] : memref<1048576xi32, #tpu.memory_space<hbm>> -> memref<1048576xi32, #tpu.memory_space<hbm>>
    tpu.enqueue_indirect_dma source(%dma_start3A_376 : memref<1048576xi32, #tpu.memory_space<hbm>>) target(%dma_start3A_371 : memref<128xi32, #tpu.memory_space<vmem>>) offsets(%dma_start3A_374 : memref<128xi32, #tpu.memory_space<vmem>>) semaphore(%arg15 : memref<!tpu.dma_semaphore, #tpu.memory_space<semaphore_mem>>)
    %dma_start3A_377 = arith.constant 0 : i32
    %dma_start3A_378 = arith.constant 1664 : i32
    %dma_start3A_379 = tpu.memref_slice %arg12[%dma_start3A_378] : memref<2048xi32, #tpu.memory_space<vmem>> -> memref<128xi32, #tpu.memory_space<vmem>>
    %dma_start3A_380 = arith.constant 1664 : i32
    %dma_start3A_381 = tpu.memref_slice %arg10[%dma_start3A_377, %dma_start3A_380] : memref<2x2048xi32, #tpu.memory_space<vmem>> -> memref<1x128xi32, #tpu.memory_space<vmem>>
    %dma_start3A_382 = tpu.memref_squeeze %dma_start3A_381 : memref<1x128xi32, #tpu.memory_space<vmem>> -> memref<128xi32, #tpu.memory_space<vmem>>
    %dma_start3A_383 = arith.constant 0 : i32
    %dma_start3A_384 = tpu.memref_slice %arg5[%dma_start3A_383] : memref<1048576xi32, #tpu.memory_space<hbm>> -> memref<1048576xi32, #tpu.memory_space<hbm>>
    tpu.enqueue_indirect_dma source(%dma_start3A_384 : memref<1048576xi32, #tpu.memory_space<hbm>>) target(%dma_start3A_379 : memref<128xi32, #tpu.memory_space<vmem>>) offsets(%dma_start3A_382 : memref<128xi32, #tpu.memory_space<vmem>>) semaphore(%arg15 : memref<!tpu.dma_semaphore, #tpu.memory_space<semaphore_mem>>)
    %dma_start3A_385 = arith.constant 0 : i32
    %dma_start3A_386 = arith.constant 1792 : i32
    %dma_start3A_387 = tpu.memref_slice %arg12[%dma_start3A_386] : memref<2048xi32, #tpu.memory_space<vmem>> -> memref<128xi32, #tpu.memory_space<vmem>>
    %dma_start3A_388 = arith.constant 1792 : i32
    %dma_start3A_389 = tpu.memref_slice %arg10[%dma_start3A_385, %dma_start3A_388] : memref<2x2048xi32, #tpu.memory_space<vmem>> -> memref<1x128xi32, #tpu.memory_space<vmem>>
    %dma_start3A_390 = tpu.memref_squeeze %dma_start3A_389 : memref<1x128xi32, #tpu.memory_space<vmem>> -> memref<128xi32, #tpu.memory_space<vmem>>
    %dma_start3A_391 = arith.constant 0 : i32
    %dma_start3A_392 = tpu.memref_slice %arg5[%dma_start3A_391] : memref<1048576xi32, #tpu.memory_space<hbm>> -> memref<1048576xi32, #tpu.memory_space<hbm>>
    tpu.enqueue_indirect_dma source(%dma_start3A_392 : memref<1048576xi32, #tpu.memory_space<hbm>>) target(%dma_start3A_387 : memref<128xi32, #tpu.memory_space<vmem>>) offsets(%dma_start3A_390 : memref<128xi32, #tpu.memory_space<vmem>>) semaphore(%arg15 : memref<!tpu.dma_semaphore, #tpu.memory_space<semaphore_mem>>)
    %dma_start3A_393 = arith.constant 0 : i32
    %dma_start3A_394 = arith.constant 1920 : i32
    %dma_start3A_395 = tpu.memref_slice %arg12[%dma_start3A_394] : memref<2048xi32, #tpu.memory_space<vmem>> -> memref<128xi32, #tpu.memory_space<vmem>>
    %dma_start3A_396 = arith.constant 1920 : i32
    %dma_start3A_397 = tpu.memref_slice %arg10[%dma_start3A_393, %dma_start3A_396] : memref<2x2048xi32, #tpu.memory_space<vmem>> -> memref<1x128xi32, #tpu.memory_space<vmem>>
    %dma_start3A_398 = tpu.memref_squeeze %dma_start3A_397 : memref<1x128xi32, #tpu.memory_space<vmem>> -> memref<128xi32, #tpu.memory_space<vmem>>
    %dma_start3A_399 = arith.constant 0 : i32
    %dma_start3A_400 = tpu.memref_slice %arg5[%dma_start3A_399] : memref<1048576xi32, #tpu.memory_space<hbm>> -> memref<1048576xi32, #tpu.memory_space<hbm>>
    tpu.enqueue_indirect_dma source(%dma_start3A_400 : memref<1048576xi32, #tpu.memory_space<hbm>>) target(%dma_start3A_395 : memref<128xi32, #tpu.memory_space<vmem>>) offsets(%dma_start3A_398 : memref<128xi32, #tpu.memory_space<vmem>>) semaphore(%arg15 : memref<!tpu.dma_semaphore, #tpu.memory_space<semaphore_mem>>)
    %scan3A_401 = arith.constant 1 : i32
    %scan3A_402 = arith.constant 15 : i32
    %scan3A_403 = arith.addi %scan3A_401, %scan3A_402 : i32
    %scan3A_404 = arith.constant 1 : i32
    scf.for %scan3A_587 = %scan3A_401 to %scan3A_403 step %scan3A_404  : i32 {
      %and3A_588 = arith.constant 1 : i32
      %and3A_589 = arith.andi %scan3A_587, %and3A_588 : i32
      %mul3A_590 = arith.constant 2048 : i32
      %mul3A_591 = arith.muli %scan3A_587, %mul3A_590 : i32
      %add3A_592 = arith.addi %mul3A_2, %mul3A_591 : i32
      %jit3A_593 = arith.constant 128 : i32
      %div3A_594 = arith.divsi %add3A_592, %jit3A_593 : i32
      %sign3A_595 = arith.constant 0 : i32
      %sign3A_596 = arith.cmpi sgt, %add3A_592, %sign3A_595 : i32
      %sign3A_597 = arith.extui %sign3A_596 : i1 to i32
      %sign3A_598 = arith.constant 0 : i32
      %sign3A_599 = arith.cmpi slt, %add3A_592, %sign3A_598 : i32
      %sign3A_600 = arith.extui %sign3A_599 : i1 to i32
      %sign3A_601 = arith.subi %sign3A_597, %sign3A_600 : i32
      %sign3A_602 = arith.constant 0 : i32
      %sign3A_603 = arith.cmpi sgt, %jit3A_593, %sign3A_602 : i32
      %sign3A_604 = arith.extui %sign3A_603 : i1 to i32
      %sign3A_605 = arith.constant 0 : i32
      %sign3A_606 = arith.cmpi slt, %jit3A_593, %sign3A_605 : i32
      %sign3A_607 = arith.extui %sign3A_606 : i1 to i32
      %sign3A_608 = arith.subi %sign3A_604, %sign3A_607 : i32
      %ne3A_609 = arith.cmpi ne, %sign3A_601, %sign3A_608 : i32
      %rem3A_610 = arith.remsi %add3A_592, %jit3A_593 : i32
      %ne3A_611 = arith.constant 0 : i32
      %ne3A_612 = arith.cmpi ne, %rem3A_610, %ne3A_611 : i32
      %and3A_613 = arith.andi %ne3A_609, %ne3A_612 : i1
      %sub3A_614 = arith.constant 1 : i32
      %sub3A_615 = arith.subi %div3A_594, %sub3A_614 : i32
      %select_n3A_616 = arith.select %and3A_613, %sub3A_615, %div3A_594 : i32
      %multiple_of3A_617 = tpu.assume_multiple %select_n3A_616, 8 : i32
      %dma_wait3A_618 = arith.constant 0 : i32
      %dma_wait3A_619 = arith.constant 0 : i32
      %dma_wait3A_620 = arith.constant 0 : i32
      %dma_wait3A_621 = arith.constant 0 : i32
      %dma_wait3A_622 = tpu.memref_slice %arg8[%and3A_589, %dma_wait3A_619, %dma_wait3A_620, %dma_wait3A_621] : memref<2x16x8x128xf32, #tpu.memory_space<vmem>> -> memref<1x16x8x128xf32, #tpu.memory_space<vmem>>
      %dma_wait3A_623 = tpu.memref_squeeze %dma_wait3A_622 : memref<1x16x8x128xf32, #tpu.memory_space<vmem>> -> memref<16x8x128xf32, #tpu.memory_space<vmem>>
      %dma_wait3A_624 = arith.constant 0 : i32
      %dma_wait3A_625 = arith.constant 0 : i32
      %dma_wait3A_626 = tpu.memref_slice %arg2[%dma_wait3A_618, %multiple_of3A_617, %dma_wait3A_624, %dma_wait3A_625] : memref<2x8192x8x128xf32, #tpu.memory_space<hbm>> -> memref<1x16x8x128xf32, #tpu.memory_space<hbm>>
      %dma_wait3A_627 = tpu.memref_squeeze %dma_wait3A_626 : memref<1x16x8x128xf32, #tpu.memory_space<hbm>> -> memref<16x8x128xf32, #tpu.memory_space<hbm>>
      %dma_wait3A_628 = arith.constant 0 : i32
      %dma_wait3A_629 = arith.constant 0 : i32
      %dma_wait3A_630 = arith.constant 0 : i32
      %dma_wait3A_631 = tpu.memref_slice %arg8[%and3A_589, %dma_wait3A_628, %dma_wait3A_629, %dma_wait3A_630] : memref<2x16x8x128xf32, #tpu.memory_space<vmem>> -> memref<1x16x8x128xf32, #tpu.memory_space<vmem>>
      %dma_wait3A_632 = tpu.memref_squeeze %dma_wait3A_631 : memref<1x16x8x128xf32, #tpu.memory_space<vmem>> -> memref<16x8x128xf32, #tpu.memory_space<vmem>>
      %dma_wait3A_633 = arith.constant 0 : i32
      %dma_wait3A_634 = arith.constant 0 : i32
      %dma_wait3A_635 = tpu.memref_slice %arg2[%dma_wait3A_618, %multiple_of3A_617, %dma_wait3A_633, %dma_wait3A_634] : memref<2x8192x8x128xf32, #tpu.memory_space<hbm>> -> memref<1x16x8x128xf32, #tpu.memory_space<hbm>>
      %dma_wait3A_636 = tpu.memref_squeeze %dma_wait3A_635 : memref<1x16x8x128xf32, #tpu.memory_space<hbm>> -> memref<16x8x128xf32, #tpu.memory_space<hbm>>
      tpu.wait_dma2 semaphore(%arg14 : memref<!tpu.dma_semaphore, #tpu.memory_space<semaphore_mem>>) src(%dma_wait3A_636 : memref<16x8x128xf32, #tpu.memory_space<hbm>>) dst(%dma_wait3A_632 : memref<16x8x128xf32, #tpu.memory_space<vmem>>)
      %dma_wait3A_637 = arith.constant 1 : i32
      %dma_wait3A_638 = arith.constant 0 : i32
      %dma_wait3A_639 = arith.constant 0 : i32
      %dma_wait3A_640 = arith.constant 0 : i32
      %dma_wait3A_641 = tpu.memref_slice %arg9[%and3A_589, %dma_wait3A_638, %dma_wait3A_639, %dma_wait3A_640] : memref<2x16x8x128xf32, #tpu.memory_space<vmem>> -> memref<1x16x8x128xf32, #tpu.memory_space<vmem>>
      %dma_wait3A_642 = tpu.memref_squeeze %dma_wait3A_641 : memref<1x16x8x128xf32, #tpu.memory_space<vmem>> -> memref<16x8x128xf32, #tpu.memory_space<vmem>>
      %dma_wait3A_643 = arith.constant 0 : i32
      %dma_wait3A_644 = arith.constant 0 : i32
      %dma_wait3A_645 = tpu.memref_slice %arg2[%dma_wait3A_637, %multiple_of3A_617, %dma_wait3A_643, %dma_wait3A_644] : memref<2x8192x8x128xf32, #tpu.memory_space<hbm>> -> memref<1x16x8x128xf32, #tpu.memory_space<hbm>>
      %dma_wait3A_646 = tpu.memref_squeeze %dma_wait3A_645 : memref<1x16x8x128xf32, #tpu.memory_space<hbm>> -> memref<16x8x128xf32, #tpu.memory_space<hbm>>
      %dma_wait3A_647 = arith.constant 0 : i32
      %dma_wait3A_648 = arith.constant 0 : i32
      %dma_wait3A_649 = arith.constant 0 : i32
      %dma_wait3A_650 = tpu.memref_slice %arg9[%and3A_589, %dma_wait3A_647, %dma_wait3A_648, %dma_wait3A_649] : memref<2x16x8x128xf32, #tpu.memory_space<vmem>> -> memref<1x16x8x128xf32, #tpu.memory_space<vmem>>
      %dma_wait3A_651 = tpu.memref_squeeze %dma_wait3A_650 : memref<1x16x8x128xf32, #tpu.memory_space<vmem>> -> memref<16x8x128xf32, #tpu.memory_space<vmem>>
      %dma_wait3A_652 = arith.constant 0 : i32
      %dma_wait3A_653 = arith.constant 0 : i32
      %dma_wait3A_654 = tpu.memref_slice %arg2[%dma_wait3A_637, %multiple_of3A_617, %dma_wait3A_652, %dma_wait3A_653] : memref<2x8192x8x128xf32, #tpu.memory_space<hbm>> -> memref<1x16x8x128xf32, #tpu.memory_space<hbm>>
      %dma_wait3A_655 = tpu.memref_squeeze %dma_wait3A_654 : memref<1x16x8x128xf32, #tpu.memory_space<hbm>> -> memref<16x8x128xf32, #tpu.memory_space<hbm>>
      tpu.wait_dma2 semaphore(%arg14 : memref<!tpu.dma_semaphore, #tpu.memory_space<semaphore_mem>>) src(%dma_wait3A_655 : memref<16x8x128xf32, #tpu.memory_space<hbm>>) dst(%dma_wait3A_651 : memref<16x8x128xf32, #tpu.memory_space<vmem>>)
      %scan3A_656 = arith.constant 0 : i32
      %scan3A_657 = arith.constant 128 : i32
      %scan3A_658 = arith.addi %scan3A_656, %scan3A_657 : i32
      %scan3A_659 = arith.constant 1 : i32
      scf.for %scan3A_914 = %scan3A_656 to %scan3A_658 step %scan3A_659  : i32 {
        %shift_right_arithmetic3A = arith.constant 3 : i32
        %shift_right_arithmetic3A_915 = arith.shrsi %scan3A_914, %shift_right_arithmetic3A : i32
        %and3A_916 = arith.constant 7 : i32
        %and3A_917 = arith.andi %scan3A_914, %and3A_916 : i32
        %mul3A_918 = arith.constant 16 : i32
        %mul3A_919 = arith.muli %and3A_917, %mul3A_918 : i32
        %multiple_of3A_920 = tpu.assume_multiple %mul3A_919, 16 : i32
        %get3A = arith.constant 0 : i32
        %get3A_921 = arith.index_cast %and3A_589 : i32 to index
        %get3A_922 = arith.index_cast %shift_right_arithmetic3A_915 : i32 to index
        %get3A_923 = arith.index_cast %get3A : i32 to index
        %get3A_924 = arith.index_cast %multiple_of3A_920 : i32 to index
        %get3A_925 = tpu.vector_load %arg8[%get3A_921, %get3A_922, %get3A_923, %get3A_924] {strides = array<i32>} : memref<2x16x8x128xf32, #tpu.memory_space<vmem>>, vector<16xf32>,
        %bitcast3A = vector.bitcast %get3A_925 : vector<16xf32> to vector<16xi32>
        %get3A_926 = arith.constant 1 : i32
        %get3A_927 = arith.index_cast %and3A_589 : i32 to index
        %get3A_928 = arith.index_cast %shift_right_arithmetic3A_915 : i32 to index
        %get3A_929 = arith.index_cast %get3A_926 : i32 to index
        %get3A_930 = arith.index_cast %multiple_of3A_920 : i32 to index
        %get3A_931 = tpu.vector_load %arg8[%get3A_927, %get3A_928, %get3A_929, %get3A_930] {strides = array<i32>} : memref<2x16x8x128xf32, #tpu.memory_space<vmem>>, vector<16xf32>,
        %bitcast3A_932 = vector.bitcast %get3A_931 : vector<16xf32> to vector<16xi32>
        %get3A_933 = arith.constant 2 : i32
        %get3A_934 = arith.index_cast %and3A_589 : i32 to index
        %get3A_935 = arith.index_cast %shift_right_arithmetic3A_915 : i32 to index
        %get3A_936 = arith.index_cast %get3A_933 : i32 to index
        %get3A_937 = arith.index_cast %multiple_of3A_920 : i32 to index
        %get3A_938 = tpu.vector_load %arg8[%get3A_934, %get3A_935, %get3A_936, %get3A_937] {strides = array<i32>} : memref<2x16x8x128xf32, #tpu.memory_space<vmem>>, vector<16xf32>,
        %bitcast3A_939 = vector.bitcast %get3A_938 : vector<16xf32> to vector<16xi32>
        %get3A_940 = arith.constant 3 : i32
        %get3A_941 = arith.index_cast %and3A_589 : i32 to index
        %get3A_942 = arith.index_cast %shift_right_arithmetic3A_915 : i32 to index
        %get3A_943 = arith.index_cast %get3A_940 : i32 to index
        %get3A_944 = arith.index_cast %multiple_of3A_920 : i32 to index
        %get3A_945 = tpu.vector_load %arg8[%get3A_941, %get3A_942, %get3A_943, %get3A_944] {strides = array<i32>} : memref<2x16x8x128xf32, #tpu.memory_space<vmem>>, vector<16xf32>,
        %bitcast3A_946 = vector.bitcast %get3A_945 : vector<16xf32> to vector<16xi32>
        %get3A_947 = arith.constant 4 : i32
        %get3A_948 = arith.index_cast %and3A_589 : i32 to index
        %get3A_949 = arith.index_cast %shift_right_arithmetic3A_915 : i32 to index
        %get3A_950 = arith.index_cast %get3A_947 : i32 to index
        %get3A_951 = arith.index_cast %multiple_of3A_920 : i32 to index
        %get3A_952 = tpu.vector_load %arg8[%get3A_948, %get3A_949, %get3A_950, %get3A_951] {strides = array<i32>} : memref<2x16x8x128xf32, #tpu.memory_space<vmem>>, vector<16xf32>,
        %bitcast3A_953 = vector.bitcast %get3A_952 : vector<16xf32> to vector<16xi32>
        %get3A_954 = arith.constant 5 : i32
        %get3A_955 = arith.index_cast %and3A_589 : i32 to index
        %get3A_956 = arith.index_cast %shift_right_arithmetic3A_915 : i32 to index
        %get3A_957 = arith.index_cast %get3A_954 : i32 to index
        %get3A_958 = arith.index_cast %multiple_of3A_920 : i32 to index
        %get3A_959 = tpu.vector_load %arg8[%get3A_955, %get3A_956, %get3A_957, %get3A_958] {strides = array<i32>} : memref<2x16x8x128xf32, #tpu.memory_space<vmem>>, vector<16xf32>,
        %bitcast3A_960 = vector.bitcast %get3A_959 : vector<16xf32> to vector<16xi32>
        %get3A_961 = arith.constant 6 : i32
        %get3A_962 = arith.index_cast %and3A_589 : i32 to index
        %get3A_963 = arith.index_cast %shift_right_arithmetic3A_915 : i32 to index
        %get3A_964 = arith.index_cast %get3A_961 : i32 to index
        %get3A_965 = arith.index_cast %multiple_of3A_920 : i32 to index
        %get3A_966 = tpu.vector_load %arg8[%get3A_962, %get3A_963, %get3A_964, %get3A_965] {strides = array<i32>} : memref<2x16x8x128xf32, #tpu.memory_space<vmem>>, vector<16xf32>,
        %bitcast3A_967 = vector.bitcast %get3A_966 : vector<16xf32> to vector<16xi32>
        %get3A_968 = arith.constant 7 : i32
        %get3A_969 = arith.index_cast %and3A_589 : i32 to index
        %get3A_970 = arith.index_cast %shift_right_arithmetic3A_915 : i32 to index
        %get3A_971 = arith.index_cast %get3A_968 : i32 to index
        %get3A_972 = arith.index_cast %multiple_of3A_920 : i32 to index
        %get3A_973 = tpu.vector_load %arg8[%get3A_969, %get3A_970, %get3A_971, %get3A_972] {strides = array<i32>} : memref<2x16x8x128xf32, #tpu.memory_space<vmem>>, vector<16xf32>,
        %bitcast3A_974 = vector.bitcast %get3A_973 : vector<16xf32> to vector<16xi32>
        %get3A_975 = arith.constant 0 : i32
        %get3A_976 = arith.index_cast %and3A_589 : i32 to index
        %get3A_977 = arith.index_cast %shift_right_arithmetic3A_915 : i32 to index
        %get3A_978 = arith.index_cast %get3A_975 : i32 to index
        %get3A_979 = arith.index_cast %multiple_of3A_920 : i32 to index
        %get3A_980 = tpu.vector_load %arg9[%get3A_976, %get3A_977, %get3A_978, %get3A_979] {strides = array<i32>} : memref<2x16x8x128xf32, #tpu.memory_space<vmem>>, vector<16xf32>,
        %bitcast3A_981 = vector.bitcast %get3A_980 : vector<16xf32> to vector<16xi32>
        %get3A_982 = arith.constant 1 : i32
        %get3A_983 = arith.index_cast %and3A_589 : i32 to index
        %get3A_984 = arith.index_cast %shift_right_arithmetic3A_915 : i32 to index
        %get3A_985 = arith.index_cast %get3A_982 : i32 to index
        %get3A_986 = arith.index_cast %multiple_of3A_920 : i32 to index
        %get3A_987 = tpu.vector_load %arg9[%get3A_983, %get3A_984, %get3A_985, %get3A_986] {strides = array<i32>} : memref<2x16x8x128xf32, #tpu.memory_space<vmem>>, vector<16xf32>,
        %bitcast3A_988 = vector.bitcast %get3A_987 : vector<16xf32> to vector<16xi32>
        %get3A_989 = arith.constant 2 : i32
        %get3A_990 = arith.index_cast %and3A_589 : i32 to index
        %get3A_991 = arith.index_cast %shift_right_arithmetic3A_915 : i32 to index
        %get3A_992 = arith.index_cast %get3A_989 : i32 to index
        %get3A_993 = arith.index_cast %multiple_of3A_920 : i32 to index
        %get3A_994 = tpu.vector_load %arg9[%get3A_990, %get3A_991, %get3A_992, %get3A_993] {strides = array<i32>} : memref<2x16x8x128xf32, #tpu.memory_space<vmem>>, vector<16xf32>,
        %bitcast3A_995 = vector.bitcast %get3A_994 : vector<16xf32> to vector<16xi32>
        %get3A_996 = arith.constant 3 : i32
        %get3A_997 = arith.index_cast %and3A_589 : i32 to index
        %get3A_998 = arith.index_cast %shift_right_arithmetic3A_915 : i32 to index
        %get3A_999 = arith.index_cast %get3A_996 : i32 to index
        %get3A_1000 = arith.index_cast %multiple_of3A_920 : i32 to index
        %get3A_1001 = tpu.vector_load %arg9[%get3A_997, %get3A_998, %get3A_999, %get3A_1000] {strides = array<i32>} : memref<2x16x8x128xf32, #tpu.memory_space<vmem>>, vector<16xf32>,
        %bitcast3A_1002 = vector.bitcast %get3A_1001 : vector<16xf32> to vector<16xi32>
        %get3A_1003 = arith.constant 4 : i32
        %get3A_1004 = arith.index_cast %and3A_589 : i32 to index
        %get3A_1005 = arith.index_cast %shift_right_arithmetic3A_915 : i32 to index
        %get3A_1006 = arith.index_cast %get3A_1003 : i32 to index
        %get3A_1007 = arith.index_cast %multiple_of3A_920 : i32 to index
        %get3A_1008 = tpu.vector_load %arg9[%get3A_1004, %get3A_1005, %get3A_1006, %get3A_1007] {strides = array<i32>} : memref<2x16x8x128xf32, #tpu.memory_space<vmem>>, vector<16xf32>,
        %bitcast3A_1009 = vector.bitcast %get3A_1008 : vector<16xf32> to vector<16xi32>
        %get3A_1010 = arith.constant 5 : i32
        %get3A_1011 = arith.index_cast %and3A_589 : i32 to index
        %get3A_1012 = arith.index_cast %shift_right_arithmetic3A_915 : i32 to index
        %get3A_1013 = arith.index_cast %get3A_1010 : i32 to index
        %get3A_1014 = arith.index_cast %multiple_of3A_920 : i32 to index
        %get3A_1015 = tpu.vector_load %arg9[%get3A_1011, %get3A_1012, %get3A_1013, %get3A_1014] {strides = array<i32>} : memref<2x16x8x128xf32, #tpu.memory_space<vmem>>, vector<16xf32>,
        %bitcast3A_1016 = vector.bitcast %get3A_1015 : vector<16xf32> to vector<16xi32>
        %get3A_1017 = arith.constant 6 : i32
        %get3A_1018 = arith.index_cast %and3A_589 : i32 to index
        %get3A_1019 = arith.index_cast %shift_right_arithmetic3A_915 : i32 to index
        %get3A_1020 = arith.index_cast %get3A_1017 : i32 to index
        %get3A_1021 = arith.index_cast %multiple_of3A_920 : i32 to index
        %get3A_1022 = tpu.vector_load %arg9[%get3A_1018, %get3A_1019, %get3A_1020, %get3A_1021] {strides = array<i32>} : memref<2x16x8x128xf32, #tpu.memory_space<vmem>>, vector<16xf32>,
        %bitcast3A_1023 = vector.bitcast %get3A_1022 : vector<16xf32> to vector<16xi32>
        %get3A_1024 = arith.constant 7 : i32
        %get3A_1025 = arith.index_cast %and3A_589 : i32 to index
        %get3A_1026 = arith.index_cast %shift_right_arithmetic3A_915 : i32 to index
        %get3A_1027 = arith.index_cast %get3A_1024 : i32 to index
        %get3A_1028 = arith.index_cast %multiple_of3A_920 : i32 to index
        %get3A_1029 = tpu.vector_load %arg9[%get3A_1025, %get3A_1026, %get3A_1027, %get3A_1028] {strides = array<i32>} : memref<2x16x8x128xf32, #tpu.memory_space<vmem>>, vector<16xf32>,
        %bitcast3A_1030 = vector.bitcast %get3A_1029 : vector<16xf32> to vector<16xi32>
        %broadcast_in_dim3A = arith.constant 606290985 : i32
        %broadcast_in_dim3A_1031 = vector.broadcast %broadcast_in_dim3A : i32 to vector<16xi32>
        %mul3A_1032 = arith.constant -2048144777 : i32
        %mul3A_1033 = vector.broadcast %mul3A_1032 : i32 to vector<16xi32>
        %mul3A_1034 = arith.muli %bitcast3A, %mul3A_1033 : vector<16xi32>
        %add3A_1035 = arith.addi %broadcast_in_dim3A_1031, %mul3A_1034 : vector<16xi32>
        %shift_left3A = arith.constant 13 : i32
        %shift_left3A_1036 = vector.broadcast %shift_left3A : i32 to vector<16xi32>
        %shift_left3A_1037 = arith.shli %add3A_1035, %shift_left3A_1036 : vector<16xi32>
        %broadcast_in_dim3A_1038 = arith.constant 19 : i32
        %broadcast_in_dim3A_1039 = vector.broadcast %broadcast_in_dim3A_1038 : i32 to vector<16xi32>
        %shift_right_logical3A = arith.shrui %add3A_1035, %broadcast_in_dim3A_1039 : vector<16xi32>
        %or3A = arith.ori %shift_left3A_1037, %shift_right_logical3A : vector<16xi32>
        %mul3A_1040 = arith.constant -1640531535 : i32
        %mul3A_1041 = vector.broadcast %mul3A_1040 : i32 to vector<16xi32>
        %mul3A_1042 = arith.muli %or3A, %mul3A_1041 : vector<16xi32>
        %mul3A_1043 = arith.constant -2048144777 : i32
        %mul3A_1044 = vector.broadcast %mul3A_1043 : i32 to vector<16xi32>
        %mul3A_1045 = arith.muli %bitcast3A_932, %mul3A_1044 : vector<16xi32>
        %add3A_1046 = arith.addi %mul3A_1042, %mul3A_1045 : vector<16xi32>
        %shift_left3A_1047 = arith.constant 13 : i32
        %shift_left3A_1048 = vector.broadcast %shift_left3A_1047 : i32 to vector<16xi32>
        %shift_left3A_1049 = arith.shli %add3A_1046, %shift_left3A_1048 : vector<16xi32>
        %broadcast_in_dim3A_1050 = arith.constant 19 : i32
        %broadcast_in_dim3A_1051 = vector.broadcast %broadcast_in_dim3A_1050 : i32 to vector<16xi32>
        %shift_right_logical3A_1052 = arith.shrui %add3A_1046, %broadcast_in_dim3A_1051 : vector<16xi32>
        %or3A_1053 = arith.ori %shift_left3A_1049, %shift_right_logical3A_1052 : vector<16xi32>
        %mul3A_1054 = arith.constant -1640531535 : i32
        %mul3A_1055 = vector.broadcast %mul3A_1054 : i32 to vector<16xi32>
        %mul3A_1056 = arith.muli %or3A_1053, %mul3A_1055 : vector<16xi32>
        %mul3A_1057 = arith.constant -2048144777 : i32
        %mul3A_1058 = vector.broadcast %mul3A_1057 : i32 to vector<16xi32>
        %mul3A_1059 = arith.muli %bitcast3A_939, %mul3A_1058 : vector<16xi32>
        %add3A_1060 = arith.addi %mul3A_1056, %mul3A_1059 : vector<16xi32>
        %shift_left3A_1061 = arith.constant 13 : i32
        %shift_left3A_1062 = vector.broadcast %shift_left3A_1061 : i32 to vector<16xi32>
        %shift_left3A_1063 = arith.shli %add3A_1060, %shift_left3A_1062 : vector<16xi32>
        %broadcast_in_dim3A_1064 = arith.constant 19 : i32
        %broadcast_in_dim3A_1065 = vector.broadcast %broadcast_in_dim3A_1064 : i32 to vector<16xi32>
        %shift_right_logical3A_1066 = arith.shrui %add3A_1060, %broadcast_in_dim3A_1065 : vector<16xi32>
        %or3A_1067 = arith.ori %shift_left3A_1063, %shift_right_logical3A_1066 : vector<16xi32>
        %mul3A_1068 = arith.constant -1640531535 : i32
        %mul3A_1069 = vector.broadcast %mul3A_1068 : i32 to vector<16xi32>
        %mul3A_1070 = arith.muli %or3A_1067, %mul3A_1069 : vector<16xi32>
        %mul3A_1071 = arith.constant -2048144777 : i32
        %mul3A_1072 = vector.broadcast %mul3A_1071 : i32 to vector<16xi32>
        %mul3A_1073 = arith.muli %bitcast3A_946, %mul3A_1072 : vector<16xi32>
        %add3A_1074 = arith.addi %mul3A_1070, %mul3A_1073 : vector<16xi32>
        %shift_left3A_1075 = arith.constant 13 : i32
        %shift_left3A_1076 = vector.broadcast %shift_left3A_1075 : i32 to vector<16xi32>
        %shift_left3A_1077 = arith.shli %add3A_1074, %shift_left3A_1076 : vector<16xi32>
        %broadcast_in_dim3A_1078 = arith.constant 19 : i32
        %broadcast_in_dim3A_1079 = vector.broadcast %broadcast_in_dim3A_1078 : i32 to vector<16xi32>
        %shift_right_logical3A_1080 = arith.shrui %add3A_1074, %broadcast_in_dim3A_1079 : vector<16xi32>
        %or3A_1081 = arith.ori %shift_left3A_1077, %shift_right_logical3A_1080 : vector<16xi32>
        %mul3A_1082 = arith.constant -1640531535 : i32
        %mul3A_1083 = vector.broadcast %mul3A_1082 : i32 to vector<16xi32>
        %mul3A_1084 = arith.muli %or3A_1081, %mul3A_1083 : vector<16xi32>
        %broadcast_in_dim3A_1085 = arith.constant -2048144776 : i32
        %broadcast_in_dim3A_1086 = vector.broadcast %broadcast_in_dim3A_1085 : i32 to vector<16xi32>
        %mul3A_1087 = arith.constant -2048144777 : i32
        %mul3A_1088 = vector.broadcast %mul3A_1087 : i32 to vector<16xi32>
        %mul3A_1089 = arith.muli %bitcast3A_953, %mul3A_1088 : vector<16xi32>
        %add3A_1090 = arith.addi %broadcast_in_dim3A_1086, %mul3A_1089 : vector<16xi32>
        %shift_left3A_1091 = arith.constant 13 : i32
        %shift_left3A_1092 = vector.broadcast %shift_left3A_1091 : i32 to vector<16xi32>
        %shift_left3A_1093 = arith.shli %add3A_1090, %shift_left3A_1092 : vector<16xi32>
        %broadcast_in_dim3A_1094 = arith.constant 19 : i32
        %broadcast_in_dim3A_1095 = vector.broadcast %broadcast_in_dim3A_1094 : i32 to vector<16xi32>
        %shift_right_logical3A_1096 = arith.shrui %add3A_1090, %broadcast_in_dim3A_1095 : vector<16xi32>
        %or3A_1097 = arith.ori %shift_left3A_1093, %shift_right_logical3A_1096 : vector<16xi32>
        %mul3A_1098 = arith.constant -1640531535 : i32
        %mul3A_1099 = vector.broadcast %mul3A_1098 : i32 to vector<16xi32>
        %mul3A_1100 = arith.muli %or3A_1097, %mul3A_1099 : vector<16xi32>
        %mul3A_1101 = arith.constant -2048144777 : i32
        %mul3A_1102 = vector.broadcast %mul3A_1101 : i32 to vector<16xi32>
        %mul3A_1103 = arith.muli %bitcast3A_960, %mul3A_1102 : vector<16xi32>
        %add3A_1104 = arith.addi %mul3A_1100, %mul3A_1103 : vector<16xi32>
        %shift_left3A_1105 = arith.constant 13 : i32
        %shift_left3A_1106 = vector.broadcast %shift_left3A_1105 : i32 to vector<16xi32>
        %shift_left3A_1107 = arith.shli %add3A_1104, %shift_left3A_1106 : vector<16xi32>
        %broadcast_in_dim3A_1108 = arith.constant 19 : i32
        %broadcast_in_dim3A_1109 = vector.broadcast %broadcast_in_dim3A_1108 : i32 to vector<16xi32>
        %shift_right_logical3A_1110 = arith.shrui %add3A_1104, %broadcast_in_dim3A_1109 : vector<16xi32>
        %or3A_1111 = arith.ori %shift_left3A_1107, %shift_right_logical3A_1110 : vector<16xi32>
        %mul3A_1112 = arith.constant -1640531535 : i32
        %mul3A_1113 = vector.broadcast %mul3A_1112 : i32 to vector<16xi32>
        %mul3A_1114 = arith.muli %or3A_1111, %mul3A_1113 : vector<16xi32>
        %mul3A_1115 = arith.constant -2048144777 : i32
        %mul3A_1116 = vector.broadcast %mul3A_1115 : i32 to vector<16xi32>
        %mul3A_1117 = arith.muli %bitcast3A_967, %mul3A_1116 : vector<16xi32>
        %add3A_1118 = arith.addi %mul3A_1114, %mul3A_1117 : vector<16xi32>
        %shift_left3A_1119 = arith.constant 13 : i32
        %shift_left3A_1120 = vector.broadcast %shift_left3A_1119 : i32 to vector<16xi32>
        %shift_left3A_1121 = arith.shli %add3A_1118, %shift_left3A_1120 : vector<16xi32>
        %broadcast_in_dim3A_1122 = arith.constant 19 : i32
        %broadcast_in_dim3A_1123 = vector.broadcast %broadcast_in_dim3A_1122 : i32 to vector<16xi32>
        %shift_right_logical3A_1124 = arith.shrui %add3A_1118, %broadcast_in_dim3A_1123 : vector<16xi32>
        %or3A_1125 = arith.ori %shift_left3A_1121, %shift_right_logical3A_1124 : vector<16xi32>
        %mul3A_1126 = arith.constant -1640531535 : i32
        %mul3A_1127 = vector.broadcast %mul3A_1126 : i32 to vector<16xi32>
        %mul3A_1128 = arith.muli %or3A_1125, %mul3A_1127 : vector<16xi32>
        %mul3A_1129 = arith.constant -2048144777 : i32
        %mul3A_1130 = vector.broadcast %mul3A_1129 : i32 to vector<16xi32>
        %mul3A_1131 = arith.muli %bitcast3A_974, %mul3A_1130 : vector<16xi32>
        %add3A_1132 = arith.addi %mul3A_1128, %mul3A_1131 : vector<16xi32>
        %shift_left3A_1133 = arith.constant 13 : i32
        %shift_left3A_1134 = vector.broadcast %shift_left3A_1133 : i32 to vector<16xi32>
        %shift_left3A_1135 = arith.shli %add3A_1132, %shift_left3A_1134 : vector<16xi32>
        %broadcast_in_dim3A_1136 = arith.constant 19 : i32
        %broadcast_in_dim3A_1137 = vector.broadcast %broadcast_in_dim3A_1136 : i32 to vector<16xi32>
        %shift_right_logical3A_1138 = arith.shrui %add3A_1132, %broadcast_in_dim3A_1137 : vector<16xi32>
        %or3A_1139 = arith.ori %shift_left3A_1135, %shift_right_logical3A_1138 : vector<16xi32>
        %mul3A_1140 = arith.constant -1640531535 : i32
        %mul3A_1141 = vector.broadcast %mul3A_1140 : i32 to vector<16xi32>
        %mul3A_1142 = arith.muli %or3A_1139, %mul3A_1141 : vector<16xi32>
        %broadcast_in_dim3A_1143 = arith.constant 1 : i32
        %broadcast_in_dim3A_1144 = vector.broadcast %broadcast_in_dim3A_1143 : i32 to vector<16xi32>
        %mul3A_1145 = arith.constant -2048144777 : i32
        %mul3A_1146 = vector.broadcast %mul3A_1145 : i32 to vector<16xi32>
        %mul3A_1147 = arith.muli %bitcast3A_981, %mul3A_1146 : vector<16xi32>
        %add3A_1148 = arith.addi %broadcast_in_dim3A_1144, %mul3A_1147 : vector<16xi32>
        %shift_left3A_1149 = arith.constant 13 : i32
        %shift_left3A_1150 = vector.broadcast %shift_left3A_1149 : i32 to vector<16xi32>
        %shift_left3A_1151 = arith.shli %add3A_1148, %shift_left3A_1150 : vector<16xi32>
        %broadcast_in_dim3A_1152 = arith.constant 19 : i32
        %broadcast_in_dim3A_1153 = vector.broadcast %broadcast_in_dim3A_1152 : i32 to vector<16xi32>
        %shift_right_logical3A_1154 = arith.shrui %add3A_1148, %broadcast_in_dim3A_1153 : vector<16xi32>
        %or3A_1155 = arith.ori %shift_left3A_1151, %shift_right_logical3A_1154 : vector<16xi32>
        %mul3A_1156 = arith.constant -1640531535 : i32
        %mul3A_1157 = vector.broadcast %mul3A_1156 : i32 to vector<16xi32>
        %mul3A_1158 = arith.muli %or3A_1155, %mul3A_1157 : vector<16xi32>
        %mul3A_1159 = arith.constant -2048144777 : i32
        %mul3A_1160 = vector.broadcast %mul3A_1159 : i32 to vector<16xi32>
        %mul3A_1161 = arith.muli %bitcast3A_988, %mul3A_1160 : vector<16xi32>
        %add3A_1162 = arith.addi %mul3A_1158, %mul3A_1161 : vector<16xi32>
        %shift_left3A_1163 = arith.constant 13 : i32
        %shift_left3A_1164 = vector.broadcast %shift_left3A_1163 : i32 to vector<16xi32>
        %shift_left3A_1165 = arith.shli %add3A_1162, %shift_left3A_1164 : vector<16xi32>
        %broadcast_in_dim3A_1166 = arith.constant 19 : i32
        %broadcast_in_dim3A_1167 = vector.broadcast %broadcast_in_dim3A_1166 : i32 to vector<16xi32>
        %shift_right_logical3A_1168 = arith.shrui %add3A_1162, %broadcast_in_dim3A_1167 : vector<16xi32>
        %or3A_1169 = arith.ori %shift_left3A_1165, %shift_right_logical3A_1168 : vector<16xi32>
        %mul3A_1170 = arith.constant -1640531535 : i32
        %mul3A_1171 = vector.broadcast %mul3A_1170 : i32 to vector<16xi32>
        %mul3A_1172 = arith.muli %or3A_1169, %mul3A_1171 : vector<16xi32>
        %mul3A_1173 = arith.constant -2048144777 : i32
        %mul3A_1174 = vector.broadcast %mul3A_1173 : i32 to vector<16xi32>
        %mul3A_1175 = arith.muli %bitcast3A_995, %mul3A_1174 : vector<16xi32>
        %add3A_1176 = arith.addi %mul3A_1172, %mul3A_1175 : vector<16xi32>
        %shift_left3A_1177 = arith.constant 13 : i32
        %shift_left3A_1178 = vector.broadcast %shift_left3A_1177 : i32 to vector<16xi32>
        %shift_left3A_1179 = arith.shli %add3A_1176, %shift_left3A_1178 : vector<16xi32>
        %broadcast_in_dim3A_1180 = arith.constant 19 : i32
        %broadcast_in_dim3A_1181 = vector.broadcast %broadcast_in_dim3A_1180 : i32 to vector<16xi32>
        %shift_right_logical3A_1182 = arith.shrui %add3A_1176, %broadcast_in_dim3A_1181 : vector<16xi32>
        %or3A_1183 = arith.ori %shift_left3A_1179, %shift_right_logical3A_1182 : vector<16xi32>
        %mul3A_1184 = arith.constant -1640531535 : i32
        %mul3A_1185 = vector.broadcast %mul3A_1184 : i32 to vector<16xi32>
        %mul3A_1186 = arith.muli %or3A_1183, %mul3A_1185 : vector<16xi32>
        %mul3A_1187 = arith.constant -2048144777 : i32
        %mul3A_1188 = vector.broadcast %mul3A_1187 : i32 to vector<16xi32>
        %mul3A_1189 = arith.muli %bitcast3A_1002, %mul3A_1188 : vector<16xi32>
        %add3A_1190 = arith.addi %mul3A_1186, %mul3A_1189 : vector<16xi32>
        %shift_left3A_1191 = arith.constant 13 : i32
        %shift_left3A_1192 = vector.broadcast %shift_left3A_1191 : i32 to vector<16xi32>
        %shift_left3A_1193 = arith.shli %add3A_1190, %shift_left3A_1192 : vector<16xi32>
        %broadcast_in_dim3A_1194 = arith.constant 19 : i32
        %broadcast_in_dim3A_1195 = vector.broadcast %broadcast_in_dim3A_1194 : i32 to vector<16xi32>
        %shift_right_logical3A_1196 = arith.shrui %add3A_1190, %broadcast_in_dim3A_1195 : vector<16xi32>
        %or3A_1197 = arith.ori %shift_left3A_1193, %shift_right_logical3A_1196 : vector<16xi32>
        %mul3A_1198 = arith.constant -1640531535 : i32
        %mul3A_1199 = vector.broadcast %mul3A_1198 : i32 to vector<16xi32>
        %mul3A_1200 = arith.muli %or3A_1197, %mul3A_1199 : vector<16xi32>
        %broadcast_in_dim3A_1201 = arith.constant 1640531536 : i32
        %broadcast_in_dim3A_1202 = vector.broadcast %broadcast_in_dim3A_1201 : i32 to vector<16xi32>
        %mul3A_1203 = arith.constant -2048144777 : i32
        %mul3A_1204 = vector.broadcast %mul3A_1203 : i32 to vector<16xi32>
        %mul3A_1205 = arith.muli %bitcast3A_1009, %mul3A_1204 : vector<16xi32>
        %add3A_1206 = arith.addi %broadcast_in_dim3A_1202, %mul3A_1205 : vector<16xi32>
        %shift_left3A_1207 = arith.constant 13 : i32
        %shift_left3A_1208 = vector.broadcast %shift_left3A_1207 : i32 to vector<16xi32>
        %shift_left3A_1209 = arith.shli %add3A_1206, %shift_left3A_1208 : vector<16xi32>
        %broadcast_in_dim3A_1210 = arith.constant 19 : i32
        %broadcast_in_dim3A_1211 = vector.broadcast %broadcast_in_dim3A_1210 : i32 to vector<16xi32>
        %shift_right_logical3A_1212 = arith.shrui %add3A_1206, %broadcast_in_dim3A_1211 : vector<16xi32>
        %or3A_1213 = arith.ori %shift_left3A_1209, %shift_right_logical3A_1212 : vector<16xi32>
        %mul3A_1214 = arith.constant -1640531535 : i32
        %mul3A_1215 = vector.broadcast %mul3A_1214 : i32 to vector<16xi32>
        %mul3A_1216 = arith.muli %or3A_1213, %mul3A_1215 : vector<16xi32>
        %mul3A_1217 = arith.constant -2048144777 : i32
        %mul3A_1218 = vector.broadcast %mul3A_1217 : i32 to vector<16xi32>
        %mul3A_1219 = arith.muli %bitcast3A_1016, %mul3A_1218 : vector<16xi32>
        %add3A_1220 = arith.addi %mul3A_1216, %mul3A_1219 : vector<16xi32>
        %shift_left3A_1221 = arith.constant 13 : i32
        %shift_left3A_1222 = vector.broadcast %shift_left3A_1221 : i32 to vector<16xi32>
        %shift_left3A_1223 = arith.shli %add3A_1220, %shift_left3A_1222 : vector<16xi32>
        %broadcast_in_dim3A_1224 = arith.constant 19 : i32
        %broadcast_in_dim3A_1225 = vector.broadcast %broadcast_in_dim3A_1224 : i32 to vector<16xi32>
        %shift_right_logical3A_1226 = arith.shrui %add3A_1220, %broadcast_in_dim3A_1225 : vector<16xi32>
        %or3A_1227 = arith.ori %shift_left3A_1223, %shift_right_logical3A_1226 : vector<16xi32>
        %mul3A_1228 = arith.constant -1640531535 : i32
        %mul3A_1229 = vector.broadcast %mul3A_1228 : i32 to vector<16xi32>
        %mul3A_1230 = arith.muli %or3A_1227, %mul3A_1229 : vector<16xi32>
        %mul3A_1231 = arith.constant -2048144777 : i32
        %mul3A_1232 = vector.broadcast %mul3A_1231 : i32 to vector<16xi32>
        %mul3A_1233 = arith.muli %bitcast3A_1023, %mul3A_1232 : vector<16xi32>
        %add3A_1234 = arith.addi %mul3A_1230, %mul3A_1233 : vector<16xi32>
        %shift_left3A_1235 = arith.constant 13 : i32
        %shift_left3A_1236 = vector.broadcast %shift_left3A_1235 : i32 to vector<16xi32>
        %shift_left3A_1237 = arith.shli %add3A_1234, %shift_left3A_1236 : vector<16xi32>
        %broadcast_in_dim3A_1238 = arith.constant 19 : i32
        %broadcast_in_dim3A_1239 = vector.broadcast %broadcast_in_dim3A_1238 : i32 to vector<16xi32>
        %shift_right_logical3A_1240 = arith.shrui %add3A_1234, %broadcast_in_dim3A_1239 : vector<16xi32>
        %or3A_1241 = arith.ori %shift_left3A_1237, %shift_right_logical3A_1240 : vector<16xi32>
        %mul3A_1242 = arith.constant -1640531535 : i32
        %mul3A_1243 = vector.broadcast %mul3A_1242 : i32 to vector<16xi32>
        %mul3A_1244 = arith.muli %or3A_1241, %mul3A_1243 : vector<16xi32>
        %mul3A_1245 = arith.constant -2048144777 : i32
        %mul3A_1246 = vector.broadcast %mul3A_1245 : i32 to vector<16xi32>
        %mul3A_1247 = arith.muli %bitcast3A_1030, %mul3A_1246 : vector<16xi32>
        %add3A_1248 = arith.addi %mul3A_1244, %mul3A_1247 : vector<16xi32>
        %shift_left3A_1249 = arith.constant 13 : i32
        %shift_left3A_1250 = vector.broadcast %shift_left3A_1249 : i32 to vector<16xi32>
        %shift_left3A_1251 = arith.shli %add3A_1248, %shift_left3A_1250 : vector<16xi32>
        %broadcast_in_dim3A_1252 = arith.constant 19 : i32
        %broadcast_in_dim3A_1253 = vector.broadcast %broadcast_in_dim3A_1252 : i32 to vector<16xi32>
        %shift_right_logical3A_1254 = arith.shrui %add3A_1248, %broadcast_in_dim3A_1253 : vector<16xi32>
        %or3A_1255 = arith.ori %shift_left3A_1251, %shift_right_logical3A_1254 : vector<16xi32>
        %mul3A_1256 = arith.constant -1640531535 : i32
        %mul3A_1257 = vector.broadcast %mul3A_1256 : i32 to vector<16xi32>
        %mul3A_1258 = arith.muli %or3A_1255, %mul3A_1257 : vector<16xi32>
        %shift_left3A_1259 = arith.constant 1 : i32
        %shift_left3A_1260 = vector.broadcast %shift_left3A_1259 : i32 to vector<16xi32>
        %shift_left3A_1261 = arith.shli %mul3A_1084, %shift_left3A_1260 : vector<16xi32>
        %broadcast_in_dim3A_1262 = arith.constant 31 : i32
        %broadcast_in_dim3A_1263 = vector.broadcast %broadcast_in_dim3A_1262 : i32 to vector<16xi32>
        %shift_right_logical3A_1264 = arith.shrui %mul3A_1084, %broadcast_in_dim3A_1263 : vector<16xi32>
        %or3A_1265 = arith.ori %shift_left3A_1261, %shift_right_logical3A_1264 : vector<16xi32>
        %shift_left3A_1266 = arith.constant 7 : i32
        %shift_left3A_1267 = vector.broadcast %shift_left3A_1266 : i32 to vector<16xi32>
        %shift_left3A_1268 = arith.shli %mul3A_1142, %shift_left3A_1267 : vector<16xi32>
        %broadcast_in_dim3A_1269 = arith.constant 25 : i32
        %broadcast_in_dim3A_1270 = vector.broadcast %broadcast_in_dim3A_1269 : i32 to vector<16xi32>
        %shift_right_logical3A_1271 = arith.shrui %mul3A_1142, %broadcast_in_dim3A_1270 : vector<16xi32>
        %or3A_1272 = arith.ori %shift_left3A_1268, %shift_right_logical3A_1271 : vector<16xi32>
        %add3A_1273 = arith.addi %or3A_1265, %or3A_1272 : vector<16xi32>
        %shift_left3A_1274 = arith.constant 12 : i32
        %shift_left3A_1275 = vector.broadcast %shift_left3A_1274 : i32 to vector<16xi32>
        %shift_left3A_1276 = arith.shli %mul3A_1200, %shift_left3A_1275 : vector<16xi32>
        %broadcast_in_dim3A_1277 = arith.constant 20 : i32
        %broadcast_in_dim3A_1278 = vector.broadcast %broadcast_in_dim3A_1277 : i32 to vector<16xi32>
        %shift_right_logical3A_1279 = arith.shrui %mul3A_1200, %broadcast_in_dim3A_1278 : vector<16xi32>
        %or3A_1280 = arith.ori %shift_left3A_1276, %shift_right_logical3A_1279 : vector<16xi32>
        %add3A_1281 = arith.addi %add3A_1273, %or3A_1280 : vector<16xi32>
        %shift_left3A_1282 = arith.constant 18 : i32
        %shift_left3A_1283 = vector.broadcast %shift_left3A_1282 : i32 to vector<16xi32>
        %shift_left3A_1284 = arith.shli %mul3A_1258, %shift_left3A_1283 : vector<16xi32>
        %broadcast_in_dim3A_1285 = arith.constant 14 : i32
        %broadcast_in_dim3A_1286 = vector.broadcast %broadcast_in_dim3A_1285 : i32 to vector<16xi32>
        %shift_right_logical3A_1287 = arith.shrui %mul3A_1258, %broadcast_in_dim3A_1286 : vector<16xi32>
        %or3A_1288 = arith.ori %shift_left3A_1284, %shift_right_logical3A_1287 : vector<16xi32>
        %add3A_1289 = arith.addi %add3A_1281, %or3A_1288 : vector<16xi32>
        %add3A_1290 = arith.constant 4 : i32
        %add3A_1291 = vector.broadcast %add3A_1290 : i32 to vector<16xi32>
        %add3A_1292 = arith.addi %add3A_1289, %add3A_1291 : vector<16xi32>
        %broadcast_in_dim3A_1293 = arith.constant 15 : i32
        %broadcast_in_dim3A_1294 = vector.broadcast %broadcast_in_dim3A_1293 : i32 to vector<16xi32>
        %shift_right_logical3A_1295 = arith.shrui %add3A_1292, %broadcast_in_dim3A_1294 : vector<16xi32>
        %xor3A = arith.xori %add3A_1292, %shift_right_logical3A_1295 : vector<16xi32>
        %mul3A_1296 = arith.constant -2048144777 : i32
        %mul3A_1297 = vector.broadcast %mul3A_1296 : i32 to vector<16xi32>
        %mul3A_1298 = arith.muli %xor3A, %mul3A_1297 : vector<16xi32>
        %broadcast_in_dim3A_1299 = arith.constant 13 : i32
        %broadcast_in_dim3A_1300 = vector.broadcast %broadcast_in_dim3A_1299 : i32 to vector<16xi32>
        %shift_right_logical3A_1301 = arith.shrui %mul3A_1298, %broadcast_in_dim3A_1300 : vector<16xi32>
        %xor3A_1302 = arith.xori %mul3A_1298, %shift_right_logical3A_1301 : vector<16xi32>
        %mul3A_1303 = arith.constant -1028477379 : i32
        %mul3A_1304 = vector.broadcast %mul3A_1303 : i32 to vector<16xi32>
        %mul3A_1305 = arith.muli %xor3A_1302, %mul3A_1304 : vector<16xi32>
        %broadcast_in_dim3A_1306 = arith.constant 16 : i32
        %broadcast_in_dim3A_1307 = vector.broadcast %broadcast_in_dim3A_1306 : i32 to vector<16xi32>
        %shift_right_logical3A_1308 = arith.shrui %mul3A_1305, %broadcast_in_dim3A_1307 : vector<16xi32>
        %xor3A_1309 = arith.xori %mul3A_1305, %shift_right_logical3A_1308 : vector<16xi32>
        %mul3A_1310 = arith.constant 16 : i32
        %mul3A_1311 = arith.muli %scan3A_914, %mul3A_1310 : i32
        %multiple_of3A_1312 = tpu.assume_multiple %mul3A_1311, 8 : i32
        %broadcast_in_dim3A_1313 = arith.constant 13 : i32
        %broadcast_in_dim3A_1314 = vector.broadcast %broadcast_in_dim3A_1313 : i32 to vector<16xi32>
        %shift_right_logical3A_1315 = arith.shrui %xor3A_1309, %broadcast_in_dim3A_1314 : vector<16xi32>
        %and3A_1316 = arith.constant -128 : i32
        %and3A_1317 = vector.broadcast %and3A_1316 : i32 to vector<16xi32>
        %and3A_1318 = arith.andi %shift_right_logical3A_1315, %and3A_1317 : vector<16xi32>
        %broadcast_in_dim3A_1319 = arith.constant 11 : i32
        %broadcast_in_dim3A_1320 = vector.broadcast %broadcast_in_dim3A_1319 : i32 to vector<16xi32>
        %shift_right_logical3A_1321 = arith.shrui %xor3A_1309, %broadcast_in_dim3A_1320 : vector<16xi32>
        %and3A_1322 = arith.constant 127 : i32
        %and3A_1323 = vector.broadcast %and3A_1322 : i32 to vector<16xi32>
        %and3A_1324 = arith.andi %shift_right_logical3A_1321, %and3A_1323 : vector<16xi32>
        %or3A_1325 = arith.ori %and3A_1318, %and3A_1324 : vector<16xi32>
        %add3A_1326 = vector.broadcast %mul3A_4 : i32 to vector<16xi32>
        %add3A_1327 = arith.addi %or3A_1325, %add3A_1326 : vector<16xi32>
        %swap3A = arith.index_cast %and3A_589 : i32 to index
        %swap3A_1328 = arith.index_cast %multiple_of3A_1312 : i32 to index
        %swap3A_1329 = tpu.vector_load %arg10[%swap3A, %swap3A_1328] {strides = array<i32>} : memref<2x2048xi32, #tpu.memory_space<vmem>>, vector<16xi32>,
        tpu.vector_store %arg10[%swap3A, %swap3A_1328], %add3A_1327 {strides = array<i32>} : memref<2x2048xi32, #tpu.memory_space<vmem>>, vector<16xi32>,
        %broadcast_in_dim3A_1330 = arith.constant 15 : i32
        %broadcast_in_dim3A_1331 = vector.broadcast %broadcast_in_dim3A_1330 : i32 to vector<16xi32>
        %shift_right_logical3A_1332 = arith.shrui %xor3A_1309, %broadcast_in_dim3A_1331 : vector<16xi32>
        %and3A_1333 = arith.constant 24 : i32
        %and3A_1334 = vector.broadcast %and3A_1333 : i32 to vector<16xi32>
        %and3A_1335 = arith.andi %shift_right_logical3A_1332, %and3A_1334 : vector<16xi32>
        %broadcast_in_dim3A_1336 = arith.constant 8 : i32
        %broadcast_in_dim3A_1337 = vector.broadcast %broadcast_in_dim3A_1336 : i32 to vector<16xi32>
        %shift_right_logical3A_1338 = arith.shrui %xor3A_1309, %broadcast_in_dim3A_1337 : vector<16xi32>
        %and3A_1339 = arith.constant 7 : i32
        %and3A_1340 = vector.broadcast %and3A_1339 : i32 to vector<16xi32>
        %and3A_1341 = arith.andi %shift_right_logical3A_1338, %and3A_1340 : vector<16xi32>
        %or3A_1342 = arith.ori %and3A_1335, %and3A_1341 : vector<16xi32>
        %swap3A_1343 = arith.index_cast %and3A_589 : i32 to index
        %swap3A_1344 = arith.index_cast %multiple_of3A_1312 : i32 to index
        %swap3A_1345 = tpu.vector_load %arg11[%swap3A_1343, %swap3A_1344] {strides = array<i32>} : memref<2x2048xi32, #tpu.memory_space<vmem>>, vector<16xi32>,
        tpu.vector_store %arg11[%swap3A_1343, %swap3A_1344], %or3A_1342 {strides = array<i32>} : memref<2x2048xi32, #tpu.memory_space<vmem>>, vector<16xi32>,
      }
      %scan3A_660 = arith.constant 128 : i32
      %lt3A = arith.constant 14 : i32
      %lt3A_661 = arith.cmpi slt, %scan3A_587, %lt3A : i32
      %convert_element_type3A = arith.extui %lt3A_661 : i1 to i32
      %cond3A = arith.constant 0 : i32
      %cond3A_662 = arith.cmpi ne, %convert_element_type3A, %cond3A : i32
      scf.if %cond3A_662 {
        %add3A_914 = arith.constant 2 : i32
        %add3A_915 = arith.addi %scan3A_587, %add3A_914 : i32
        %mul3A_916 = arith.constant 2048 : i32
        %mul3A_917 = arith.muli %add3A_915, %mul3A_916 : i32
        %add3A_918 = arith.addi %mul3A_2, %mul3A_917 : i32
        %jit3A_919 = arith.constant 128 : i32
        %div3A_920 = arith.divsi %add3A_918, %jit3A_919 : i32
        %sign3A_921 = arith.constant 0 : i32
        %sign3A_922 = arith.cmpi sgt, %add3A_918, %sign3A_921 : i32
        %sign3A_923 = arith.extui %sign3A_922 : i1 to i32
        %sign3A_924 = arith.constant 0 : i32
        %sign3A_925 = arith.cmpi slt, %add3A_918, %sign3A_924 : i32
        %sign3A_926 = arith.extui %sign3A_925 : i1 to i32
        %sign3A_927 = arith.subi %sign3A_923, %sign3A_926 : i32
        %sign3A_928 = arith.constant 0 : i32
        %sign3A_929 = arith.cmpi sgt, %jit3A_919, %sign3A_928 : i32
        %sign3A_930 = arith.extui %sign3A_929 : i1 to i32
        %sign3A_931 = arith.constant 0 : i32
        %sign3A_932 = arith.cmpi slt, %jit3A_919, %sign3A_931 : i32
        %sign3A_933 = arith.extui %sign3A_932 : i1 to i32
        %sign3A_934 = arith.subi %sign3A_930, %sign3A_933 : i32
        %ne3A_935 = arith.cmpi ne, %sign3A_927, %sign3A_934 : i32
        %rem3A_936 = arith.remsi %add3A_918, %jit3A_919 : i32
        %ne3A_937 = arith.constant 0 : i32
        %ne3A_938 = arith.cmpi ne, %rem3A_936, %ne3A_937 : i32
        %and3A_939 = arith.andi %ne3A_935, %ne3A_938 : i1
        %sub3A_940 = arith.constant 1 : i32
        %sub3A_941 = arith.subi %div3A_920, %sub3A_940 : i32
        %select_n3A_942 = arith.select %and3A_939, %sub3A_941, %div3A_920 : i32
        %multiple_of3A_943 = tpu.assume_multiple %select_n3A_942, 8 : i32
        %dma_start3A_944 = arith.constant 0 : i32
        %dma_start3A_945 = arith.constant 0 : i32
        %dma_start3A_946 = arith.constant 0 : i32
        %dma_start3A_947 = arith.constant 0 : i32
        %dma_start3A_948 = tpu.memref_slice %arg8[%and3A_589, %dma_start3A_945, %dma_start3A_946, %dma_start3A_947] : memref<2x16x8x128xf32, #tpu.memory_space<vmem>> -> memref<1x16x8x128xf32, #tpu.memory_space<vmem>>
        %dma_start3A_949 = tpu.memref_squeeze %dma_start3A_948 : memref<1x16x8x128xf32, #tpu.memory_space<vmem>> -> memref<16x8x128xf32, #tpu.memory_space<vmem>>
        %dma_start3A_950 = arith.constant 0 : i32
        %dma_start3A_951 = arith.constant 0 : i32
        %dma_start3A_952 = tpu.memref_slice %arg2[%dma_start3A_944, %multiple_of3A_943, %dma_start3A_950, %dma_start3A_951] : memref<2x8192x8x128xf32, #tpu.memory_space<hbm>> -> memref<1x16x8x128xf32, #tpu.memory_space<hbm>>
        %dma_start3A_953 = tpu.memref_squeeze %dma_start3A_952 : memref<1x16x8x128xf32, #tpu.memory_space<hbm>> -> memref<16x8x128xf32, #tpu.memory_space<hbm>>
        %dma_start3A_954 = arith.constant 0 : i32
        %dma_start3A_955 = arith.constant 0 : i32
        %dma_start3A_956 = arith.constant 0 : i32
        %dma_start3A_957 = tpu.memref_slice %arg8[%and3A_589, %dma_start3A_954, %dma_start3A_955, %dma_start3A_956] : memref<2x16x8x128xf32, #tpu.memory_space<vmem>> -> memref<1x16x8x128xf32, #tpu.memory_space<vmem>>
        %dma_start3A_958 = tpu.memref_squeeze %dma_start3A_957 : memref<1x16x8x128xf32, #tpu.memory_space<vmem>> -> memref<16x8x128xf32, #tpu.memory_space<vmem>>
        %dma_start3A_959 = arith.constant 0 : i32
        %dma_start3A_960 = arith.constant 0 : i32
        %dma_start3A_961 = tpu.memref_slice %arg2[%dma_start3A_944, %multiple_of3A_943, %dma_start3A_959, %dma_start3A_960] : memref<2x8192x8x128xf32, #tpu.memory_space<hbm>> -> memref<1x16x8x128xf32, #tpu.memory_space<hbm>>
        %dma_start3A_962 = tpu.memref_squeeze %dma_start3A_961 : memref<1x16x8x128xf32, #tpu.memory_space<hbm>> -> memref<16x8x128xf32, #tpu.memory_space<hbm>>
        tpu.enqueue_dma source(%dma_start3A_962 : memref<16x8x128xf32, #tpu.memory_space<hbm>>) target(%dma_start3A_958 : memref<16x8x128xf32, #tpu.memory_space<vmem>>) target_semaphore(%arg14 : memref<!tpu.dma_semaphore, #tpu.memory_space<semaphore_mem>>)
        %dma_start3A_963 = arith.constant 1 : i32
        %dma_start3A_964 = arith.constant 0 : i32
        %dma_start3A_965 = arith.constant 0 : i32
        %dma_start3A_966 = arith.constant 0 : i32
        %dma_start3A_967 = tpu.memref_slice %arg9[%and3A_589, %dma_start3A_964, %dma_start3A_965, %dma_start3A_966] : memref<2x16x8x128xf32, #tpu.memory_space<vmem>> -> memref<1x16x8x128xf32, #tpu.memory_space<vmem>>
        %dma_start3A_968 = tpu.memref_squeeze %dma_start3A_967 : memref<1x16x8x128xf32, #tpu.memory_space<vmem>> -> memref<16x8x128xf32, #tpu.memory_space<vmem>>
        %dma_start3A_969 = arith.constant 0 : i32
        %dma_start3A_970 = arith.constant 0 : i32
        %dma_start3A_971 = tpu.memref_slice %arg2[%dma_start3A_963, %multiple_of3A_943, %dma_start3A_969, %dma_start3A_970] : memref<2x8192x8x128xf32, #tpu.memory_space<hbm>> -> memref<1x16x8x128xf32, #tpu.memory_space<hbm>>
        %dma_start3A_972 = tpu.memref_squeeze %dma_start3A_971 : memref<1x16x8x128xf32, #tpu.memory_space<hbm>> -> memref<16x8x128xf32, #tpu.memory_space<hbm>>
        %dma_start3A_973 = arith.constant 0 : i32
        %dma_start3A_974 = arith.constant 0 : i32
        %dma_start3A_975 = arith.constant 0 : i32
        %dma_start3A_976 = tpu.memref_slice %arg9[%and3A_589, %dma_start3A_973, %dma_start3A_974, %dma_start3A_975] : memref<2x16x8x128xf32, #tpu.memory_space<vmem>> -> memref<1x16x8x128xf32, #tpu.memory_space<vmem>>
        %dma_start3A_977 = tpu.memref_squeeze %dma_start3A_976 : memref<1x16x8x128xf32, #tpu.memory_space<vmem>> -> memref<16x8x128xf32, #tpu.memory_space<vmem>>
        %dma_start3A_978 = arith.constant 0 : i32
        %dma_start3A_979 = arith.constant 0 : i32
        %dma_start3A_980 = tpu.memref_slice %arg2[%dma_start3A_963, %multiple_of3A_943, %dma_start3A_978, %dma_start3A_979] : memref<2x8192x8x128xf32, #tpu.memory_space<hbm>> -> memref<1x16x8x128xf32, #tpu.memory_space<hbm>>
        %dma_start3A_981 = tpu.memref_squeeze %dma_start3A_980 : memref<1x16x8x128xf32, #tpu.memory_space<hbm>> -> memref<16x8x128xf32, #tpu.memory_space<hbm>>
        tpu.enqueue_dma source(%dma_start3A_981 : memref<16x8x128xf32, #tpu.memory_space<hbm>>) target(%dma_start3A_977 : memref<16x8x128xf32, #tpu.memory_space<vmem>>) target_semaphore(%arg14 : memref<!tpu.dma_semaphore, #tpu.memory_space<semaphore_mem>>)
      } else {
      }
      %sub3A_663 = arith.constant 1 : i32
      %sub3A_664 = arith.subi %sub3A_663, %and3A_589 : i32
      %dma_wait3A_665 = arith.constant 0 : i32
      %dma_wait3A_666 = tpu.memref_slice %arg12[%dma_wait3A_665] : memref<2048xi32, #tpu.memory_space<vmem>> -> memref<128xi32, #tpu.memory_space<vmem>>
      %dma_wait3A_667 = arith.constant 0 : i32
      %dma_wait3A_668 = tpu.memref_slice %arg10[%sub3A_664, %dma_wait3A_667] : memref<2x2048xi32, #tpu.memory_space<vmem>> -> memref<1x128xi32, #tpu.memory_space<vmem>>
      %dma_wait3A_669 = tpu.memref_squeeze %dma_wait3A_668 : memref<1x128xi32, #tpu.memory_space<vmem>> -> memref<128xi32, #tpu.memory_space<vmem>>
      %dma_wait3A_670 = arith.constant 0 : i32
      %dma_wait3A_671 = tpu.memref_slice %arg5[%dma_wait3A_670] : memref<1048576xi32, #tpu.memory_space<hbm>> -> memref<1048576xi32, #tpu.memory_space<hbm>>
      tpu.wait_indirect_dma semaphore(%arg15 : memref<!tpu.dma_semaphore, #tpu.memory_space<semaphore_mem>>) src(%dma_wait3A_671 : memref<1048576xi32, #tpu.memory_space<hbm>>) dst(%dma_wait3A_666 : memref<128xi32, #tpu.memory_space<vmem>>)
      %dma_wait3A_672 = arith.constant 128 : i32
      %dma_wait3A_673 = tpu.memref_slice %arg12[%dma_wait3A_672] : memref<2048xi32, #tpu.memory_space<vmem>> -> memref<128xi32, #tpu.memory_space<vmem>>
      %dma_wait3A_674 = arith.constant 128 : i32
      %dma_wait3A_675 = tpu.memref_slice %arg10[%sub3A_664, %dma_wait3A_674] : memref<2x2048xi32, #tpu.memory_space<vmem>> -> memref<1x128xi32, #tpu.memory_space<vmem>>
      %dma_wait3A_676 = tpu.memref_squeeze %dma_wait3A_675 : memref<1x128xi32, #tpu.memory_space<vmem>> -> memref<128xi32, #tpu.memory_space<vmem>>
      %dma_wait3A_677 = arith.constant 0 : i32
      %dma_wait3A_678 = tpu.memref_slice %arg5[%dma_wait3A_677] : memref<1048576xi32, #tpu.memory_space<hbm>> -> memref<1048576xi32, #tpu.memory_space<hbm>>
      tpu.wait_indirect_dma semaphore(%arg15 : memref<!tpu.dma_semaphore, #tpu.memory_space<semaphore_mem>>) src(%dma_wait3A_678 : memref<1048576xi32, #tpu.memory_space<hbm>>) dst(%dma_wait3A_673 : memref<128xi32, #tpu.memory_space<vmem>>)
      %dma_wait3A_679 = arith.constant 256 : i32
      %dma_wait3A_680 = tpu.memref_slice %arg12[%dma_wait3A_679] : memref<2048xi32, #tpu.memory_space<vmem>> -> memref<128xi32, #tpu.memory_space<vmem>>
      %dma_wait3A_681 = arith.constant 256 : i32
      %dma_wait3A_682 = tpu.memref_slice %arg10[%sub3A_664, %dma_wait3A_681] : memref<2x2048xi32, #tpu.memory_space<vmem>> -> memref<1x128xi32, #tpu.memory_space<vmem>>
      %dma_wait3A_683 = tpu.memref_squeeze %dma_wait3A_682 : memref<1x128xi32, #tpu.memory_space<vmem>> -> memref<128xi32, #tpu.memory_space<vmem>>
      %dma_wait3A_684 = arith.constant 0 : i32
      %dma_wait3A_685 = tpu.memref_slice %arg5[%dma_wait3A_684] : memref<1048576xi32, #tpu.memory_space<hbm>> -> memref<1048576xi32, #tpu.memory_space<hbm>>
      tpu.wait_indirect_dma semaphore(%arg15 : memref<!tpu.dma_semaphore, #tpu.memory_space<semaphore_mem>>) src(%dma_wait3A_685 : memref<1048576xi32, #tpu.memory_space<hbm>>) dst(%dma_wait3A_680 : memref<128xi32, #tpu.memory_space<vmem>>)
      %dma_wait3A_686 = arith.constant 384 : i32
      %dma_wait3A_687 = tpu.memref_slice %arg12[%dma_wait3A_686] : memref<2048xi32, #tpu.memory_space<vmem>> -> memref<128xi32, #tpu.memory_space<vmem>>
      %dma_wait3A_688 = arith.constant 384 : i32
      %dma_wait3A_689 = tpu.memref_slice %arg10[%sub3A_664, %dma_wait3A_688] : memref<2x2048xi32, #tpu.memory_space<vmem>> -> memref<1x128xi32, #tpu.memory_space<vmem>>
      %dma_wait3A_690 = tpu.memref_squeeze %dma_wait3A_689 : memref<1x128xi32, #tpu.memory_space<vmem>> -> memref<128xi32, #tpu.memory_space<vmem>>
      %dma_wait3A_691 = arith.constant 0 : i32
      %dma_wait3A_692 = tpu.memref_slice %arg5[%dma_wait3A_691] : memref<1048576xi32, #tpu.memory_space<hbm>> -> memref<1048576xi32, #tpu.memory_space<hbm>>
      tpu.wait_indirect_dma semaphore(%arg15 : memref<!tpu.dma_semaphore, #tpu.memory_space<semaphore_mem>>) src(%dma_wait3A_692 : memref<1048576xi32, #tpu.memory_space<hbm>>) dst(%dma_wait3A_687 : memref<128xi32, #tpu.memory_space<vmem>>)
      %dma_wait3A_693 = arith.constant 512 : i32
      %dma_wait3A_694 = tpu.memref_slice %arg12[%dma_wait3A_693] : memref<2048xi32, #tpu.memory_space<vmem>> -> memref<128xi32, #tpu.memory_space<vmem>>
      %dma_wait3A_695 = arith.constant 512 : i32
      %dma_wait3A_696 = tpu.memref_slice %arg10[%sub3A_664, %dma_wait3A_695] : memref<2x2048xi32, #tpu.memory_space<vmem>> -> memref<1x128xi32, #tpu.memory_space<vmem>>
      %dma_wait3A_697 = tpu.memref_squeeze %dma_wait3A_696 : memref<1x128xi32, #tpu.memory_space<vmem>> -> memref<128xi32, #tpu.memory_space<vmem>>
      %dma_wait3A_698 = arith.constant 0 : i32
      %dma_wait3A_699 = tpu.memref_slice %arg5[%dma_wait3A_698] : memref<1048576xi32, #tpu.memory_space<hbm>> -> memref<1048576xi32, #tpu.memory_space<hbm>>
      tpu.wait_indirect_dma semaphore(%arg15 : memref<!tpu.dma_semaphore, #tpu.memory_space<semaphore_mem>>) src(%dma_wait3A_699 : memref<1048576xi32, #tpu.memory_space<hbm>>) dst(%dma_wait3A_694 : memref<128xi32, #tpu.memory_space<vmem>>)
      %dma_wait3A_700 = arith.constant 640 : i32
      %dma_wait3A_701 = tpu.memref_slice %arg12[%dma_wait3A_700] : memref<2048xi32, #tpu.memory_space<vmem>> -> memref<128xi32, #tpu.memory_space<vmem>>
      %dma_wait3A_702 = arith.constant 640 : i32
      %dma_wait3A_703 = tpu.memref_slice %arg10[%sub3A_664, %dma_wait3A_702] : memref<2x2048xi32, #tpu.memory_space<vmem>> -> memref<1x128xi32, #tpu.memory_space<vmem>>
      %dma_wait3A_704 = tpu.memref_squeeze %dma_wait3A_703 : memref<1x128xi32, #tpu.memory_space<vmem>> -> memref<128xi32, #tpu.memory_space<vmem>>
      %dma_wait3A_705 = arith.constant 0 : i32
      %dma_wait3A_706 = tpu.memref_slice %arg5[%dma_wait3A_705] : memref<1048576xi32, #tpu.memory_space<hbm>> -> memref<1048576xi32, #tpu.memory_space<hbm>>
      tpu.wait_indirect_dma semaphore(%arg15 : memref<!tpu.dma_semaphore, #tpu.memory_space<semaphore_mem>>) src(%dma_wait3A_706 : memref<1048576xi32, #tpu.memory_space<hbm>>) dst(%dma_wait3A_701 : memref<128xi32, #tpu.memory_space<vmem>>)
      %dma_wait3A_707 = arith.constant 768 : i32
      %dma_wait3A_708 = tpu.memref_slice %arg12[%dma_wait3A_707] : memref<2048xi32, #tpu.memory_space<vmem>> -> memref<128xi32, #tpu.memory_space<vmem>>
      %dma_wait3A_709 = arith.constant 768 : i32
      %dma_wait3A_710 = tpu.memref_slice %arg10[%sub3A_664, %dma_wait3A_709] : memref<2x2048xi32, #tpu.memory_space<vmem>> -> memref<1x128xi32, #tpu.memory_space<vmem>>
      %dma_wait3A_711 = tpu.memref_squeeze %dma_wait3A_710 : memref<1x128xi32, #tpu.memory_space<vmem>> -> memref<128xi32, #tpu.memory_space<vmem>>
      %dma_wait3A_712 = arith.constant 0 : i32
      %dma_wait3A_713 = tpu.memref_slice %arg5[%dma_wait3A_712] : memref<1048576xi32, #tpu.memory_space<hbm>> -> memref<1048576xi32, #tpu.memory_space<hbm>>
      tpu.wait_indirect_dma semaphore(%arg15 : memref<!tpu.dma_semaphore, #tpu.memory_space<semaphore_mem>>) src(%dma_wait3A_713 : memref<1048576xi32, #tpu.memory_space<hbm>>) dst(%dma_wait3A_708 : memref<128xi32, #tpu.memory_space<vmem>>)
      %dma_wait3A_714 = arith.constant 896 : i32
      %dma_wait3A_715 = tpu.memref_slice %arg12[%dma_wait3A_714] : memref<2048xi32, #tpu.memory_space<vmem>> -> memref<128xi32, #tpu.memory_space<vmem>>
      %dma_wait3A_716 = arith.constant 896 : i32
      %dma_wait3A_717 = tpu.memref_slice %arg10[%sub3A_664, %dma_wait3A_716] : memref<2x2048xi32, #tpu.memory_space<vmem>> -> memref<1x128xi32, #tpu.memory_space<vmem>>
      %dma_wait3A_718 = tpu.memref_squeeze %dma_wait3A_717 : memref<1x128xi32, #tpu.memory_space<vmem>> -> memref<128xi32, #tpu.memory_space<vmem>>
      %dma_wait3A_719 = arith.constant 0 : i32
      %dma_wait3A_720 = tpu.memref_slice %arg5[%dma_wait3A_719] : memref<1048576xi32, #tpu.memory_space<hbm>> -> memref<1048576xi32, #tpu.memory_space<hbm>>
      tpu.wait_indirect_dma semaphore(%arg15 : memref<!tpu.dma_semaphore, #tpu.memory_space<semaphore_mem>>) src(%dma_wait3A_720 : memref<1048576xi32, #tpu.memory_space<hbm>>) dst(%dma_wait3A_715 : memref<128xi32, #tpu.memory_space<vmem>>)
      %dma_wait3A_721 = arith.constant 1024 : i32
      %dma_wait3A_722 = tpu.memref_slice %arg12[%dma_wait3A_721] : memref<2048xi32, #tpu.memory_space<vmem>> -> memref<128xi32, #tpu.memory_space<vmem>>
      %dma_wait3A_723 = arith.constant 1024 : i32
      %dma_wait3A_724 = tpu.memref_slice %arg10[%sub3A_664, %dma_wait3A_723] : memref<2x2048xi32, #tpu.memory_space<vmem>> -> memref<1x128xi32, #tpu.memory_space<vmem>>
      %dma_wait3A_725 = tpu.memref_squeeze %dma_wait3A_724 : memref<1x128xi32, #tpu.memory_space<vmem>> -> memref<128xi32, #tpu.memory_space<vmem>>
      %dma_wait3A_726 = arith.constant 0 : i32
      %dma_wait3A_727 = tpu.memref_slice %arg5[%dma_wait3A_726] : memref<1048576xi32, #tpu.memory_space<hbm>> -> memref<1048576xi32, #tpu.memory_space<hbm>>
      tpu.wait_indirect_dma semaphore(%arg15 : memref<!tpu.dma_semaphore, #tpu.memory_space<semaphore_mem>>) src(%dma_wait3A_727 : memref<1048576xi32, #tpu.memory_space<hbm>>) dst(%dma_wait3A_722 : memref<128xi32, #tpu.memory_space<vmem>>)
      %dma_wait3A_728 = arith.constant 1152 : i32
      %dma_wait3A_729 = tpu.memref_slice %arg12[%dma_wait3A_728] : memref<2048xi32, #tpu.memory_space<vmem>> -> memref<128xi32, #tpu.memory_space<vmem>>
      %dma_wait3A_730 = arith.constant 1152 : i32
      %dma_wait3A_731 = tpu.memref_slice %arg10[%sub3A_664, %dma_wait3A_730] : memref<2x2048xi32, #tpu.memory_space<vmem>> -> memref<1x128xi32, #tpu.memory_space<vmem>>
      %dma_wait3A_732 = tpu.memref_squeeze %dma_wait3A_731 : memref<1x128xi32, #tpu.memory_space<vmem>> -> memref<128xi32, #tpu.memory_space<vmem>>
      %dma_wait3A_733 = arith.constant 0 : i32
      %dma_wait3A_734 = tpu.memref_slice %arg5[%dma_wait3A_733] : memref<1048576xi32, #tpu.memory_space<hbm>> -> memref<1048576xi32, #tpu.memory_space<hbm>>
      tpu.wait_indirect_dma semaphore(%arg15 : memref<!tpu.dma_semaphore, #tpu.memory_space<semaphore_mem>>) src(%dma_wait3A_734 : memref<1048576xi32, #tpu.memory_space<hbm>>) dst(%dma_wait3A_729 : memref<128xi32, #tpu.memory_space<vmem>>)
      %dma_wait3A_735 = arith.constant 1280 : i32
      %dma_wait3A_736 = tpu.memref_slice %arg12[%dma_wait3A_735] : memref<2048xi32, #tpu.memory_space<vmem>> -> memref<128xi32, #tpu.memory_space<vmem>>
      %dma_wait3A_737 = arith.constant 1280 : i32
      %dma_wait3A_738 = tpu.memref_slice %arg10[%sub3A_664, %dma_wait3A_737] : memref<2x2048xi32, #tpu.memory_space<vmem>> -> memref<1x128xi32, #tpu.memory_space<vmem>>
      %dma_wait3A_739 = tpu.memref_squeeze %dma_wait3A_738 : memref<1x128xi32, #tpu.memory_space<vmem>> -> memref<128xi32, #tpu.memory_space<vmem>>
      %dma_wait3A_740 = arith.constant 0 : i32
      %dma_wait3A_741 = tpu.memref_slice %arg5[%dma_wait3A_740] : memref<1048576xi32, #tpu.memory_space<hbm>> -> memref<1048576xi32, #tpu.memory_space<hbm>>
      tpu.wait_indirect_dma semaphore(%arg15 : memref<!tpu.dma_semaphore, #tpu.memory_space<semaphore_mem>>) src(%dma_wait3A_741 : memref<1048576xi32, #tpu.memory_space<hbm>>) dst(%dma_wait3A_736 : memref<128xi32, #tpu.memory_space<vmem>>)
      %dma_wait3A_742 = arith.constant 1408 : i32
      %dma_wait3A_743 = tpu.memref_slice %arg12[%dma_wait3A_742] : memref<2048xi32, #tpu.memory_space<vmem>> -> memref<128xi32, #tpu.memory_space<vmem>>
      %dma_wait3A_744 = arith.constant 1408 : i32
      %dma_wait3A_745 = tpu.memref_slice %arg10[%sub3A_664, %dma_wait3A_744] : memref<2x2048xi32, #tpu.memory_space<vmem>> -> memref<1x128xi32, #tpu.memory_space<vmem>>
      %dma_wait3A_746 = tpu.memref_squeeze %dma_wait3A_745 : memref<1x128xi32, #tpu.memory_space<vmem>> -> memref<128xi32, #tpu.memory_space<vmem>>
      %dma_wait3A_747 = arith.constant 0 : i32
      %dma_wait3A_748 = tpu.memref_slice %arg5[%dma_wait3A_747] : memref<1048576xi32, #tpu.memory_space<hbm>> -> memref<1048576xi32, #tpu.memory_space<hbm>>
      tpu.wait_indirect_dma semaphore(%arg15 : memref<!tpu.dma_semaphore, #tpu.memory_space<semaphore_mem>>) src(%dma_wait3A_748 : memref<1048576xi32, #tpu.memory_space<hbm>>) dst(%dma_wait3A_743 : memref<128xi32, #tpu.memory_space<vmem>>)
      %dma_wait3A_749 = arith.constant 1536 : i32
      %dma_wait3A_750 = tpu.memref_slice %arg12[%dma_wait3A_749] : memref<2048xi32, #tpu.memory_space<vmem>> -> memref<128xi32, #tpu.memory_space<vmem>>
      %dma_wait3A_751 = arith.constant 1536 : i32
      %dma_wait3A_752 = tpu.memref_slice %arg10[%sub3A_664, %dma_wait3A_751] : memref<2x2048xi32, #tpu.memory_space<vmem>> -> memref<1x128xi32, #tpu.memory_space<vmem>>
      %dma_wait3A_753 = tpu.memref_squeeze %dma_wait3A_752 : memref<1x128xi32, #tpu.memory_space<vmem>> -> memref<128xi32, #tpu.memory_space<vmem>>
      %dma_wait3A_754 = arith.constant 0 : i32
      %dma_wait3A_755 = tpu.memref_slice %arg5[%dma_wait3A_754] : memref<1048576xi32, #tpu.memory_space<hbm>> -> memref<1048576xi32, #tpu.memory_space<hbm>>
      tpu.wait_indirect_dma semaphore(%arg15 : memref<!tpu.dma_semaphore, #tpu.memory_space<semaphore_mem>>) src(%dma_wait3A_755 : memref<1048576xi32, #tpu.memory_space<hbm>>) dst(%dma_wait3A_750 : memref<128xi32, #tpu.memory_space<vmem>>)
      %dma_wait3A_756 = arith.constant 1664 : i32
      %dma_wait3A_757 = tpu.memref_slice %arg12[%dma_wait3A_756] : memref<2048xi32, #tpu.memory_space<vmem>> -> memref<128xi32, #tpu.memory_space<vmem>>
      %dma_wait3A_758 = arith.constant 1664 : i32
      %dma_wait3A_759 = tpu.memref_slice %arg10[%sub3A_664, %dma_wait3A_758] : memref<2x2048xi32, #tpu.memory_space<vmem>> -> memref<1x128xi32, #tpu.memory_space<vmem>>
      %dma_wait3A_760 = tpu.memref_squeeze %dma_wait3A_759 : memref<1x128xi32, #tpu.memory_space<vmem>> -> memref<128xi32, #tpu.memory_space<vmem>>
      %dma_wait3A_761 = arith.constant 0 : i32
      %dma_wait3A_762 = tpu.memref_slice %arg5[%dma_wait3A_761] : memref<1048576xi32, #tpu.memory_space<hbm>> -> memref<1048576xi32, #tpu.memory_space<hbm>>
      tpu.wait_indirect_dma semaphore(%arg15 : memref<!tpu.dma_semaphore, #tpu.memory_space<semaphore_mem>>) src(%dma_wait3A_762 : memref<1048576xi32, #tpu.memory_space<hbm>>) dst(%dma_wait3A_757 : memref<128xi32, #tpu.memory_space<vmem>>)
      %dma_wait3A_763 = arith.constant 1792 : i32
      %dma_wait3A_764 = tpu.memref_slice %arg12[%dma_wait3A_763] : memref<2048xi32, #tpu.memory_space<vmem>> -> memref<128xi32, #tpu.memory_space<vmem>>
      %dma_wait3A_765 = arith.constant 1792 : i32
      %dma_wait3A_766 = tpu.memref_slice %arg10[%sub3A_664, %dma_wait3A_765] : memref<2x2048xi32, #tpu.memory_space<vmem>> -> memref<1x128xi32, #tpu.memory_space<vmem>>
      %dma_wait3A_767 = tpu.memref_squeeze %dma_wait3A_766 : memref<1x128xi32, #tpu.memory_space<vmem>> -> memref<128xi32, #tpu.memory_space<vmem>>
      %dma_wait3A_768 = arith.constant 0 : i32
      %dma_wait3A_769 = tpu.memref_slice %arg5[%dma_wait3A_768] : memref<1048576xi32, #tpu.memory_space<hbm>> -> memref<1048576xi32, #tpu.memory_space<hbm>>
      tpu.wait_indirect_dma semaphore(%arg15 : memref<!tpu.dma_semaphore, #tpu.memory_space<semaphore_mem>>) src(%dma_wait3A_769 : memref<1048576xi32, #tpu.memory_space<hbm>>) dst(%dma_wait3A_764 : memref<128xi32, #tpu.memory_space<vmem>>)
      %dma_wait3A_770 = arith.constant 1920 : i32
      %dma_wait3A_771 = tpu.memref_slice %arg12[%dma_wait3A_770] : memref<2048xi32, #tpu.memory_space<vmem>> -> memref<128xi32, #tpu.memory_space<vmem>>
      %dma_wait3A_772 = arith.constant 1920 : i32
      %dma_wait3A_773 = tpu.memref_slice %arg10[%sub3A_664, %dma_wait3A_772] : memref<2x2048xi32, #tpu.memory_space<vmem>> -> memref<1x128xi32, #tpu.memory_space<vmem>>
      %dma_wait3A_774 = tpu.memref_squeeze %dma_wait3A_773 : memref<1x128xi32, #tpu.memory_space<vmem>> -> memref<128xi32, #tpu.memory_space<vmem>>
      %dma_wait3A_775 = arith.constant 0 : i32
      %dma_wait3A_776 = tpu.memref_slice %arg5[%dma_wait3A_775] : memref<1048576xi32, #tpu.memory_space<hbm>> -> memref<1048576xi32, #tpu.memory_space<hbm>>
      tpu.wait_indirect_dma semaphore(%arg15 : memref<!tpu.dma_semaphore, #tpu.memory_space<semaphore_mem>>) src(%dma_wait3A_776 : memref<1048576xi32, #tpu.memory_space<hbm>>) dst(%dma_wait3A_771 : memref<128xi32, #tpu.memory_space<vmem>>)
      %ge3A = arith.constant 3 : i32
      %ge3A_777 = arith.cmpi sge, %scan3A_587, %ge3A : i32
      %convert_element_type3A_778 = arith.extui %ge3A_777 : i1 to i32
      %cond3A_779 = arith.constant 0 : i32
      %cond3A_780 = arith.cmpi ne, %convert_element_type3A_778, %cond3A_779 : i32
      scf.if %cond3A_780 {
        %sub3A_914 = arith.constant 3 : i32
        %sub3A_915 = arith.subi %scan3A_587, %sub3A_914 : i32
        %sub3A_916 = arith.constant 1 : i32
        %sub3A_917 = arith.subi %sub3A_916, %and3A_589 : i32
        %mul3A_918 = arith.constant 2048 : i32
        %mul3A_919 = arith.muli %sub3A_915, %mul3A_918 : i32
        %add3A_920 = arith.addi %mul3A_2, %mul3A_919 : i32
        %multiple_of3A_921 = tpu.assume_multiple %add3A_920, 8 : i32
        %dma_wait3A_922 = arith.constant 0 : i32
        %dma_wait3A_923 = tpu.memref_slice %arg13[%sub3A_917, %dma_wait3A_922] : memref<2x2048xi32, #tpu.memory_space<vmem>> -> memref<1x2048xi32, #tpu.memory_space<vmem>>
        %dma_wait3A_924 = tpu.memref_squeeze %dma_wait3A_923 : memref<1x2048xi32, #tpu.memory_space<vmem>> -> memref<2048xi32, #tpu.memory_space<vmem>>
        %dma_wait3A_925 = tpu.memref_slice %arg4[%multiple_of3A_921] : memref<1048576xi32, #tpu.memory_space<hbm>> -> memref<2048xi32, #tpu.memory_space<hbm>>
        %dma_wait3A_926 = tpu.memref_slice %arg4[%multiple_of3A_921] : memref<1048576xi32, #tpu.memory_space<hbm>> -> memref<2048xi32, #tpu.memory_space<hbm>>
        %dma_wait3A_927 = arith.constant 0 : i32
        %dma_wait3A_928 = tpu.memref_slice %arg13[%sub3A_917, %dma_wait3A_927] : memref<2x2048xi32, #tpu.memory_space<vmem>> -> memref<1x2048xi32, #tpu.memory_space<vmem>>
        %dma_wait3A_929 = tpu.memref_squeeze %dma_wait3A_928 : memref<1x2048xi32, #tpu.memory_space<vmem>> -> memref<2048xi32, #tpu.memory_space<vmem>>
        tpu.wait_dma2 semaphore(%arg16 : memref<!tpu.dma_semaphore, #tpu.memory_space<semaphore_mem>>) src(%dma_wait3A_929 : memref<2048xi32, #tpu.memory_space<vmem>>) dst(%dma_wait3A_926 : memref<2048xi32, #tpu.memory_space<hbm>>)
      } else {
      }
      %sub3A_781 = arith.constant 1 : i32
      %sub3A_782 = arith.subi %scan3A_587, %sub3A_781 : i32
      %sub3A_783 = arith.constant 1 : i32
      %sub3A_784 = arith.subi %sub3A_783, %and3A_589 : i32
      %scan3A_785 = arith.constant 0 : i32
      %scan3A_786 = arith.constant 128 : i32
      %scan3A_787 = arith.addi %scan3A_785, %scan3A_786 : i32
      %scan3A_788 = arith.constant 4 : i32
      scf.for %scan3A_914 = %scan3A_785 to %scan3A_787 step %scan3A_788  : i32 {
        %mul3A_915 = arith.constant 16 : i32
        %mul3A_916 = arith.muli %scan3A_914, %mul3A_915 : i32
        %multiple_of3A_917 = tpu.assume_multiple %mul3A_916, 8 : i32
        %get3A = arith.index_cast %multiple_of3A_917 : i32 to index
        %get3A_918 = tpu.vector_load %arg12[%get3A] {strides = array<i32>} : memref<2048xi32, #tpu.memory_space<vmem>>, vector<16xi32>,
        %get3A_919 = arith.index_cast %sub3A_784 : i32 to index
        %get3A_920 = arith.index_cast %multiple_of3A_917 : i32 to index
        %get3A_921 = tpu.vector_load %arg11[%get3A_919, %get3A_920] {strides = array<i32>} : memref<2x2048xi32, #tpu.memory_space<vmem>>, vector<16xi32>,
        %shift_right_logical3A = arith.shrui %get3A_918, %get3A_921 : vector<16xi32>
        %and3A_922 = arith.constant 1 : i32
        %and3A_923 = vector.broadcast %and3A_922 : i32 to vector<16xi32>
        %and3A_924 = arith.andi %shift_right_logical3A, %and3A_923 : vector<16xi32>
        %swap3A = arith.index_cast %sub3A_784 : i32 to index
        %swap3A_925 = arith.index_cast %multiple_of3A_917 : i32 to index
        %swap3A_926 = tpu.vector_load %arg13[%swap3A, %swap3A_925] {strides = array<i32>} : memref<2x2048xi32, #tpu.memory_space<vmem>>, vector<16xi32>,
        tpu.vector_store %arg13[%swap3A, %swap3A_925], %and3A_924 {strides = array<i32>} : memref<2x2048xi32, #tpu.memory_space<vmem>>, vector<16xi32>,
        %scan3A_927 = arith.constant 1 : i32
        %scan3A_928 = arith.addi %scan3A_914, %scan3A_927 : i32
        %mul3A_929 = arith.constant 16 : i32
        %mul3A_930 = arith.muli %scan3A_928, %mul3A_929 : i32
        %multiple_of3A_931 = tpu.assume_multiple %mul3A_930, 8 : i32
        %get3A_932 = arith.index_cast %multiple_of3A_931 : i32 to index
        %get3A_933 = tpu.vector_load %arg12[%get3A_932] {strides = array<i32>} : memref<2048xi32, #tpu.memory_space<vmem>>, vector<16xi32>,
        %get3A_934 = arith.index_cast %sub3A_784 : i32 to index
        %get3A_935 = arith.index_cast %multiple_of3A_931 : i32 to index
        %get3A_936 = tpu.vector_load %arg11[%get3A_934, %get3A_935] {strides = array<i32>} : memref<2x2048xi32, #tpu.memory_space<vmem>>, vector<16xi32>,
        %shift_right_logical3A_937 = arith.shrui %get3A_933, %get3A_936 : vector<16xi32>
        %and3A_938 = arith.constant 1 : i32
        %and3A_939 = vector.broadcast %and3A_938 : i32 to vector<16xi32>
        %and3A_940 = arith.andi %shift_right_logical3A_937, %and3A_939 : vector<16xi32>
        %swap3A_941 = arith.index_cast %sub3A_784 : i32 to index
        %swap3A_942 = arith.index_cast %multiple_of3A_931 : i32 to index
        %swap3A_943 = tpu.vector_load %arg13[%swap3A_941, %swap3A_942] {strides = array<i32>} : memref<2x2048xi32, #tpu.memory_space<vmem>>, vector<16xi32>,
        tpu.vector_store %arg13[%swap3A_941, %swap3A_942], %and3A_940 {strides = array<i32>} : memref<2x2048xi32, #tpu.memory_space<vmem>>, vector<16xi32>,
        %scan3A_944 = arith.constant 2 : i32
        %scan3A_945 = arith.addi %scan3A_914, %scan3A_944 : i32
        %mul3A_946 = arith.constant 16 : i32
        %mul3A_947 = arith.muli %scan3A_945, %mul3A_946 : i32
        %multiple_of3A_948 = tpu.assume_multiple %mul3A_947, 8 : i32
        %get3A_949 = arith.index_cast %multiple_of3A_948 : i32 to index
        %get3A_950 = tpu.vector_load %arg12[%get3A_949] {strides = array<i32>} : memref<2048xi32, #tpu.memory_space<vmem>>, vector<16xi32>,
        %get3A_951 = arith.index_cast %sub3A_784 : i32 to index
        %get3A_952 = arith.index_cast %multiple_of3A_948 : i32 to index
        %get3A_953 = tpu.vector_load %arg11[%get3A_951, %get3A_952] {strides = array<i32>} : memref<2x2048xi32, #tpu.memory_space<vmem>>, vector<16xi32>,
        %shift_right_logical3A_954 = arith.shrui %get3A_950, %get3A_953 : vector<16xi32>
        %and3A_955 = arith.constant 1 : i32
        %and3A_956 = vector.broadcast %and3A_955 : i32 to vector<16xi32>
        %and3A_957 = arith.andi %shift_right_logical3A_954, %and3A_956 : vector<16xi32>
        %swap3A_958 = arith.index_cast %sub3A_784 : i32 to index
        %swap3A_959 = arith.index_cast %multiple_of3A_948 : i32 to index
        %swap3A_960 = tpu.vector_load %arg13[%swap3A_958, %swap3A_959] {strides = array<i32>} : memref<2x2048xi32, #tpu.memory_space<vmem>>, vector<16xi32>,
        tpu.vector_store %arg13[%swap3A_958, %swap3A_959], %and3A_957 {strides = array<i32>} : memref<2x2048xi32, #tpu.memory_space<vmem>>, vector<16xi32>,
        %scan3A_961 = arith.constant 3 : i32
        %scan3A_962 = arith.addi %scan3A_914, %scan3A_961 : i32
        %mul3A_963 = arith.constant 16 : i32
        %mul3A_964 = arith.muli %scan3A_962, %mul3A_963 : i32
        %multiple_of3A_965 = tpu.assume_multiple %mul3A_964, 8 : i32
        %get3A_966 = arith.index_cast %multiple_of3A_965 : i32 to index
        %get3A_967 = tpu.vector_load %arg12[%get3A_966] {strides = array<i32>} : memref<2048xi32, #tpu.memory_space<vmem>>, vector<16xi32>,
        %get3A_968 = arith.index_cast %sub3A_784 : i32 to index
        %get3A_969 = arith.index_cast %multiple_of3A_965 : i32 to index
        %get3A_970 = tpu.vector_load %arg11[%get3A_968, %get3A_969] {strides = array<i32>} : memref<2x2048xi32, #tpu.memory_space<vmem>>, vector<16xi32>,
        %shift_right_logical3A_971 = arith.shrui %get3A_967, %get3A_970 : vector<16xi32>
        %and3A_972 = arith.constant 1 : i32
        %and3A_973 = vector.broadcast %and3A_972 : i32 to vector<16xi32>
        %and3A_974 = arith.andi %shift_right_logical3A_971, %and3A_973 : vector<16xi32>
        %swap3A_975 = arith.index_cast %sub3A_784 : i32 to index
        %swap3A_976 = arith.index_cast %multiple_of3A_965 : i32 to index
        %swap3A_977 = tpu.vector_load %arg13[%swap3A_975, %swap3A_976] {strides = array<i32>} : memref<2x2048xi32, #tpu.memory_space<vmem>>, vector<16xi32>,
        tpu.vector_store %arg13[%swap3A_975, %swap3A_976], %and3A_974 {strides = array<i32>} : memref<2x2048xi32, #tpu.memory_space<vmem>>, vector<16xi32>,
      }
      %scan3A_789 = arith.constant 128 : i32
      %mul3A_790 = arith.constant 2048 : i32
      %mul3A_791 = arith.muli %sub3A_782, %mul3A_790 : i32
      %add3A_792 = arith.addi %mul3A_2, %mul3A_791 : i32
      %multiple_of3A_793 = tpu.assume_multiple %add3A_792, 8 : i32
      %dma_start3A_794 = arith.constant 0 : i32
      %dma_start3A_795 = tpu.memref_slice %arg13[%sub3A_784, %dma_start3A_794] : memref<2x2048xi32, #tpu.memory_space<vmem>> -> memref<1x2048xi32, #tpu.memory_space<vmem>>
      %dma_start3A_796 = tpu.memref_squeeze %dma_start3A_795 : memref<1x2048xi32, #tpu.memory_space<vmem>> -> memref<2048xi32, #tpu.memory_space<vmem>>
      %dma_start3A_797 = tpu.memref_slice %arg4[%multiple_of3A_793] : memref<1048576xi32, #tpu.memory_space<hbm>> -> memref<2048xi32, #tpu.memory_space<hbm>>
      %dma_start3A_798 = tpu.memref_slice %arg4[%multiple_of3A_793] : memref<1048576xi32, #tpu.memory_space<hbm>> -> memref<2048xi32, #tpu.memory_space<hbm>>
      %dma_start3A_799 = arith.constant 0 : i32
      %dma_start3A_800 = tpu.memref_slice %arg13[%sub3A_784, %dma_start3A_799] : memref<2x2048xi32, #tpu.memory_space<vmem>> -> memref<1x2048xi32, #tpu.memory_space<vmem>>
      %dma_start3A_801 = tpu.memref_squeeze %dma_start3A_800 : memref<1x2048xi32, #tpu.memory_space<vmem>> -> memref<2048xi32, #tpu.memory_space<vmem>>
      tpu.enqueue_dma source(%dma_start3A_801 : memref<2048xi32, #tpu.memory_space<vmem>>) target(%dma_start3A_798 : memref<2048xi32, #tpu.memory_space<hbm>>) target_semaphore(%arg16 : memref<!tpu.dma_semaphore, #tpu.memory_space<semaphore_mem>>)
      %dma_start3A_802 = arith.constant 0 : i32
      %dma_start3A_803 = tpu.memref_slice %arg12[%dma_start3A_802] : memref<2048xi32, #tpu.memory_space<vmem>> -> memref<128xi32, #tpu.memory_space<vmem>>
      %dma_start3A_804 = arith.constant 0 : i32
      %dma_start3A_805 = tpu.memref_slice %arg10[%and3A_589, %dma_start3A_804] : memref<2x2048xi32, #tpu.memory_space<vmem>> -> memref<1x128xi32, #tpu.memory_space<vmem>>
      %dma_start3A_806 = tpu.memref_squeeze %dma_start3A_805 : memref<1x128xi32, #tpu.memory_space<vmem>> -> memref<128xi32, #tpu.memory_space<vmem>>
      %dma_start3A_807 = arith.constant 0 : i32
      %dma_start3A_808 = tpu.memref_slice %arg5[%dma_start3A_807] : memref<1048576xi32, #tpu.memory_space<hbm>> -> memref<1048576xi32, #tpu.memory_space<hbm>>
      tpu.enqueue_indirect_dma source(%dma_start3A_808 : memref<1048576xi32, #tpu.memory_space<hbm>>) target(%dma_start3A_803 : memref<128xi32, #tpu.memory_space<vmem>>) offsets(%dma_start3A_806 : memref<128xi32, #tpu.memory_space<vmem>>) semaphore(%arg15 : memref<!tpu.dma_semaphore, #tpu.memory_space<semaphore_mem>>)
      %dma_start3A_809 = arith.constant 128 : i32
      %dma_start3A_810 = tpu.memref_slice %arg12[%dma_start3A_809] : memref<2048xi32, #tpu.memory_space<vmem>> -> memref<128xi32, #tpu.memory_space<vmem>>
      %dma_start3A_811 = arith.constant 128 : i32
      %dma_start3A_812 = tpu.memref_slice %arg10[%and3A_589, %dma_start3A_811] : memref<2x2048xi32, #tpu.memory_space<vmem>> -> memref<1x128xi32, #tpu.memory_space<vmem>>
      %dma_start3A_813 = tpu.memref_squeeze %dma_start3A_812 : memref<1x128xi32, #tpu.memory_space<vmem>> -> memref<128xi32, #tpu.memory_space<vmem>>
      %dma_start3A_814 = arith.constant 0 : i32
      %dma_start3A_815 = tpu.memref_slice %arg5[%dma_start3A_814] : memref<1048576xi32, #tpu.memory_space<hbm>> -> memref<1048576xi32, #tpu.memory_space<hbm>>
      tpu.enqueue_indirect_dma source(%dma_start3A_815 : memref<1048576xi32, #tpu.memory_space<hbm>>) target(%dma_start3A_810 : memref<128xi32, #tpu.memory_space<vmem>>) offsets(%dma_start3A_813 : memref<128xi32, #tpu.memory_space<vmem>>) semaphore(%arg15 : memref<!tpu.dma_semaphore, #tpu.memory_space<semaphore_mem>>)
      %dma_start3A_816 = arith.constant 256 : i32
      %dma_start3A_817 = tpu.memref_slice %arg12[%dma_start3A_816] : memref<2048xi32, #tpu.memory_space<vmem>> -> memref<128xi32, #tpu.memory_space<vmem>>
      %dma_start3A_818 = arith.constant 256 : i32
      %dma_start3A_819 = tpu.memref_slice %arg10[%and3A_589, %dma_start3A_818] : memref<2x2048xi32, #tpu.memory_space<vmem>> -> memref<1x128xi32, #tpu.memory_space<vmem>>
      %dma_start3A_820 = tpu.memref_squeeze %dma_start3A_819 : memref<1x128xi32, #tpu.memory_space<vmem>> -> memref<128xi32, #tpu.memory_space<vmem>>
      %dma_start3A_821 = arith.constant 0 : i32
      %dma_start3A_822 = tpu.memref_slice %arg5[%dma_start3A_821] : memref<1048576xi32, #tpu.memory_space<hbm>> -> memref<1048576xi32, #tpu.memory_space<hbm>>
      tpu.enqueue_indirect_dma source(%dma_start3A_822 : memref<1048576xi32, #tpu.memory_space<hbm>>) target(%dma_start3A_817 : memref<128xi32, #tpu.memory_space<vmem>>) offsets(%dma_start3A_820 : memref<128xi32, #tpu.memory_space<vmem>>) semaphore(%arg15 : memref<!tpu.dma_semaphore, #tpu.memory_space<semaphore_mem>>)
      %dma_start3A_823 = arith.constant 384 : i32
      %dma_start3A_824 = tpu.memref_slice %arg12[%dma_start3A_823] : memref<2048xi32, #tpu.memory_space<vmem>> -> memref<128xi32, #tpu.memory_space<vmem>>
      %dma_start3A_825 = arith.constant 384 : i32
      %dma_start3A_826 = tpu.memref_slice %arg10[%and3A_589, %dma_start3A_825] : memref<2x2048xi32, #tpu.memory_space<vmem>> -> memref<1x128xi32, #tpu.memory_space<vmem>>
      %dma_start3A_827 = tpu.memref_squeeze %dma_start3A_826 : memref<1x128xi32, #tpu.memory_space<vmem>> -> memref<128xi32, #tpu.memory_space<vmem>>
      %dma_start3A_828 = arith.constant 0 : i32
      %dma_start3A_829 = tpu.memref_slice %arg5[%dma_start3A_828] : memref<1048576xi32, #tpu.memory_space<hbm>> -> memref<1048576xi32, #tpu.memory_space<hbm>>
      tpu.enqueue_indirect_dma source(%dma_start3A_829 : memref<1048576xi32, #tpu.memory_space<hbm>>) target(%dma_start3A_824 : memref<128xi32, #tpu.memory_space<vmem>>) offsets(%dma_start3A_827 : memref<128xi32, #tpu.memory_space<vmem>>) semaphore(%arg15 : memref<!tpu.dma_semaphore, #tpu.memory_space<semaphore_mem>>)
      %dma_start3A_830 = arith.constant 512 : i32
      %dma_start3A_831 = tpu.memref_slice %arg12[%dma_start3A_830] : memref<2048xi32, #tpu.memory_space<vmem>> -> memref<128xi32, #tpu.memory_space<vmem>>
      %dma_start3A_832 = arith.constant 512 : i32
      %dma_start3A_833 = tpu.memref_slice %arg10[%and3A_589, %dma_start3A_832] : memref<2x2048xi32, #tpu.memory_space<vmem>> -> memref<1x128xi32, #tpu.memory_space<vmem>>
      %dma_start3A_834 = tpu.memref_squeeze %dma_start3A_833 : memref<1x128xi32, #tpu.memory_space<vmem>> -> memref<128xi32, #tpu.memory_space<vmem>>
      %dma_start3A_835 = arith.constant 0 : i32
      %dma_start3A_836 = tpu.memref_slice %arg5[%dma_start3A_835] : memref<1048576xi32, #tpu.memory_space<hbm>> -> memref<1048576xi32, #tpu.memory_space<hbm>>
      tpu.enqueue_indirect_dma source(%dma_start3A_836 : memref<1048576xi32, #tpu.memory_space<hbm>>) target(%dma_start3A_831 : memref<128xi32, #tpu.memory_space<vmem>>) offsets(%dma_start3A_834 : memref<128xi32, #tpu.memory_space<vmem>>) semaphore(%arg15 : memref<!tpu.dma_semaphore, #tpu.memory_space<semaphore_mem>>)
      %dma_start3A_837 = arith.constant 640 : i32
      %dma_start3A_838 = tpu.memref_slice %arg12[%dma_start3A_837] : memref<2048xi32, #tpu.memory_space<vmem>> -> memref<128xi32, #tpu.memory_space<vmem>>
      %dma_start3A_839 = arith.constant 640 : i32
      %dma_start3A_840 = tpu.memref_slice %arg10[%and3A_589, %dma_start3A_839] : memref<2x2048xi32, #tpu.memory_space<vmem>> -> memref<1x128xi32, #tpu.memory_space<vmem>>
      %dma_start3A_841 = tpu.memref_squeeze %dma_start3A_840 : memref<1x128xi32, #tpu.memory_space<vmem>> -> memref<128xi32, #tpu.memory_space<vmem>>
      %dma_start3A_842 = arith.constant 0 : i32
      %dma_start3A_843 = tpu.memref_slice %arg5[%dma_start3A_842] : memref<1048576xi32, #tpu.memory_space<hbm>> -> memref<1048576xi32, #tpu.memory_space<hbm>>
      tpu.enqueue_indirect_dma source(%dma_start3A_843 : memref<1048576xi32, #tpu.memory_space<hbm>>) target(%dma_start3A_838 : memref<128xi32, #tpu.memory_space<vmem>>) offsets(%dma_start3A_841 : memref<128xi32, #tpu.memory_space<vmem>>) semaphore(%arg15 : memref<!tpu.dma_semaphore, #tpu.memory_space<semaphore_mem>>)
      %dma_start3A_844 = arith.constant 768 : i32
      %dma_start3A_845 = tpu.memref_slice %arg12[%dma_start3A_844] : memref<2048xi32, #tpu.memory_space<vmem>> -> memref<128xi32, #tpu.memory_space<vmem>>
      %dma_start3A_846 = arith.constant 768 : i32
      %dma_start3A_847 = tpu.memref_slice %arg10[%and3A_589, %dma_start3A_846] : memref<2x2048xi32, #tpu.memory_space<vmem>> -> memref<1x128xi32, #tpu.memory_space<vmem>>
      %dma_start3A_848 = tpu.memref_squeeze %dma_start3A_847 : memref<1x128xi32, #tpu.memory_space<vmem>> -> memref<128xi32, #tpu.memory_space<vmem>>
      %dma_start3A_849 = arith.constant 0 : i32
      %dma_start3A_850 = tpu.memref_slice %arg5[%dma_start3A_849] : memref<1048576xi32, #tpu.memory_space<hbm>> -> memref<1048576xi32, #tpu.memory_space<hbm>>
      tpu.enqueue_indirect_dma source(%dma_start3A_850 : memref<1048576xi32, #tpu.memory_space<hbm>>) target(%dma_start3A_845 : memref<128xi32, #tpu.memory_space<vmem>>) offsets(%dma_start3A_848 : memref<128xi32, #tpu.memory_space<vmem>>) semaphore(%arg15 : memref<!tpu.dma_semaphore, #tpu.memory_space<semaphore_mem>>)
      %dma_start3A_851 = arith.constant 896 : i32
      %dma_start3A_852 = tpu.memref_slice %arg12[%dma_start3A_851] : memref<2048xi32, #tpu.memory_space<vmem>> -> memref<128xi32, #tpu.memory_space<vmem>>
      %dma_start3A_853 = arith.constant 896 : i32
      %dma_start3A_854 = tpu.memref_slice %arg10[%and3A_589, %dma_start3A_853] : memref<2x2048xi32, #tpu.memory_space<vmem>> -> memref<1x128xi32, #tpu.memory_space<vmem>>
      %dma_start3A_855 = tpu.memref_squeeze %dma_start3A_854 : memref<1x128xi32, #tpu.memory_space<vmem>> -> memref<128xi32, #tpu.memory_space<vmem>>
      %dma_start3A_856 = arith.constant 0 : i32
      %dma_start3A_857 = tpu.memref_slice %arg5[%dma_start3A_856] : memref<1048576xi32, #tpu.memory_space<hbm>> -> memref<1048576xi32, #tpu.memory_space<hbm>>
      tpu.enqueue_indirect_dma source(%dma_start3A_857 : memref<1048576xi32, #tpu.memory_space<hbm>>) target(%dma_start3A_852 : memref<128xi32, #tpu.memory_space<vmem>>) offsets(%dma_start3A_855 : memref<128xi32, #tpu.memory_space<vmem>>) semaphore(%arg15 : memref<!tpu.dma_semaphore, #tpu.memory_space<semaphore_mem>>)
      %dma_start3A_858 = arith.constant 1024 : i32
      %dma_start3A_859 = tpu.memref_slice %arg12[%dma_start3A_858] : memref<2048xi32, #tpu.memory_space<vmem>> -> memref<128xi32, #tpu.memory_space<vmem>>
      %dma_start3A_860 = arith.constant 1024 : i32
      %dma_start3A_861 = tpu.memref_slice %arg10[%and3A_589, %dma_start3A_860] : memref<2x2048xi32, #tpu.memory_space<vmem>> -> memref<1x128xi32, #tpu.memory_space<vmem>>
      %dma_start3A_862 = tpu.memref_squeeze %dma_start3A_861 : memref<1x128xi32, #tpu.memory_space<vmem>> -> memref<128xi32, #tpu.memory_space<vmem>>
      %dma_start3A_863 = arith.constant 0 : i32
      %dma_start3A_864 = tpu.memref_slice %arg5[%dma_start3A_863] : memref<1048576xi32, #tpu.memory_space<hbm>> -> memref<1048576xi32, #tpu.memory_space<hbm>>
      tpu.enqueue_indirect_dma source(%dma_start3A_864 : memref<1048576xi32, #tpu.memory_space<hbm>>) target(%dma_start3A_859 : memref<128xi32, #tpu.memory_space<vmem>>) offsets(%dma_start3A_862 : memref<128xi32, #tpu.memory_space<vmem>>) semaphore(%arg15 : memref<!tpu.dma_semaphore, #tpu.memory_space<semaphore_mem>>)
      %dma_start3A_865 = arith.constant 1152 : i32
      %dma_start3A_866 = tpu.memref_slice %arg12[%dma_start3A_865] : memref<2048xi32, #tpu.memory_space<vmem>> -> memref<128xi32, #tpu.memory_space<vmem>>
      %dma_start3A_867 = arith.constant 1152 : i32
      %dma_start3A_868 = tpu.memref_slice %arg10[%and3A_589, %dma_start3A_867] : memref<2x2048xi32, #tpu.memory_space<vmem>> -> memref<1x128xi32, #tpu.memory_space<vmem>>
      %dma_start3A_869 = tpu.memref_squeeze %dma_start3A_868 : memref<1x128xi32, #tpu.memory_space<vmem>> -> memref<128xi32, #tpu.memory_space<vmem>>
      %dma_start3A_870 = arith.constant 0 : i32
      %dma_start3A_871 = tpu.memref_slice %arg5[%dma_start3A_870] : memref<1048576xi32, #tpu.memory_space<hbm>> -> memref<1048576xi32, #tpu.memory_space<hbm>>
      tpu.enqueue_indirect_dma source(%dma_start3A_871 : memref<1048576xi32, #tpu.memory_space<hbm>>) target(%dma_start3A_866 : memref<128xi32, #tpu.memory_space<vmem>>) offsets(%dma_start3A_869 : memref<128xi32, #tpu.memory_space<vmem>>) semaphore(%arg15 : memref<!tpu.dma_semaphore, #tpu.memory_space<semaphore_mem>>)
      %dma_start3A_872 = arith.constant 1280 : i32
      %dma_start3A_873 = tpu.memref_slice %arg12[%dma_start3A_872] : memref<2048xi32, #tpu.memory_space<vmem>> -> memref<128xi32, #tpu.memory_space<vmem>>
      %dma_start3A_874 = arith.constant 1280 : i32
      %dma_start3A_875 = tpu.memref_slice %arg10[%and3A_589, %dma_start3A_874] : memref<2x2048xi32, #tpu.memory_space<vmem>> -> memref<1x128xi32, #tpu.memory_space<vmem>>
      %dma_start3A_876 = tpu.memref_squeeze %dma_start3A_875 : memref<1x128xi32, #tpu.memory_space<vmem>> -> memref<128xi32, #tpu.memory_space<vmem>>
      %dma_start3A_877 = arith.constant 0 : i32
      %dma_start3A_878 = tpu.memref_slice %arg5[%dma_start3A_877] : memref<1048576xi32, #tpu.memory_space<hbm>> -> memref<1048576xi32, #tpu.memory_space<hbm>>
      tpu.enqueue_indirect_dma source(%dma_start3A_878 : memref<1048576xi32, #tpu.memory_space<hbm>>) target(%dma_start3A_873 : memref<128xi32, #tpu.memory_space<vmem>>) offsets(%dma_start3A_876 : memref<128xi32, #tpu.memory_space<vmem>>) semaphore(%arg15 : memref<!tpu.dma_semaphore, #tpu.memory_space<semaphore_mem>>)
      %dma_start3A_879 = arith.constant 1408 : i32
      %dma_start3A_880 = tpu.memref_slice %arg12[%dma_start3A_879] : memref<2048xi32, #tpu.memory_space<vmem>> -> memref<128xi32, #tpu.memory_space<vmem>>
      %dma_start3A_881 = arith.constant 1408 : i32
      %dma_start3A_882 = tpu.memref_slice %arg10[%and3A_589, %dma_start3A_881] : memref<2x2048xi32, #tpu.memory_space<vmem>> -> memref<1x128xi32, #tpu.memory_space<vmem>>
      %dma_start3A_883 = tpu.memref_squeeze %dma_start3A_882 : memref<1x128xi32, #tpu.memory_space<vmem>> -> memref<128xi32, #tpu.memory_space<vmem>>
      %dma_start3A_884 = arith.constant 0 : i32
      %dma_start3A_885 = tpu.memref_slice %arg5[%dma_start3A_884] : memref<1048576xi32, #tpu.memory_space<hbm>> -> memref<1048576xi32, #tpu.memory_space<hbm>>
      tpu.enqueue_indirect_dma source(%dma_start3A_885 : memref<1048576xi32, #tpu.memory_space<hbm>>) target(%dma_start3A_880 : memref<128xi32, #tpu.memory_space<vmem>>) offsets(%dma_start3A_883 : memref<128xi32, #tpu.memory_space<vmem>>) semaphore(%arg15 : memref<!tpu.dma_semaphore, #tpu.memory_space<semaphore_mem>>)
      %dma_start3A_886 = arith.constant 1536 : i32
      %dma_start3A_887 = tpu.memref_slice %arg12[%dma_start3A_886] : memref<2048xi32, #tpu.memory_space<vmem>> -> memref<128xi32, #tpu.memory_space<vmem>>
      %dma_start3A_888 = arith.constant 1536 : i32
      %dma_start3A_889 = tpu.memref_slice %arg10[%and3A_589, %dma_start3A_888] : memref<2x2048xi32, #tpu.memory_space<vmem>> -> memref<1x128xi32, #tpu.memory_space<vmem>>
      %dma_start3A_890 = tpu.memref_squeeze %dma_start3A_889 : memref<1x128xi32, #tpu.memory_space<vmem>> -> memref<128xi32, #tpu.memory_space<vmem>>
      %dma_start3A_891 = arith.constant 0 : i32
      %dma_start3A_892 = tpu.memref_slice %arg5[%dma_start3A_891] : memref<1048576xi32, #tpu.memory_space<hbm>> -> memref<1048576xi32, #tpu.memory_space<hbm>>
      tpu.enqueue_indirect_dma source(%dma_start3A_892 : memref<1048576xi32, #tpu.memory_space<hbm>>) target(%dma_start3A_887 : memref<128xi32, #tpu.memory_space<vmem>>) offsets(%dma_start3A_890 : memref<128xi32, #tpu.memory_space<vmem>>) semaphore(%arg15 : memref<!tpu.dma_semaphore, #tpu.memory_space<semaphore_mem>>)
      %dma_start3A_893 = arith.constant 1664 : i32
      %dma_start3A_894 = tpu.memref_slice %arg12[%dma_start3A_893] : memref<2048xi32, #tpu.memory_space<vmem>> -> memref<128xi32, #tpu.memory_space<vmem>>
      %dma_start3A_895 = arith.constant 1664 : i32
      %dma_start3A_896 = tpu.memref_slice %arg10[%and3A_589, %dma_start3A_895] : memref<2x2048xi32, #tpu.memory_space<vmem>> -> memref<1x128xi32, #tpu.memory_space<vmem>>
      %dma_start3A_897 = tpu.memref_squeeze %dma_start3A_896 : memref<1x128xi32, #tpu.memory_space<vmem>> -> memref<128xi32, #tpu.memory_space<vmem>>
      %dma_start3A_898 = arith.constant 0 : i32
      %dma_start3A_899 = tpu.memref_slice %arg5[%dma_start3A_898] : memref<1048576xi32, #tpu.memory_space<hbm>> -> memref<1048576xi32, #tpu.memory_space<hbm>>
      tpu.enqueue_indirect_dma source(%dma_start3A_899 : memref<1048576xi32, #tpu.memory_space<hbm>>) target(%dma_start3A_894 : memref<128xi32, #tpu.memory_space<vmem>>) offsets(%dma_start3A_897 : memref<128xi32, #tpu.memory_space<vmem>>) semaphore(%arg15 : memref<!tpu.dma_semaphore, #tpu.memory_space<semaphore_mem>>)
      %dma_start3A_900 = arith.constant 1792 : i32
      %dma_start3A_901 = tpu.memref_slice %arg12[%dma_start3A_900] : memref<2048xi32, #tpu.memory_space<vmem>> -> memref<128xi32, #tpu.memory_space<vmem>>
      %dma_start3A_902 = arith.constant 1792 : i32
      %dma_start3A_903 = tpu.memref_slice %arg10[%and3A_589, %dma_start3A_902] : memref<2x2048xi32, #tpu.memory_space<vmem>> -> memref<1x128xi32, #tpu.memory_space<vmem>>
      %dma_start3A_904 = tpu.memref_squeeze %dma_start3A_903 : memref<1x128xi32, #tpu.memory_space<vmem>> -> memref<128xi32, #tpu.memory_space<vmem>>
      %dma_start3A_905 = arith.constant 0 : i32
      %dma_start3A_906 = tpu.memref_slice %arg5[%dma_start3A_905] : memref<1048576xi32, #tpu.memory_space<hbm>> -> memref<1048576xi32, #tpu.memory_space<hbm>>
      tpu.enqueue_indirect_dma source(%dma_start3A_906 : memref<1048576xi32, #tpu.memory_space<hbm>>) target(%dma_start3A_901 : memref<128xi32, #tpu.memory_space<vmem>>) offsets(%dma_start3A_904 : memref<128xi32, #tpu.memory_space<vmem>>) semaphore(%arg15 : memref<!tpu.dma_semaphore, #tpu.memory_space<semaphore_mem>>)
      %dma_start3A_907 = arith.constant 1920 : i32
      %dma_start3A_908 = tpu.memref_slice %arg12[%dma_start3A_907] : memref<2048xi32, #tpu.memory_space<vmem>> -> memref<128xi32, #tpu.memory_space<vmem>>
      %dma_start3A_909 = arith.constant 1920 : i32
      %dma_start3A_910 = tpu.memref_slice %arg10[%and3A_589, %dma_start3A_909] : memref<2x2048xi32, #tpu.memory_space<vmem>> -> memref<1x128xi32, #tpu.memory_space<vmem>>
      %dma_start3A_911 = tpu.memref_squeeze %dma_start3A_910 : memref<1x128xi32, #tpu.memory_space<vmem>> -> memref<128xi32, #tpu.memory_space<vmem>>
      %dma_start3A_912 = arith.constant 0 : i32
      %dma_start3A_913 = tpu.memref_slice %arg5[%dma_start3A_912] : memref<1048576xi32, #tpu.memory_space<hbm>> -> memref<1048576xi32, #tpu.memory_space<hbm>>
      tpu.enqueue_indirect_dma source(%dma_start3A_913 : memref<1048576xi32, #tpu.memory_space<hbm>>) target(%dma_start3A_908 : memref<128xi32, #tpu.memory_space<vmem>>) offsets(%dma_start3A_911 : memref<128xi32, #tpu.memory_space<vmem>>) semaphore(%arg15 : memref<!tpu.dma_semaphore, #tpu.memory_space<semaphore_mem>>)
    }
    %scan3A_405 = arith.constant 15 : i32
    %dma_wait3A_406 = arith.constant 1 : i32
    %dma_wait3A_407 = arith.constant 0 : i32
    %dma_wait3A_408 = tpu.memref_slice %arg12[%dma_wait3A_407] : memref<2048xi32, #tpu.memory_space<vmem>> -> memref<128xi32, #tpu.memory_space<vmem>>
    %dma_wait3A_409 = arith.constant 0 : i32
    %dma_wait3A_410 = tpu.memref_slice %arg10[%dma_wait3A_406, %dma_wait3A_409] : memref<2x2048xi32, #tpu.memory_space<vmem>> -> memref<1x128xi32, #tpu.memory_space<vmem>>
    %dma_wait3A_411 = tpu.memref_squeeze %dma_wait3A_410 : memref<1x128xi32, #tpu.memory_space<vmem>> -> memref<128xi32, #tpu.memory_space<vmem>>
    %dma_wait3A_412 = arith.constant 0 : i32
    %dma_wait3A_413 = tpu.memref_slice %arg5[%dma_wait3A_412] : memref<1048576xi32, #tpu.memory_space<hbm>> -> memref<1048576xi32, #tpu.memory_space<hbm>>
    tpu.wait_indirect_dma semaphore(%arg15 : memref<!tpu.dma_semaphore, #tpu.memory_space<semaphore_mem>>) src(%dma_wait3A_413 : memref<1048576xi32, #tpu.memory_space<hbm>>) dst(%dma_wait3A_408 : memref<128xi32, #tpu.memory_space<vmem>>)
    %dma_wait3A_414 = arith.constant 1 : i32
    %dma_wait3A_415 = arith.constant 128 : i32
    %dma_wait3A_416 = tpu.memref_slice %arg12[%dma_wait3A_415] : memref<2048xi32, #tpu.memory_space<vmem>> -> memref<128xi32, #tpu.memory_space<vmem>>
    %dma_wait3A_417 = arith.constant 128 : i32
    %dma_wait3A_418 = tpu.memref_slice %arg10[%dma_wait3A_414, %dma_wait3A_417] : memref<2x2048xi32, #tpu.memory_space<vmem>> -> memref<1x128xi32, #tpu.memory_space<vmem>>
    %dma_wait3A_419 = tpu.memref_squeeze %dma_wait3A_418 : memref<1x128xi32, #tpu.memory_space<vmem>> -> memref<128xi32, #tpu.memory_space<vmem>>
    %dma_wait3A_420 = arith.constant 0 : i32
    %dma_wait3A_421 = tpu.memref_slice %arg5[%dma_wait3A_420] : memref<1048576xi32, #tpu.memory_space<hbm>> -> memref<1048576xi32, #tpu.memory_space<hbm>>
    tpu.wait_indirect_dma semaphore(%arg15 : memref<!tpu.dma_semaphore, #tpu.memory_space<semaphore_mem>>) src(%dma_wait3A_421 : memref<1048576xi32, #tpu.memory_space<hbm>>) dst(%dma_wait3A_416 : memref<128xi32, #tpu.memory_space<vmem>>)
    %dma_wait3A_422 = arith.constant 1 : i32
    %dma_wait3A_423 = arith.constant 256 : i32
    %dma_wait3A_424 = tpu.memref_slice %arg12[%dma_wait3A_423] : memref<2048xi32, #tpu.memory_space<vmem>> -> memref<128xi32, #tpu.memory_space<vmem>>
    %dma_wait3A_425 = arith.constant 256 : i32
    %dma_wait3A_426 = tpu.memref_slice %arg10[%dma_wait3A_422, %dma_wait3A_425] : memref<2x2048xi32, #tpu.memory_space<vmem>> -> memref<1x128xi32, #tpu.memory_space<vmem>>
    %dma_wait3A_427 = tpu.memref_squeeze %dma_wait3A_426 : memref<1x128xi32, #tpu.memory_space<vmem>> -> memref<128xi32, #tpu.memory_space<vmem>>
    %dma_wait3A_428 = arith.constant 0 : i32
    %dma_wait3A_429 = tpu.memref_slice %arg5[%dma_wait3A_428] : memref<1048576xi32, #tpu.memory_space<hbm>> -> memref<1048576xi32, #tpu.memory_space<hbm>>
    tpu.wait_indirect_dma semaphore(%arg15 : memref<!tpu.dma_semaphore, #tpu.memory_space<semaphore_mem>>) src(%dma_wait3A_429 : memref<1048576xi32, #tpu.memory_space<hbm>>) dst(%dma_wait3A_424 : memref<128xi32, #tpu.memory_space<vmem>>)
    %dma_wait3A_430 = arith.constant 1 : i32
    %dma_wait3A_431 = arith.constant 384 : i32
    %dma_wait3A_432 = tpu.memref_slice %arg12[%dma_wait3A_431] : memref<2048xi32, #tpu.memory_space<vmem>> -> memref<128xi32, #tpu.memory_space<vmem>>
    %dma_wait3A_433 = arith.constant 384 : i32
    %dma_wait3A_434 = tpu.memref_slice %arg10[%dma_wait3A_430, %dma_wait3A_433] : memref<2x2048xi32, #tpu.memory_space<vmem>> -> memref<1x128xi32, #tpu.memory_space<vmem>>
    %dma_wait3A_435 = tpu.memref_squeeze %dma_wait3A_434 : memref<1x128xi32, #tpu.memory_space<vmem>> -> memref<128xi32, #tpu.memory_space<vmem>>
    %dma_wait3A_436 = arith.constant 0 : i32
    %dma_wait3A_437 = tpu.memref_slice %arg5[%dma_wait3A_436] : memref<1048576xi32, #tpu.memory_space<hbm>> -> memref<1048576xi32, #tpu.memory_space<hbm>>
    tpu.wait_indirect_dma semaphore(%arg15 : memref<!tpu.dma_semaphore, #tpu.memory_space<semaphore_mem>>) src(%dma_wait3A_437 : memref<1048576xi32, #tpu.memory_space<hbm>>) dst(%dma_wait3A_432 : memref<128xi32, #tpu.memory_space<vmem>>)
    %dma_wait3A_438 = arith.constant 1 : i32
    %dma_wait3A_439 = arith.constant 512 : i32
    %dma_wait3A_440 = tpu.memref_slice %arg12[%dma_wait3A_439] : memref<2048xi32, #tpu.memory_space<vmem>> -> memref<128xi32, #tpu.memory_space<vmem>>
    %dma_wait3A_441 = arith.constant 512 : i32
    %dma_wait3A_442 = tpu.memref_slice %arg10[%dma_wait3A_438, %dma_wait3A_441] : memref<2x2048xi32, #tpu.memory_space<vmem>> -> memref<1x128xi32, #tpu.memory_space<vmem>>
    %dma_wait3A_443 = tpu.memref_squeeze %dma_wait3A_442 : memref<1x128xi32, #tpu.memory_space<vmem>> -> memref<128xi32, #tpu.memory_space<vmem>>
    %dma_wait3A_444 = arith.constant 0 : i32
    %dma_wait3A_445 = tpu.memref_slice %arg5[%dma_wait3A_444] : memref<1048576xi32, #tpu.memory_space<hbm>> -> memref<1048576xi32, #tpu.memory_space<hbm>>
    tpu.wait_indirect_dma semaphore(%arg15 : memref<!tpu.dma_semaphore, #tpu.memory_space<semaphore_mem>>) src(%dma_wait3A_445 : memref<1048576xi32, #tpu.memory_space<hbm>>) dst(%dma_wait3A_440 : memref<128xi32, #tpu.memory_space<vmem>>)
    %dma_wait3A_446 = arith.constant 1 : i32
    %dma_wait3A_447 = arith.constant 640 : i32
    %dma_wait3A_448 = tpu.memref_slice %arg12[%dma_wait3A_447] : memref<2048xi32, #tpu.memory_space<vmem>> -> memref<128xi32, #tpu.memory_space<vmem>>
    %dma_wait3A_449 = arith.constant 640 : i32
    %dma_wait3A_450 = tpu.memref_slice %arg10[%dma_wait3A_446, %dma_wait3A_449] : memref<2x2048xi32, #tpu.memory_space<vmem>> -> memref<1x128xi32, #tpu.memory_space<vmem>>
    %dma_wait3A_451 = tpu.memref_squeeze %dma_wait3A_450 : memref<1x128xi32, #tpu.memory_space<vmem>> -> memref<128xi32, #tpu.memory_space<vmem>>
    %dma_wait3A_452 = arith.constant 0 : i32
    %dma_wait3A_453 = tpu.memref_slice %arg5[%dma_wait3A_452] : memref<1048576xi32, #tpu.memory_space<hbm>> -> memref<1048576xi32, #tpu.memory_space<hbm>>
    tpu.wait_indirect_dma semaphore(%arg15 : memref<!tpu.dma_semaphore, #tpu.memory_space<semaphore_mem>>) src(%dma_wait3A_453 : memref<1048576xi32, #tpu.memory_space<hbm>>) dst(%dma_wait3A_448 : memref<128xi32, #tpu.memory_space<vmem>>)
    %dma_wait3A_454 = arith.constant 1 : i32
    %dma_wait3A_455 = arith.constant 768 : i32
    %dma_wait3A_456 = tpu.memref_slice %arg12[%dma_wait3A_455] : memref<2048xi32, #tpu.memory_space<vmem>> -> memref<128xi32, #tpu.memory_space<vmem>>
    %dma_wait3A_457 = arith.constant 768 : i32
    %dma_wait3A_458 = tpu.memref_slice %arg10[%dma_wait3A_454, %dma_wait3A_457] : memref<2x2048xi32, #tpu.memory_space<vmem>> -> memref<1x128xi32, #tpu.memory_space<vmem>>
    %dma_wait3A_459 = tpu.memref_squeeze %dma_wait3A_458 : memref<1x128xi32, #tpu.memory_space<vmem>> -> memref<128xi32, #tpu.memory_space<vmem>>
    %dma_wait3A_460 = arith.constant 0 : i32
    %dma_wait3A_461 = tpu.memref_slice %arg5[%dma_wait3A_460] : memref<1048576xi32, #tpu.memory_space<hbm>> -> memref<1048576xi32, #tpu.memory_space<hbm>>
    tpu.wait_indirect_dma semaphore(%arg15 : memref<!tpu.dma_semaphore, #tpu.memory_space<semaphore_mem>>) src(%dma_wait3A_461 : memref<1048576xi32, #tpu.memory_space<hbm>>) dst(%dma_wait3A_456 : memref<128xi32, #tpu.memory_space<vmem>>)
    %dma_wait3A_462 = arith.constant 1 : i32
    %dma_wait3A_463 = arith.constant 896 : i32
    %dma_wait3A_464 = tpu.memref_slice %arg12[%dma_wait3A_463] : memref<2048xi32, #tpu.memory_space<vmem>> -> memref<128xi32, #tpu.memory_space<vmem>>
    %dma_wait3A_465 = arith.constant 896 : i32
    %dma_wait3A_466 = tpu.memref_slice %arg10[%dma_wait3A_462, %dma_wait3A_465] : memref<2x2048xi32, #tpu.memory_space<vmem>> -> memref<1x128xi32, #tpu.memory_space<vmem>>
    %dma_wait3A_467 = tpu.memref_squeeze %dma_wait3A_466 : memref<1x128xi32, #tpu.memory_space<vmem>> -> memref<128xi32, #tpu.memory_space<vmem>>
    %dma_wait3A_468 = arith.constant 0 : i32
    %dma_wait3A_469 = tpu.memref_slice %arg5[%dma_wait3A_468] : memref<1048576xi32, #tpu.memory_space<hbm>> -> memref<1048576xi32, #tpu.memory_space<hbm>>
    tpu.wait_indirect_dma semaphore(%arg15 : memref<!tpu.dma_semaphore, #tpu.memory_space<semaphore_mem>>) src(%dma_wait3A_469 : memref<1048576xi32, #tpu.memory_space<hbm>>) dst(%dma_wait3A_464 : memref<128xi32, #tpu.memory_space<vmem>>)
    %dma_wait3A_470 = arith.constant 1 : i32
    %dma_wait3A_471 = arith.constant 1024 : i32
    %dma_wait3A_472 = tpu.memref_slice %arg12[%dma_wait3A_471] : memref<2048xi32, #tpu.memory_space<vmem>> -> memref<128xi32, #tpu.memory_space<vmem>>
    %dma_wait3A_473 = arith.constant 1024 : i32
    %dma_wait3A_474 = tpu.memref_slice %arg10[%dma_wait3A_470, %dma_wait3A_473] : memref<2x2048xi32, #tpu.memory_space<vmem>> -> memref<1x128xi32, #tpu.memory_space<vmem>>
    %dma_wait3A_475 = tpu.memref_squeeze %dma_wait3A_474 : memref<1x128xi32, #tpu.memory_space<vmem>> -> memref<128xi32, #tpu.memory_space<vmem>>
    %dma_wait3A_476 = arith.constant 0 : i32
    %dma_wait3A_477 = tpu.memref_slice %arg5[%dma_wait3A_476] : memref<1048576xi32, #tpu.memory_space<hbm>> -> memref<1048576xi32, #tpu.memory_space<hbm>>
    tpu.wait_indirect_dma semaphore(%arg15 : memref<!tpu.dma_semaphore, #tpu.memory_space<semaphore_mem>>) src(%dma_wait3A_477 : memref<1048576xi32, #tpu.memory_space<hbm>>) dst(%dma_wait3A_472 : memref<128xi32, #tpu.memory_space<vmem>>)
    %dma_wait3A_478 = arith.constant 1 : i32
    %dma_wait3A_479 = arith.constant 1152 : i32
    %dma_wait3A_480 = tpu.memref_slice %arg12[%dma_wait3A_479] : memref<2048xi32, #tpu.memory_space<vmem>> -> memref<128xi32, #tpu.memory_space<vmem>>
    %dma_wait3A_481 = arith.constant 1152 : i32
    %dma_wait3A_482 = tpu.memref_slice %arg10[%dma_wait3A_478, %dma_wait3A_481] : memref<2x2048xi32, #tpu.memory_space<vmem>> -> memref<1x128xi32, #tpu.memory_space<vmem>>
    %dma_wait3A_483 = tpu.memref_squeeze %dma_wait3A_482 : memref<1x128xi32, #tpu.memory_space<vmem>> -> memref<128xi32, #tpu.memory_space<vmem>>
    %dma_wait3A_484 = arith.constant 0 : i32
    %dma_wait3A_485 = tpu.memref_slice %arg5[%dma_wait3A_484] : memref<1048576xi32, #tpu.memory_space<hbm>> -> memref<1048576xi32, #tpu.memory_space<hbm>>
    tpu.wait_indirect_dma semaphore(%arg15 : memref<!tpu.dma_semaphore, #tpu.memory_space<semaphore_mem>>) src(%dma_wait3A_485 : memref<1048576xi32, #tpu.memory_space<hbm>>) dst(%dma_wait3A_480 : memref<128xi32, #tpu.memory_space<vmem>>)
    %dma_wait3A_486 = arith.constant 1 : i32
    %dma_wait3A_487 = arith.constant 1280 : i32
    %dma_wait3A_488 = tpu.memref_slice %arg12[%dma_wait3A_487] : memref<2048xi32, #tpu.memory_space<vmem>> -> memref<128xi32, #tpu.memory_space<vmem>>
    %dma_wait3A_489 = arith.constant 1280 : i32
    %dma_wait3A_490 = tpu.memref_slice %arg10[%dma_wait3A_486, %dma_wait3A_489] : memref<2x2048xi32, #tpu.memory_space<vmem>> -> memref<1x128xi32, #tpu.memory_space<vmem>>
    %dma_wait3A_491 = tpu.memref_squeeze %dma_wait3A_490 : memref<1x128xi32, #tpu.memory_space<vmem>> -> memref<128xi32, #tpu.memory_space<vmem>>
    %dma_wait3A_492 = arith.constant 0 : i32
    %dma_wait3A_493 = tpu.memref_slice %arg5[%dma_wait3A_492] : memref<1048576xi32, #tpu.memory_space<hbm>> -> memref<1048576xi32, #tpu.memory_space<hbm>>
    tpu.wait_indirect_dma semaphore(%arg15 : memref<!tpu.dma_semaphore, #tpu.memory_space<semaphore_mem>>) src(%dma_wait3A_493 : memref<1048576xi32, #tpu.memory_space<hbm>>) dst(%dma_wait3A_488 : memref<128xi32, #tpu.memory_space<vmem>>)
    %dma_wait3A_494 = arith.constant 1 : i32
    %dma_wait3A_495 = arith.constant 1408 : i32
    %dma_wait3A_496 = tpu.memref_slice %arg12[%dma_wait3A_495] : memref<2048xi32, #tpu.memory_space<vmem>> -> memref<128xi32, #tpu.memory_space<vmem>>
    %dma_wait3A_497 = arith.constant 1408 : i32
    %dma_wait3A_498 = tpu.memref_slice %arg10[%dma_wait3A_494, %dma_wait3A_497] : memref<2x2048xi32, #tpu.memory_space<vmem>> -> memref<1x128xi32, #tpu.memory_space<vmem>>
    %dma_wait3A_499 = tpu.memref_squeeze %dma_wait3A_498 : memref<1x128xi32, #tpu.memory_space<vmem>> -> memref<128xi32, #tpu.memory_space<vmem>>
    %dma_wait3A_500 = arith.constant 0 : i32
    %dma_wait3A_501 = tpu.memref_slice %arg5[%dma_wait3A_500] : memref<1048576xi32, #tpu.memory_space<hbm>> -> memref<1048576xi32, #tpu.memory_space<hbm>>
    tpu.wait_indirect_dma semaphore(%arg15 : memref<!tpu.dma_semaphore, #tpu.memory_space<semaphore_mem>>) src(%dma_wait3A_501 : memref<1048576xi32, #tpu.memory_space<hbm>>) dst(%dma_wait3A_496 : memref<128xi32, #tpu.memory_space<vmem>>)
    %dma_wait3A_502 = arith.constant 1 : i32
    %dma_wait3A_503 = arith.constant 1536 : i32
    %dma_wait3A_504 = tpu.memref_slice %arg12[%dma_wait3A_503] : memref<2048xi32, #tpu.memory_space<vmem>> -> memref<128xi32, #tpu.memory_space<vmem>>
    %dma_wait3A_505 = arith.constant 1536 : i32
    %dma_wait3A_506 = tpu.memref_slice %arg10[%dma_wait3A_502, %dma_wait3A_505] : memref<2x2048xi32, #tpu.memory_space<vmem>> -> memref<1x128xi32, #tpu.memory_space<vmem>>
    %dma_wait3A_507 = tpu.memref_squeeze %dma_wait3A_506 : memref<1x128xi32, #tpu.memory_space<vmem>> -> memref<128xi32, #tpu.memory_space<vmem>>
    %dma_wait3A_508 = arith.constant 0 : i32
    %dma_wait3A_509 = tpu.memref_slice %arg5[%dma_wait3A_508] : memref<1048576xi32, #tpu.memory_space<hbm>> -> memref<1048576xi32, #tpu.memory_space<hbm>>
    tpu.wait_indirect_dma semaphore(%arg15 : memref<!tpu.dma_semaphore, #tpu.memory_space<semaphore_mem>>) src(%dma_wait3A_509 : memref<1048576xi32, #tpu.memory_space<hbm>>) dst(%dma_wait3A_504 : memref<128xi32, #tpu.memory_space<vmem>>)
    %dma_wait3A_510 = arith.constant 1 : i32
    %dma_wait3A_511 = arith.constant 1664 : i32
    %dma_wait3A_512 = tpu.memref_slice %arg12[%dma_wait3A_511] : memref<2048xi32, #tpu.memory_space<vmem>> -> memref<128xi32, #tpu.memory_space<vmem>>
    %dma_wait3A_513 = arith.constant 1664 : i32
    %dma_wait3A_514 = tpu.memref_slice %arg10[%dma_wait3A_510, %dma_wait3A_513] : memref<2x2048xi32, #tpu.memory_space<vmem>> -> memref<1x128xi32, #tpu.memory_space<vmem>>
    %dma_wait3A_515 = tpu.memref_squeeze %dma_wait3A_514 : memref<1x128xi32, #tpu.memory_space<vmem>> -> memref<128xi32, #tpu.memory_space<vmem>>
    %dma_wait3A_516 = arith.constant 0 : i32
    %dma_wait3A_517 = tpu.memref_slice %arg5[%dma_wait3A_516] : memref<1048576xi32, #tpu.memory_space<hbm>> -> memref<1048576xi32, #tpu.memory_space<hbm>>
    tpu.wait_indirect_dma semaphore(%arg15 : memref<!tpu.dma_semaphore, #tpu.memory_space<semaphore_mem>>) src(%dma_wait3A_517 : memref<1048576xi32, #tpu.memory_space<hbm>>) dst(%dma_wait3A_512 : memref<128xi32, #tpu.memory_space<vmem>>)
    %dma_wait3A_518 = arith.constant 1 : i32
    %dma_wait3A_519 = arith.constant 1792 : i32
    %dma_wait3A_520 = tpu.memref_slice %arg12[%dma_wait3A_519] : memref<2048xi32, #tpu.memory_space<vmem>> -> memref<128xi32, #tpu.memory_space<vmem>>
    %dma_wait3A_521 = arith.constant 1792 : i32
    %dma_wait3A_522 = tpu.memref_slice %arg10[%dma_wait3A_518, %dma_wait3A_521] : memref<2x2048xi32, #tpu.memory_space<vmem>> -> memref<1x128xi32, #tpu.memory_space<vmem>>
    %dma_wait3A_523 = tpu.memref_squeeze %dma_wait3A_522 : memref<1x128xi32, #tpu.memory_space<vmem>> -> memref<128xi32, #tpu.memory_space<vmem>>
    %dma_wait3A_524 = arith.constant 0 : i32
    %dma_wait3A_525 = tpu.memref_slice %arg5[%dma_wait3A_524] : memref<1048576xi32, #tpu.memory_space<hbm>> -> memref<1048576xi32, #tpu.memory_space<hbm>>
    tpu.wait_indirect_dma semaphore(%arg15 : memref<!tpu.dma_semaphore, #tpu.memory_space<semaphore_mem>>) src(%dma_wait3A_525 : memref<1048576xi32, #tpu.memory_space<hbm>>) dst(%dma_wait3A_520 : memref<128xi32, #tpu.memory_space<vmem>>)
    %dma_wait3A_526 = arith.constant 1 : i32
    %dma_wait3A_527 = arith.constant 1920 : i32
    %dma_wait3A_528 = tpu.memref_slice %arg12[%dma_wait3A_527] : memref<2048xi32, #tpu.memory_space<vmem>> -> memref<128xi32, #tpu.memory_space<vmem>>
    %dma_wait3A_529 = arith.constant 1920 : i32
    %dma_wait3A_530 = tpu.memref_slice %arg10[%dma_wait3A_526, %dma_wait3A_529] : memref<2x2048xi32, #tpu.memory_space<vmem>> -> memref<1x128xi32, #tpu.memory_space<vmem>>
    %dma_wait3A_531 = tpu.memref_squeeze %dma_wait3A_530 : memref<1x128xi32, #tpu.memory_space<vmem>> -> memref<128xi32, #tpu.memory_space<vmem>>
    %dma_wait3A_532 = arith.constant 0 : i32
    %dma_wait3A_533 = tpu.memref_slice %arg5[%dma_wait3A_532] : memref<1048576xi32, #tpu.memory_space<hbm>> -> memref<1048576xi32, #tpu.memory_space<hbm>>
    tpu.wait_indirect_dma semaphore(%arg15 : memref<!tpu.dma_semaphore, #tpu.memory_space<semaphore_mem>>) src(%dma_wait3A_533 : memref<1048576xi32, #tpu.memory_space<hbm>>) dst(%dma_wait3A_528 : memref<128xi32, #tpu.memory_space<vmem>>)
    %add3A_534 = arith.constant 26624 : i32
    %add3A_535 = arith.addi %mul3A_2, %add3A_534 : i32
    %multiple_of3A_536 = tpu.assume_multiple %add3A_535, 8 : i32
    %dma_wait3A_537 = arith.constant 1 : i32
    %dma_wait3A_538 = arith.constant 0 : i32
    %dma_wait3A_539 = tpu.memref_slice %arg13[%dma_wait3A_537, %dma_wait3A_538] : memref<2x2048xi32, #tpu.memory_space<vmem>> -> memref<1x2048xi32, #tpu.memory_space<vmem>>
    %dma_wait3A_540 = tpu.memref_squeeze %dma_wait3A_539 : memref<1x2048xi32, #tpu.memory_space<vmem>> -> memref<2048xi32, #tpu.memory_space<vmem>>
    %dma_wait3A_541 = tpu.memref_slice %arg4[%multiple_of3A_536] : memref<1048576xi32, #tpu.memory_space<hbm>> -> memref<2048xi32, #tpu.memory_space<hbm>>
    %dma_wait3A_542 = tpu.memref_slice %arg4[%multiple_of3A_536] : memref<1048576xi32, #tpu.memory_space<hbm>> -> memref<2048xi32, #tpu.memory_space<hbm>>
    %dma_wait3A_543 = arith.constant 0 : i32
    %dma_wait3A_544 = tpu.memref_slice %arg13[%dma_wait3A_537, %dma_wait3A_543] : memref<2x2048xi32, #tpu.memory_space<vmem>> -> memref<1x2048xi32, #tpu.memory_space<vmem>>
    %dma_wait3A_545 = tpu.memref_squeeze %dma_wait3A_544 : memref<1x2048xi32, #tpu.memory_space<vmem>> -> memref<2048xi32, #tpu.memory_space<vmem>>
    tpu.wait_dma2 semaphore(%arg16 : memref<!tpu.dma_semaphore, #tpu.memory_space<semaphore_mem>>) src(%dma_wait3A_545 : memref<2048xi32, #tpu.memory_space<vmem>>) dst(%dma_wait3A_542 : memref<2048xi32, #tpu.memory_space<hbm>>)
    %scan3A_546 = arith.constant 0 : i32
    %scan3A_547 = arith.constant 128 : i32
    %scan3A_548 = arith.addi %scan3A_546, %scan3A_547 : i32
    %scan3A_549 = arith.constant 4 : i32
    scf.for %scan3A_587 = %scan3A_546 to %scan3A_548 step %scan3A_549  : i32 {
      %mul3A_588 = arith.constant 16 : i32
      %mul3A_589 = arith.muli %scan3A_587, %mul3A_588 : i32
      %multiple_of3A_590 = tpu.assume_multiple %mul3A_589, 8 : i32
      %get3A = arith.index_cast %multiple_of3A_590 : i32 to index
      %get3A_591 = tpu.vector_load %arg12[%get3A] {strides = array<i32>} : memref<2048xi32, #tpu.memory_space<vmem>>, vector<16xi32>,
      %get3A_592 = arith.constant 1 : i32
      %get3A_593 = arith.index_cast %get3A_592 : i32 to index
      %get3A_594 = arith.index_cast %multiple_of3A_590 : i32 to index
      %get3A_595 = tpu.vector_load %arg11[%get3A_593, %get3A_594] {strides = array<i32>} : memref<2x2048xi32, #tpu.memory_space<vmem>>, vector<16xi32>,
      %shift_right_logical3A = arith.shrui %get3A_591, %get3A_595 : vector<16xi32>
      %and3A_596 = arith.constant 1 : i32
      %and3A_597 = vector.broadcast %and3A_596 : i32 to vector<16xi32>
      %and3A_598 = arith.andi %shift_right_logical3A, %and3A_597 : vector<16xi32>
      %swap3A = arith.constant 1 : i32
      %swap3A_599 = arith.index_cast %swap3A : i32 to index
      %swap3A_600 = arith.index_cast %multiple_of3A_590 : i32 to index
      %swap3A_601 = tpu.vector_load %arg13[%swap3A_599, %swap3A_600] {strides = array<i32>} : memref<2x2048xi32, #tpu.memory_space<vmem>>, vector<16xi32>,
      tpu.vector_store %arg13[%swap3A_599, %swap3A_600], %and3A_598 {strides = array<i32>} : memref<2x2048xi32, #tpu.memory_space<vmem>>, vector<16xi32>,
      %scan3A_602 = arith.constant 1 : i32
      %scan3A_603 = arith.addi %scan3A_587, %scan3A_602 : i32
      %mul3A_604 = arith.constant 16 : i32
      %mul3A_605 = arith.muli %scan3A_603, %mul3A_604 : i32
      %multiple_of3A_606 = tpu.assume_multiple %mul3A_605, 8 : i32
      %get3A_607 = arith.index_cast %multiple_of3A_606 : i32 to index
      %get3A_608 = tpu.vector_load %arg12[%get3A_607] {strides = array<i32>} : memref<2048xi32, #tpu.memory_space<vmem>>, vector<16xi32>,
      %get3A_609 = arith.constant 1 : i32
      %get3A_610 = arith.index_cast %get3A_609 : i32 to index
      %get3A_611 = arith.index_cast %multiple_of3A_606 : i32 to index
      %get3A_612 = tpu.vector_load %arg11[%get3A_610, %get3A_611] {strides = array<i32>} : memref<2x2048xi32, #tpu.memory_space<vmem>>, vector<16xi32>,
      %shift_right_logical3A_613 = arith.shrui %get3A_608, %get3A_612 : vector<16xi32>
      %and3A_614 = arith.constant 1 : i32
      %and3A_615 = vector.broadcast %and3A_614 : i32 to vector<16xi32>
      %and3A_616 = arith.andi %shift_right_logical3A_613, %and3A_615 : vector<16xi32>
      %swap3A_617 = arith.constant 1 : i32
      %swap3A_618 = arith.index_cast %swap3A_617 : i32 to index
      %swap3A_619 = arith.index_cast %multiple_of3A_606 : i32 to index
      %swap3A_620 = tpu.vector_load %arg13[%swap3A_618, %swap3A_619] {strides = array<i32>} : memref<2x2048xi32, #tpu.memory_space<vmem>>, vector<16xi32>,
      tpu.vector_store %arg13[%swap3A_618, %swap3A_619], %and3A_616 {strides = array<i32>} : memref<2x2048xi32, #tpu.memory_space<vmem>>, vector<16xi32>,
      %scan3A_621 = arith.constant 2 : i32
      %scan3A_622 = arith.addi %scan3A_587, %scan3A_621 : i32
      %mul3A_623 = arith.constant 16 : i32
      %mul3A_624 = arith.muli %scan3A_622, %mul3A_623 : i32
      %multiple_of3A_625 = tpu.assume_multiple %mul3A_624, 8 : i32
      %get3A_626 = arith.index_cast %multiple_of3A_625 : i32 to index
      %get3A_627 = tpu.vector_load %arg12[%get3A_626] {strides = array<i32>} : memref<2048xi32, #tpu.memory_space<vmem>>, vector<16xi32>,
      %get3A_628 = arith.constant 1 : i32
      %get3A_629 = arith.index_cast %get3A_628 : i32 to index
      %get3A_630 = arith.index_cast %multiple_of3A_625 : i32 to index
      %get3A_631 = tpu.vector_load %arg11[%get3A_629, %get3A_630] {strides = array<i32>} : memref<2x2048xi32, #tpu.memory_space<vmem>>, vector<16xi32>,
      %shift_right_logical3A_632 = arith.shrui %get3A_627, %get3A_631 : vector<16xi32>
      %and3A_633 = arith.constant 1 : i32
      %and3A_634 = vector.broadcast %and3A_633 : i32 to vector<16xi32>
      %and3A_635 = arith.andi %shift_right_logical3A_632, %and3A_634 : vector<16xi32>
      %swap3A_636 = arith.constant 1 : i32
      %swap3A_637 = arith.index_cast %swap3A_636 : i32 to index
      %swap3A_638 = arith.index_cast %multiple_of3A_625 : i32 to index
      %swap3A_639 = tpu.vector_load %arg13[%swap3A_637, %swap3A_638] {strides = array<i32>} : memref<2x2048xi32, #tpu.memory_space<vmem>>, vector<16xi32>,
      tpu.vector_store %arg13[%swap3A_637, %swap3A_638], %and3A_635 {strides = array<i32>} : memref<2x2048xi32, #tpu.memory_space<vmem>>, vector<16xi32>,
      %scan3A_640 = arith.constant 3 : i32
      %scan3A_641 = arith.addi %scan3A_587, %scan3A_640 : i32
      %mul3A_642 = arith.constant 16 : i32
      %mul3A_643 = arith.muli %scan3A_641, %mul3A_642 : i32
      %multiple_of3A_644 = tpu.assume_multiple %mul3A_643, 8 : i32
      %get3A_645 = arith.index_cast %multiple_of3A_644 : i32 to index
      %get3A_646 = tpu.vector_load %arg12[%get3A_645] {strides = array<i32>} : memref<2048xi32, #tpu.memory_space<vmem>>, vector<16xi32>,
      %get3A_647 = arith.constant 1 : i32
      %get3A_648 = arith.index_cast %get3A_647 : i32 to index
      %get3A_649 = arith.index_cast %multiple_of3A_644 : i32 to index
      %get3A_650 = tpu.vector_load %arg11[%get3A_648, %get3A_649] {strides = array<i32>} : memref<2x2048xi32, #tpu.memory_space<vmem>>, vector<16xi32>,
      %shift_right_logical3A_651 = arith.shrui %get3A_646, %get3A_650 : vector<16xi32>
      %and3A_652 = arith.constant 1 : i32
      %and3A_653 = vector.broadcast %and3A_652 : i32 to vector<16xi32>
      %and3A_654 = arith.andi %shift_right_logical3A_651, %and3A_653 : vector<16xi32>
      %swap3A_655 = arith.constant 1 : i32
      %swap3A_656 = arith.index_cast %swap3A_655 : i32 to index
      %swap3A_657 = arith.index_cast %multiple_of3A_644 : i32 to index
      %swap3A_658 = tpu.vector_load %arg13[%swap3A_656, %swap3A_657] {strides = array<i32>} : memref<2x2048xi32, #tpu.memory_space<vmem>>, vector<16xi32>,
      tpu.vector_store %arg13[%swap3A_656, %swap3A_657], %and3A_654 {strides = array<i32>} : memref<2x2048xi32, #tpu.memory_space<vmem>>, vector<16xi32>,
    }
    %scan3A_550 = arith.constant 128 : i32
    %add3A_551 = arith.constant 30720 : i32
    %add3A_552 = arith.addi %mul3A_2, %add3A_551 : i32
    %multiple_of3A_553 = tpu.assume_multiple %add3A_552, 8 : i32
    %dma_start3A_554 = arith.constant 1 : i32
    %dma_start3A_555 = arith.constant 0 : i32
    %dma_start3A_556 = tpu.memref_slice %arg13[%dma_start3A_554, %dma_start3A_555] : memref<2x2048xi32, #tpu.memory_space<vmem>> -> memref<1x2048xi32, #tpu.memory_space<vmem>>
    %dma_start3A_557 = tpu.memref_squeeze %dma_start3A_556 : memref<1x2048xi32, #tpu.memory_space<vmem>> -> memref<2048xi32, #tpu.memory_space<vmem>>
    %dma_start3A_558 = tpu.memref_slice %arg4[%multiple_of3A_553] : memref<1048576xi32, #tpu.memory_space<hbm>> -> memref<2048xi32, #tpu.memory_space<hbm>>
    %dma_start3A_559 = tpu.memref_slice %arg4[%multiple_of3A_553] : memref<1048576xi32, #tpu.memory_space<hbm>> -> memref<2048xi32, #tpu.memory_space<hbm>>
    %dma_start3A_560 = arith.constant 0 : i32
    %dma_start3A_561 = tpu.memref_slice %arg13[%dma_start3A_554, %dma_start3A_560] : memref<2x2048xi32, #tpu.memory_space<vmem>> -> memref<1x2048xi32, #tpu.memory_space<vmem>>
    %dma_start3A_562 = tpu.memref_squeeze %dma_start3A_561 : memref<1x2048xi32, #tpu.memory_space<vmem>> -> memref<2048xi32, #tpu.memory_space<vmem>>
    tpu.enqueue_dma source(%dma_start3A_562 : memref<2048xi32, #tpu.memory_space<vmem>>) target(%dma_start3A_559 : memref<2048xi32, #tpu.memory_space<hbm>>) target_semaphore(%arg16 : memref<!tpu.dma_semaphore, #tpu.memory_space<semaphore_mem>>)
    %add3A_563 = arith.constant 28672 : i32
    %add3A_564 = arith.addi %mul3A_2, %add3A_563 : i32
    %multiple_of3A_565 = tpu.assume_multiple %add3A_564, 8 : i32
    %dma_wait3A_566 = arith.constant 0 : i32
    %dma_wait3A_567 = arith.constant 0 : i32
    %dma_wait3A_568 = tpu.memref_slice %arg13[%dma_wait3A_566, %dma_wait3A_567] : memref<2x2048xi32, #tpu.memory_space<vmem>> -> memref<1x2048xi32, #tpu.memory_space<vmem>>
    %dma_wait3A_569 = tpu.memref_squeeze %dma_wait3A_568 : memref<1x2048xi32, #tpu.memory_space<vmem>> -> memref<2048xi32, #tpu.memory_space<vmem>>
    %dma_wait3A_570 = tpu.memref_slice %arg4[%multiple_of3A_565] : memref<1048576xi32, #tpu.memory_space<hbm>> -> memref<2048xi32, #tpu.memory_space<hbm>>
    %dma_wait3A_571 = tpu.memref_slice %arg4[%multiple_of3A_565] : memref<1048576xi32, #tpu.memory_space<hbm>> -> memref<2048xi32, #tpu.memory_space<hbm>>
    %dma_wait3A_572 = arith.constant 0 : i32
    %dma_wait3A_573 = tpu.memref_slice %arg13[%dma_wait3A_566, %dma_wait3A_572] : memref<2x2048xi32, #tpu.memory_space<vmem>> -> memref<1x2048xi32, #tpu.memory_space<vmem>>
    %dma_wait3A_574 = tpu.memref_squeeze %dma_wait3A_573 : memref<1x2048xi32, #tpu.memory_space<vmem>> -> memref<2048xi32, #tpu.memory_space<vmem>>
    tpu.wait_dma2 semaphore(%arg16 : memref<!tpu.dma_semaphore, #tpu.memory_space<semaphore_mem>>) src(%dma_wait3A_574 : memref<2048xi32, #tpu.memory_space<vmem>>) dst(%dma_wait3A_571 : memref<2048xi32, #tpu.memory_space<hbm>>)
    %add3A_575 = arith.constant 30720 : i32
    %add3A_576 = arith.addi %mul3A_2, %add3A_575 : i32
    %multiple_of3A_577 = tpu.assume_multiple %add3A_576, 8 : i32
    %dma_wait3A_578 = arith.constant 1 : i32
    %dma_wait3A_579 = arith.constant 0 : i32
    %dma_wait3A_580 = tpu.memref_slice %arg13[%dma_wait3A_578, %dma_wait3A_579] : memref<2x2048xi32, #tpu.memory_space<vmem>> -> memref<1x2048xi32, #tpu.memory_space<vmem>>
    %dma_wait3A_581 = tpu.memref_squeeze %dma_wait3A_580 : memref<1x2048xi32, #tpu.memory_space<vmem>> -> memref<2048xi32, #tpu.memory_space<vmem>>
    %dma_wait3A_582 = tpu.memref_slice %arg4[%multiple_of3A_577] : memref<1048576xi32, #tpu.memory_space<hbm>> -> memref<2048xi32, #tpu.memory_space<hbm>>
    %dma_wait3A_583 = tpu.memref_slice %arg4[%multiple_of3A_577] : memref<1048576xi32, #tpu.memory_space<hbm>> -> memref<2048xi32, #tpu.memory_space<hbm>>
    %dma_wait3A_584 = arith.constant 0 : i32
    %dma_wait3A_585 = tpu.memref_slice %arg13[%dma_wait3A_578, %dma_wait3A_584] : memref<2x2048xi32, #tpu.memory_space<vmem>> -> memref<1x2048xi32, #tpu.memory_space<vmem>>
    %dma_wait3A_586 = tpu.memref_squeeze %dma_wait3A_585 : memref<1x2048xi32, #tpu.memory_space<vmem>> -> memref<2048xi32, #tpu.memory_space<vmem>>
    tpu.wait_dma2 semaphore(%arg16 : memref<!tpu.dma_semaphore, #tpu.memory_space<semaphore_mem>>) src(%dma_wait3A_586 : memref<2048xi32, #tpu.memory_space<vmem>>) dst(%dma_wait3A_583 : memref<2048xi32, #tpu.memory_space<hbm>>)
    return
  }
}

</mosaic_0001>

<sc_bundles>
// kernel: _seen_i32.3.cloned.1.call-start
scs
__scs_entry_jumppad:
0x0: {  	(pc) =	sbr.rel $0x88, $3  }
0x1: {  	(tag) =	ssettag $0x0;
	lr =	simm.s32 $0x1  }
0x2: {  	[smem:$0x3F9F] =	sst lr;
	_ =	strace $0xD0000000  }
0x3: {  	_ = 	snop  }
0x4: {  	_ = 	snop  }
0x5: {  	_ = 	snop  }
0x6: {  	_ = 	snop  }
0x7: {  	_ = 	snop  }
__scs_overlays_trampoline_lowered:
0x8: {  	[smem:$0x3FAE] =	sst s0  }
0x9: {  	[smem:$0x3FAF] =	sst s1  }
0xa: {  	[smem:$0x3FB0] =	sst s2  }
0xb: {  	[smem:$0x3FB1] =	sst s3  }
0xc: {  	[smem:$0x3FB2] =	sst s4  }
0xd: {  	[smem:$0x3FB3] =	sst s5  }
0xe: {  	[smem:$0x3FB4] =	sst s6  }
0xf: {  	[smem:$0x3FB5] =	sst s7  }
0x10: {  	[smem:$0x3FB6] =	sst s8  }
0x11: {  	[smem:$0x3FB7] =	sst s9;
	s0 =	simm.s32 @!p0 $0x0  }
0x12: {  	s1 =	sld [smem:$0x3F9D];
	s0 =	simm.s32 @p0 $0x1  }
0x13: {  	[smem:$0x3FB8] =	sst s0;
	s0 =	simm.s32 @!p1 $0x0  }
0x14: {  	s2 =	sld [smem:$0x3F9C];
	s0 =	simm.s32 @p1 $0x1  }
0x15: {  	[smem:$0x3FB9] =	sst s0;
	s0 =	simm.s32 @!p2 $0x0  }
0x16: {  	s3 =	sld [smem:$0x3FDB];
	s0 =	simm.s32 @p2 $0x1  }
0x17: {  	s4 =	simm.s32 $0x1BF5;
	[smem:$0x3FBB] =	sst s0  }
0x18: {  	s0 =	sld [smem:$0x3F9E];
	_ =	swait.ge [sflag:s4], $0x0  }
0x19: {  	s7 =	sld [smem:$0x3F9F]  }
0x1a: {  	s8 =	sadd.s32 $0xFFFFE003, lr  }
0x1b: {  	s9 =	sadd.s32 $0xFFFFFEF7, lr;
	s5 =	simm.s32 $0xFFFFFFFF;
	p2 =	slt.u32 s8, $0xFFFFF086  }
0x1c: {  	p1 =	slt.u32 s9, $0xF7A;
	s5 =	simm.s32 @!p2 $0x0  }
0x1d: {  	s5 =	simm.s32 @p1 $0x1;
	p0 =	seq.s32 s7, s2  }
0x1e: {  	s7 =	smul.u32 @!p0 $0xF7A, s2;
	p2 =	seq.s32 @!p0 s5, $0x0  }
0x1f: {  	s9 =	smul.u32 $0xF7A, s1;
	s8 =	simm.s32 @!p0 $0x1BF5;
	p2 =	por !p2, p0  }
0x20: {  	[sflag:s8] =	ssyncset.s32 @!p0 $0xFFFFF086;
	s6 =	sadd.s32 @!p0 s3, s7;
	s7 =	simm.s32 @!p0 $0x108  }
0x21: {  	s3 =	sadd.s32 s3, s9;
	s6 =	sadd.s32 @!p0 $0x88, s6;
	s7 =	simm.s32 @p2 $0x1082  }
0x22: {  	[simem:s7], [sflag:s8] =	dma.local @!p0 [hbm:s6], $0xF7A  }
0x23: {  	s9 =	sor.u32 $0xD0000000, s2;
	s6 =	simm.s32 $0x108;
	_ =	swait.ge @!p0 [sflag:s8], $0x0  }
0x24: {  	s3 =	sadd.s32 $0x88, s3;
	s6 =	simm.s32 @!p1 $0x1082;
	[sflag:s4] =	ssyncset.s32 $0xFFFFF086  }
0x25: {  	[simem:s6], [sflag:s4] =	dma.local [hbm:s3], $0xF7A  }
0x26: {  	[smem:$0x3F9F] =	sst s1;
	(tag) =	ssettag s2;
	_ =	strace s9  }
0x27: {  	s1 =	sld [smem:$0x3FAF]  }
0x28: {  	s2 =	sld [smem:$0x3FB0]  }
0x29: {  	s4 =	sld [smem:$0x3FB2]  }
0x2a: {  	p0 =	seq.s32 s5, $0x0;
	s5 =	sld [smem:$0x3FB3]  }
0x2b: {  	s6 =	sld [smem:$0x3FB4]  }
0x2c: {  	s7 =	sld [smem:$0x3FB5]  }
0x2d: {  	s3 =	simm.s32 $0x108;
	s8 =	sld [smem:$0x3FB6]  }
0x2e: {  	s3 =	simm.s32 @!p0 $0x1082;
	s9 =	sld [smem:$0x3FB7]  }
0x2f: {  	lr =	sadd.s32 s0, s3;
	s0 =	sld [smem:$0x3FAE]  }
0x30: {  	s3 =	sld [smem:$0x3FB1]  }
0x31: {  	[smem:$0x3FBA] =	sst s10  }
0x32: {  	s10 =	sld [smem:$0x3FB8];
	_ =	sdelay $0x3  }
0x33: {  	p0 =	seq.s32 s10, $0x1;
	s10 =	sld [smem:$0x3FBA];
	_ =	sdelay $0x3  }
0x34: {  	[smem:$0x3FBA] =	sst s10  }
0x35: {  	s10 =	sld [smem:$0x3FB9];
	_ =	sdelay $0x3  }
0x36: {  	p1 =	seq.s32 s10, $0x1;
	s10 =	sld [smem:$0x3FBA];
	_ =	sdelay $0x3  }
0x37: {  	[smem:$0x3FBA] =	sst s10  }
0x38: {  	s10 =	sld [smem:$0x3FBB]  }
0x39: {  	_ = 	snop;
	(pc) =	sbr.ind lr, $3  }
0x3a: {  	_ = 	snop  }
0x3b: {  	_ = 	snop  }
0x3c: {  	p2 =	seq.s32 s10, $0x1;
	s10 =	sld [smem:$0x3FBA]  }
0x3d: {  	_ =	shalt  }
0x3e: {  	_ =	shalt  }
0x3f: {  	_ =	shalt  }
0x40: {  	_ =	shalt  }
0x41: {  	_ =	shalt  }
0x42: {  	_ =	shalt  }
0x43: {  	_ =	shalt  }
0x44: {  	_ =	shalt  }
0x45: {  	_ =	shalt  }
0x46: {  	_ =	shalt  }
0x47: {  	_ =	shalt  }
0x48: {  	_ =	shalt  }
0x49: {  	_ =	shalt  }
0x4a: {  	_ =	shalt  }
0x4b: {  	_ =	shalt  }
0x4c: {  	_ =	shalt  }
0x4d: {  	_ =	shalt  }
0x4e: {  	_ =	shalt  }
0x4f: {  	_ =	shalt  }
0x50: {  	_ =	shalt  }
0x51: {  	_ =	shalt  }
0x52: {  	_ =	shalt  }
0x53: {  	_ =	shalt  }
0x54: {  	_ =	shalt  }
0x55: {  	_ =	shalt  }
0x56: {  	_ =	shalt  }
0x57: {  	_ =	shalt  }
0x58: {  	_ =	shalt  }
0x59: {  	_ =	shalt  }
0x5a: {  	_ =	shalt  }
0x5b: {  	_ =	shalt  }
0x5c: {  	_ =	shalt  }
0x5d: {  	_ =	shalt  }
0x5e: {  	_ =	shalt  }
0x5f: {  	_ =	shalt  }
0x60: {  	_ =	shalt  }
0x61: {  	_ =	shalt  }
0x62: {  	_ =	shalt  }
0x63: {  	_ =	shalt  }
0x64: {  	_ =	shalt  }
0x65: {  	_ =	shalt  }
0x66: {  	_ =	shalt  }
0x67: {  	_ =	shalt  }
0x68: {  	_ =	shalt  }
0x69: {  	_ =	shalt  }
0x6a: {  	_ =	shalt  }
0x6b: {  	_ =	shalt  }
0x6c: {  	_ =	shalt  }
0x6d: {  	_ =	shalt  }
0x6e: {  	_ =	shalt  }
0x6f: {  	_ =	shalt  }
0x70: {  	_ =	shalt  }
0x71: {  	_ =	shalt  }
0x72: {  	_ =	shalt  }
0x73: {  	_ =	shalt  }
0x74: {  	_ =	shalt  }
0x75: {  	_ =	shalt  }
0x76: {  	_ =	shalt  }
0x77: {  	_ =	shalt  }
0x78: {  	_ =	shalt  }
0x79: {  	_ =	shalt  }
0x7a: {  	_ =	shalt  }
0x7b: {  	_ =	shalt  }
0x7c: {  	_ =	shalt  }
0x7d: {  	_ =	shalt  }
0x7e: {  	_ =	shalt  }
0x7f: {  	_ =	shalt  }
0x80: {  	_ =	shalt  }
0x81: {  	_ =	shalt  }
0x82: {  	_ =	shalt  }
0x83: {  	_ =	shalt  }
0x84: {  	_ =	shalt  }
0x85: {  	_ =	shalt  }
0x86: {  	_ =	shalt  }
0x87: {  	_ =	shalt  }
.Lfunc_end0:
.L_simem_size_0:
called_computation_lowered:
.L_overlay_start_0:
0x88: {  	s2 =	sld [smem:$0x3FD9]  }
0x89: {  	s3 =	sld [smem:$0x3FFE];
	_ =	sdelay $0x1  }
0x8a: {  	s1 =	srdreg.scid  }
0x8b: {  	s0 =	sand.u32 $0x1, s1  }
0x8c: {  	s17 =	sshll.u32 s0, $0xA;
	s2 =	sadd.s32 s3, s2  }
0x8d: {  	s2 =	sadd.s32 s2, s17  }
0x8e: {  	[smem:$0x3FC6] =	sst s2  }
0x8f: {  	_ = 	snop  }
0x90: {  	s2 =	sld [smem:$0x3FC9]  }
0x91: {  	s18 =	sld [smem:$0x3FC8]  }
0x92: {  	s4 =	sld [smem:$0x3FD0];
	(tm) =	ssettm $0x1  }
0x93: {  	s5 =	sld [smem:$0x3FFB];
	_ =	sdelay $0x3  }
0x94: {  	_ =	strace s5  }
0x95: {  	s5 =	sld [smem:$0x3FFC];
	_ =	sdelay $0x3  }
0x96: {  	_ =	strace s5  }
0x97: {  	s5 =	sld [smem:$0x3FFD];
	_ =	sdelay $0x3  }
0x98: {  	_ =	strace s5  }
0x99: {  	_ =	strace $0x8FFFFFFF  }
0x9a: {  	s19 =	sld [smem:$0x3FDB];
	_ =	sdelay $0x1  }
0x9b: {  	s6 =	simm.s32 $_scs_section_size  }
0x9c: {  	s7 =	simm.s32 $_size__tile_overlayer_lowered;
	s8 =	simm.s32 $_tile_overlayer_lowered  }
0x9d: {  	s22 =	simm.s32 $0x1BFF;
	s21 =	sshll.u32 s8, $0x1;
	s5 =	sadd.s32 s6, s19  }
0x9e: {  	s9 =	simm.s32 $0x0;
	s20 =	sshll.u32 s7, $0x1;
	s7 =	sadd.s32 s21, s5  }
0x9f: {  	[timem:s9], [sflag:s22] =	dma.local [hbm:s7], s20  }
0xa0: {  	_ =	swait.ge [sflag:s22], s20  }
0xa1: {  	s6 =	ssub.s32 $0x0, s20;
	[sflag:s22] =	ssyncset.done $0x0  }
0xa2: {  	[sflag:s22] =	ssyncadd.s32 s6;
	_ =	sdelay $0x1  }
0xa3: {  	s23 =	simm.s32 $0x1B8B  }
0xa4: {  	_ =	swait.ge [sflag:s23], $0x1  }
0xa5: {  	[sflag:s23] =	ssyncset.done $0x0  }
0xa6: {  	s25 =	simm.s32 $0x1B8E;
	s24 =	sld [smem:$0x3FFE];
	[sflag:s23] =	ssyncadd.s32 $0xFFFFFFFF  }
0xa7: {  	s26 =	simm.s32 $execute0_lowered;
	[smem:$0x3FD2] =	sst s25  }
0xa8: {  	s7 =	sshll.u32 s26, $0x1;
	_ =	strace $0x80000046;
	[dreg:$0x1] =	wrdreg $0xFFFFFFFF  }
0xa9: {  	s28 =	simm.s32 $_size_execute0_lowered;
	s5 =	sadd.s32 s5, s7;
	[dreg:$0x0] =	wrdreg $0x0  }
0xaa: {  	s7 =	sshll.u32 s28, $0x1;
	[dreg:$0x2] =	wrdreg s5  }
0xab: {  	[dreg:$0x3] =	wrdreg s7  }
0xac: {  	[dreg:$0x4] =	wrdreg $0xC0  }
0xad: {  	_ =	task [dreg:s9], $0x5FFFF  }
0xae: {  	[dreg:$0x1] =	wrdreg $0xFFFFFFFF  }
0xaf: {  	[dreg:$0x0] =	wrdreg $0x60  }
0xb0: {  	[dreg:$0x2] =	wrdreg s2  }
0xb1: {  	[dreg:$0x3] =	wrdreg s18  }
0xb2: {  	[dreg:$0x4] =	wrdreg s4  }
0xb3: {  	[dreg:$0x5] =	wrdreg s24  }
0xb4: {  	[dreg:$0x6] =	wrdreg $0x9  }
0xb5: {  	_ =	task.clear_ibuf [dreg:s9], $0x7FFFF;
	_ =	strace $0x90000046  }
0xb6: {  	s29 =	simm.s32 $0x9;
	_ =	strace $0x80000048  }
0xb7: {  	_ =	swait.ge [sflag:s29], $0x1  }
0xb8: {  	[sflag:s29] =	ssyncadd.s32 $0xFFFFFFFF  }
0xb9: {  	_ =	strace $0x90000048  }
0xba: {  	_ =	sfence  }
0xbb: {  	s30 =	sld [smem:$0x0];
	_ =	sdelay $0x2  }
0xbc: {  	s31 =	sshll.u32 s1, $0xD;
	s1 =	sshrl.u32 s1, $0x2  }
0xbd: {  	s3 =	sand.u32 $0x4000, s31;
	s1 =	sadd.s32 s1, s30  }
0xbe: {  	s0 =	sor.u32 s3, s0;
	s1 =	sshll.u32 s1, $0x11  }
0xbf: {  	s0 =	sor.u32 s1, s0  }
0xc0: {  	s0 =	sadd.s32 $0x8F2B, s0  }
0xc1: {  	[sflag:s0] =	ssyncadd.remote.s32 $0x1  }
0xc2: {  	_ =	sfence.sel $0xFFFF  }
0xc3: {  	[dreg:$0x0] =	wrdreg $0xFFFFFFFF;
	(pc) =	sbr.abs _section_cstart, $3  }
0xc4: {  	[dreg:$0x1] =	wrdreg $0xFFFFFFFF  }
0xc5: {  	_ =	task.clear_ibuf [dreg:s9], $0x2FFFF;
	_ =	strace $0x9FFFFFFF  }
0xc6: {  	(tm) =	ssettm $0x7FFFFFFF  }
0xc7: {  	_ =	shalt  }
tec
execute0_lowered:
.L_overlay_start_1:
0x0: {  	(tag) =	ssettag $0x1  }
0x1: {  	s8 =	rddreg [dreg:$0x0]  }
0x2: {  	s10 =	rddreg [dreg:$0x1]  }
0x3: {  	s11 =	rddreg [dreg:$0x2]  }
0x4: {  	s0 =	rddreg [dreg:$0x3];
	s4 =	simm.s32 $0x0  }
0x5: {  	s1 =	srdreg.scid;
	s7 =	stileid.u32;
	s20 =	simm.s32 $0x2000  }
0x6: {  	s24 =	simm.s32 $0x4;
	s23 =	simm.s32 $0x1000;
	s28 =	simm.s32 $0x80  }
0x7: {  	s12 =	simm.s32 $0x14580;
	s14 =	simm.s32 $0x14600;
	s15 =	simm.s32 $0x14680  }
0x8: {  	s19 =	simm.s32 $0x14700;
	[smem:$0x7FF] =	sst s4;
	s1 =	sand.u32 $0x1, s1  }
0x9: {  	s6 =	sadd.s32 $0x800, s0;
	s3 =	sshll.u32 s7, $0x10;
	s7 =	sshll.u32 s7, $0xC  }
0xa: {  	s9 =	sadd.s32 $0x100000, s8;
	_ =	strace $0x80000047;
	s21 =	ssub.s32 $0x2, s1  }
0xb: {  	s5 =	sshll.u32 s1, $0xF;
	s22 =	sshll.u32 s1, $0x13;
	s1 =	sshll.u32 s1, $0x10  }
0xc: {  	s2 =	sshrl.u32 s21, $0x1;
	s3 =	sor.u32 s5, s3;
	s13 =	sadd.s32 s6, s1  }
0xd: {  	s2 =	ssub.s32 s21, s2;
	s5 =	sadd.s32 s8, s3;
	s8 =	sadd.s32 s3, s9  }
0xe: {  	s29 =	sshrl.u32 s3, $0x3;
	s16 =	sor.u32 $0x1000, s3;
	[dreg:$0x6] =	wrdreg s8  }
0xf: {  	s17 =	sadd.s32 $0xFFFFF800, s3;
	s25 =	sadd.s32 $0x800, s5;
	[dreg:$0x5] =	wrdreg s5  }
0x10: {  	s21 =	simm.s32 $0xA000;
	s26 =	sadd.s32 $0x100800, s5;
	[dreg:$0x7] =	wrdreg s25  }
0x11: {  	s30 =	sadd.s32 $0x1000, s5;
	s5 =	sadd.s32 $0x101000, s5;
	[dreg:$0x8] =	wrdreg s26  }
0x12: {  	s1 =	sadd.s32 s29, s11;
	s31 =	smax.u32 s2, $0x1;
	[dreg:$0x9] =	wrdreg s30  }
0x13: {  	s11 =	simm.s32 $0x14500;
	s8 =	simm.s32 $0x14780;
	[dreg:$0xa] =	wrdreg s5  }
0x14: {  	s2 =	simm.s32 $0x2;
	s1 =	sadd.s32 $0xF00, s1;
	[dreg:$0xc] =	wrdreg s31  }
0x15: {  	v0 =	vmov s22;
	s26 =	simm.s32 $0x1;
	[dreg:$0xb] =	wrdreg s1;
	s1 =	simm.s32 $0x0  }
.LBB2_1:
0x16: {  	[dreg:$0xd] =	wrdreg s1  }
0x17: {  	s0 =	rddreg [dreg:$0x5]  }
0x18: {  	[tilespmem:s20], [sflag:$0x1] =	stream.linear.gather [hbm4b:s0+s4], $0x4000, $0x38;
	[tilespmem:$0x15800] =	vst v63  }
0x19: {  	s22 =	rddreg [dreg:$0x6]  }
0x1a: {  	[tilespmem:s21], [sflag:$0x1] =	stream.linear.gather [hbm4b:s22+s4], $0x4000, $0x38;
	[tilespmem:$0x15800] =	vst v63  }
0x1b: {  	s25 =	rddreg [dreg:$0x7];
	s29 =	simm.s32 $0x6000  }
0x1c: {  	[tilespmem:s29], [sflag:$0x1] =	stream.linear.gather [hbm4b:s25+s4], $0x4000, $0x38;
	[tilespmem:$0x15800] =	vst v63  }
0x1d: {  	s30 =	rddreg [dreg:$0x8];
	s31 =	simm.s32 $0xE000;
	s0 =	simm.s32 $0x0  }
0x1e: {  	[tilespmem:s31], [sflag:$0x1] =	stream.linear.gather [hbm4b:s30+s4], $0x4000, $0x38;
	[tilespmem:$0x15800] =	vst v63  }
.LBB2_2:
0x1f: {  	s1 =	sshll.u32 s0, $0x9  }
0x20: {  	s1 =	sadd.s32 s7, s1  }
0x21: {  	s3 =	simm.s32 $0x0;
	s5 =	sadd.s32 s10, s1  }
0x22: {  	[tilespmem:s3], [sflag:$0x4] =	stream.linear.gather [hbm4b:s5+s3], $0x1000, $0x38;
	[tilespmem:$0x15800] =	vst v63  }
0x23: {  	s25 =	simm.s32 $0x0;
	s18 =	sand.u32 $0x100, s3;
	_ =	swait.ge [sflag:s24], $0x1000  }
0x24: {  	s22 =	sand.u32 $0xF80, s25;
	s29 =	sshrl.u32 s18, $0x2;
	[sflag:s24] =	ssyncset.done $0x0  }
0x25: {  	s5 =	sor.u32 s29, s22;
	[sflag:s24] =	ssyncadd.s32 $0xFFFFF000  }
0x26: {  	v1 =	vld [tilespmem:s5+$0x0];
	_ =	sdelay $0x2  }
0x27: {  	s18 =	sand.u32 $0x40, s3;
	s5 =	sor.u32 $0x1000, s22  }
0x28: {  	s29 =	sor.u32 $0x10, s18;
	s25 =	sor.u32 s18, s5  }
0x29: {  	s30 =	sor.u32 s29, s22;
	[tilespmem:s25+$0x0] =	vst v1  }
0x2a: {  	v1 =	vld [tilespmem:s30+$0x0];
	_ =	sdelay $0x3  }
0x2b: {  	s31 =	sor.u32 s29, s5;
	s30 =	sor.u32 $0x20, s18  }
0x2c: {  	[tilespmem:s31+$0x0] =	vst v1;
	s31 =	sor.u32 s30, s22  }
0x2d: {  	v1 =	vld [tilespmem:s31+$0x0];
	_ =	sdelay $0x3  }
0x2e: {  	s25 =	sor.u32 $0x30, s18;
	s29 =	sor.u32 s30, s5  }
0x2f: {  	s22 =	sor.u32 s25, s22;
	[tilespmem:s29+$0x0] =	vst v1  }
0x30: {  	v1 =	vld [tilespmem:s22+$0x0]  }
0x31: {  	s18 =	simm.s32 $0x0;
	s22 =	simm.s32 $0x100  }
.LBB2_3:
0x32: {  	s29 =	sshrl.u32 s22, $0x2  }
0x33: {  	s30 =	sand.u32 $0x100, s22;
	s18 =	sadd.s32 $0x4, s18;
	s29 =	sand.u32 $0xF80, s29  }
0x34: {  	s5 =	sor.u32 s25, s5;
	s30 =	sshrl.u32 s30, $0x2;
	p0 =	slt.u32 s18, $0xFC  }
0x35: {  	s25 =	sor.u32 s30, s29;
	[tilespmem:s5+$0x0] =	vst v1  }
0x36: {  	v1 =	vld [tilespmem:s25+$0x0];
	_ =	sdelay $0x1  }
0x37: {  	s3 =	sadd.s32 $0x40, s3  }
0x38: {  	s5 =	sor.u32 $0x1000, s29;
	s25 =	sand.u32 $0x40, s3  }
0x39: {  	s30 =	sor.u32 s25, s5;
	s31 =	sor.u32 $0x10, s25  }
0x3a: {  	[tilespmem:s30+$0x0] =	vst v1;
	s30 =	sor.u32 s31, s29  }
0x3b: {  	v1 =	vld [tilespmem:s30+$0x0];
	_ =	sdelay $0x3  }
0x3c: {  	s30 =	sor.u32 s31, s5;
	s31 =	sor.u32 $0x20, s25  }
0x3d: {  	[tilespmem:s30+$0x0] =	vst v1;
	s30 =	sor.u32 s31, s29  }
0x3e: {  	v1 =	vld [tilespmem:s30+$0x0];
	_ =	sdelay $0x2  }
.Ltmp0:
0x3f: {  	(pc) =	sbr.rel @p0 .LBB2_3-.Ltmp0, $4  }
0x40: {  	s25 =	sor.u32 $0x30, s25;
	s30 =	sor.u32 s31, s5  }
0x41: {  	s29 =	sor.u32 s25, s29;
	[tilespmem:s30+$0x0] =	vst v1  }
0x42: {  	v1 =	vld [tilespmem:s29+$0x0]  }
0x43: {  	s22 =	sadd.s32 $0x100, s22  }
0x44: {  	_ = 	snop  }
0x45: {  	s0 =	sadd.s32 $0x1, s0  }
0x46: {  	s3 =	sor.u32 s25, s5;
	p0 =	sne.s32 s0, $0x8  }
.Ltmp1:
0x47: {  	s1 =	sadd.s32 s1, s13;
	[tilespmem:s3+$0x0] =	vst v1;
	(pc) =	sbr.rel @p0 .LBB2_2-.Ltmp1, $4  }
0x48: {  	[hbm4b:s1+s4] =	stream.linear.scatter [tilespmem:s23], [sflag:$0x4], $0x1000, $0x38;
	[tilespmem:$0x15800] =	vst v63  }
0x49: {  	_ =	swait.ge [sflag:s24], $0x1000  }
0x4a: {  	[sflag:s24] =	ssyncset.done $0x0  }
0x4b: {  	[sflag:s24] =	ssyncadd.s32 $0xFFFFF000  }
0x4c: {  	[bflag:$0x0] =	sbarrier.arrive $0xFFFF  }
0x4d: {  	_ =	swait.ge [sflag:s26], $0x4000  }
0x4e: {  	[sflag:s26] =	ssyncset.done $0x0  }
0x4f: {  	[sflag:s26] =	ssyncadd.s32 $0xFFFFC000  }
0x50: {  	s3 =	simm.s32 $0x0;
	_ =	swait.ge [sflag:s26], $0x4000  }
0x51: {  	s1 =	sand.u32 $0x70, s3;
	s0 =	sand.u32 $0x3C00, s3;
	[sflag:s26] =	ssyncset.done $0x0  }
0x52: {  	s0 =	sor.u32 s1, s0;
	[sflag:s26] =	ssyncadd.s32 $0xFFFFC000  }
0x53: {  	v1 =	vld [tilespmem:s0+$0x2000]  }
0x54: {  	v2 =	vld [tilespmem:s0+$0xA000]  }
0x55: {  	v3 =	vld [tilespmem:s0+$0x2080]  }
0x56: {  	v4 =	vld [tilespmem:s0+$0x2200]  }
0x57: {  	v5 =	vld [tilespmem:s0+$0xA080]  }
0x58: {  	s5 =	sand.u32 $0x7, s3;
	v41 =	vld [tilespmem:s0+$0xA200]  }
0x59: {  	s5 =	sshll.u32 s5, $0x4;
	v8 =	vld [tilespmem:s0+$0x2280]  }
0x5a: {  	s5 =	sadd.s32 $0x0, s5;
	v48 =	vld [tilespmem:s0+$0x2300]  }
0x5b: {  	s5 =	sor.u32 $0x380, s5;
	v11 =	vld [tilespmem:s0+$0xA180]  }
0x5c: {  	v53 =	vld [tilespmem:s5+$0x2000];
	_ =	sdelay $0x1  }
0x5d: {  	v1 =	vmul.u32 $0x85EBCA77, v1;
	v2 =	vmul.u32 $0x85EBCA77, v2  }
0x5e: {  	v3 =	vmul.u32 $0x85EBCA77, v3;
	v4 =	vmul.u32 $0x85EBCA77, v4;
	v5 =	vmul.u32 $0x85EBCA77, v5  }
0x5f: {  	v42 =	vld [tilespmem:s0+$0x2100];
	v45 =	vmul.u32 $0x85EBCA77, v41;
	v8 =	vmul.u32 $0x85EBCA77, v8;
	v52 =	vmul.u32 $0x85EBCA77, v48  }
0x60: {  	v55 =	vld [tilespmem:s0+$0xA300];
	v56 =	vmul.u32 $0x85EBCA77, v11;
	v57 =	vmul.u32 $0x85EBCA77, v53;
	v1 =	vadd.s32 $0x24234429, v1  }
0x61: {  	v49 =	vld [tilespmem:s0+$0xA280];
	v2 =	vadd.s32 $0x1, v2;
	v4 =	vadd.s32 $0x85EBCA78, v4;
	v6 =	vshrl.u32 v1, $0x13  }
0x62: {  	v7 =	vshrl.u32 v2, $0x13;
	v2 =	vshll.u32 v2, $0xD;
	v1 =	vshll.u32 v1, $0xD  }
0x63: {  	v9 =	vshrl.u32 v4, $0x13;
	v4 =	vshll.u32 v4, $0xD;
	v2 =	vor.u32 v7, v2  }
0x64: {  	v1 =	vor.u32 v6, v1;
	v4 =	vor.u32 v9, v4;
	v2 =	vmul.u32 $0x9E3779B1, v2  }
0x65: {  	v59 =	vmul.u32 $0x85EBCA77, v55;
	v1 =	vmul.u32 $0x9E3779B1, v1;
	v4 =	vmul.u32 $0x9E3779B1, v4  }
0x66: {  	v6 =	vmul.u32 $0x85EBCA77, v42;
	v7 =	vmul.u32 $0x85EBCA77, v49;
	v2 =	vadd.s32 v5, v2  }
0x67: {  	v1 =	vadd.s32 v3, v1;
	v5 =	vadd.s32 $0x61C88650, v45;
	v4 =	vadd.s32 v8, v4  }
0x68: {  	v3 =	vld [tilespmem:s0+$0xA100];
	v43 =	vshrl.u32 v1, $0x13;
	v1 =	vshll.u32 v1, $0xD;
	v44 =	vshrl.u32 v2, $0x13  }
0x69: {  	v2 =	vshll.u32 v2, $0xD;
	v47 =	vshrl.u32 v5, $0x13;
	v1 =	vor.u32 v43, v1  }
0x6a: {  	v46 =	vld [tilespmem:s0+$0x2180];
	v10 =	vshll.u32 v4, $0xD;
	v4 =	vshrl.u32 v4, $0x13;
	v1 =	vmul.u32 $0x9E3779B1, v1  }
0x6b: {  	v58 =	vld [tilespmem:s5+$0xA000];
	v5 =	vshll.u32 v5, $0xD;
	v2 =	vor.u32 v44, v2;
	v4 =	vor.u32 v4, v10  }
0x6c: {  	v2 =	vmul.u32 $0x9E3779B1, v2;
	v4 =	vmul.u32 $0x9E3779B1, v4;
	v1 =	vadd.s32 v6, v1  }
0x6d: {  	v3 =	vmul.u32 $0x85EBCA77, v3;
	v6 =	vshrl.u32 v1, $0x13;
	v1 =	vshll.u32 v1, $0xD  }
0x6e: {  	v5 =	vor.u32 v47, v5;
	v4 =	vadd.s32 v52, v4;
	v1 =	vor.u32 v6, v1  }
0x6f: {  	v2 =	vadd.s32 v3, v2;
	v3 =	vmul.u32 $0x85EBCA77, v46;
	v1 =	vmul.u32 $0x9E3779B1, v1  }
0x70: {  	v6 =	vmul.u32 $0x85EBCA77, v58;
	v50 =	vshrl.u32 v2, $0x13;
	v2 =	vshll.u32 v2, $0xD  }
0x71: {  	v2 =	vor.u32 v50, v2;
	v1 =	vadd.s32 v3, v1;
	v3 =	vmul.u32 $0x9E3779B1, v5  }
0x72: {  	v2 =	vmul.u32 $0x9E3779B1, v2;
	v5 =	vshrl.u32 v4, $0x13;
	v4 =	vshll.u32 v4, $0xD  }
0x73: {  	v51 =	vshrl.u32 v1, $0x13;
	v1 =	vshll.u32 v1, $0xD;
	v3 =	vadd.s32 v7, v3  }
0x74: {  	v4 =	vor.u32 v5, v4;
	v7 =	vshrl.u32 v3, $0x13;
	v3 =	vshll.u32 v3, $0xD  }
0x75: {  	v1 =	vor.u32 v51, v1;
	v4 =	vmul.u32 $0x9E3779B1, v4;
	v3 =	vor.u32 v7, v3  }
0x76: {  	v2 =	vadd.s32 v56, v2;
	v54 =	vmul.u32 $0x9E3779B1, v1;
	v3 =	vmul.u32 $0x9E3779B1, v3  }
0x77: {  	v1 =	vmul.u32 $0x3C6EF362, v1;
	v60 =	vshrl.u32 v2, $0x13;
	v4 =	vadd.s32 v57, v4  }
0x78: {  	v2 =	vshll.u32 v2, $0xD;
	v5 =	vshrl.u32 v4, $0x13;
	v3 =	vadd.s32 v59, v3  }
0x79: {  	v4 =	vshll.u32 v4, $0xD;
	v7 =	vshrl.u32 v3, $0x13;
	v3 =	vshll.u32 v3, $0xD  }
0x7a: {  	v2 =	vor.u32 v60, v2;
	v4 =	vor.u32 v5, v4;
	v3 =	vor.u32 v7, v3  }
0x7b: {  	v8 =	vshrl.u32 v54, $0x1F;
	v5 =	vmul.u32 $0x9E3779B1, v4;
	v3 =	vmul.u32 $0x9E3779B1, v3  }
0x7c: {  	v61 =	vmul.u32 $0x9E3779B1, v2;
	v2 =	vmul.u32 $0x779B1000, v2;
	v4 =	vmul.u32 $0x1BBCD880, v4  }
0x7d: {  	v1 =	vor.u32 v8, v1;
	v5 =	vshrl.u32 v5, $0x19;
	v3 =	vadd.s32 v6, v3  }
0x7e: {  	v1 =	vadd.s32 v4, v1;
	v62 =	vshrl.u32 v3, $0x13;
	v3 =	vshll.u32 v3, $0xD  }
0x7f: {  	v63 =	vshrl.u32 v61, $0x14;
	v1 =	vadd.s32 v5, v1;
	v3 =	vor.u32 v62, v3  }
0x80: {  	v1 =	vadd.s32 v2, v1;
	v2 =	vmul.u32 $0x9E3779B1, v3;
	v3 =	vmul.u32 $0xE6C40000, v3  }
0x81: {  	v1 =	vadd.s32 v63, v1  }
0x82: {  	s18 =	simm.s32 $0x10;
	v2 =	vshrl.u32 v2, $0xE;
	v1 =	vadd.s32 v3, v1  }
0x83: {  	s22 =	simm.s32 $0x0;
	s25 =	simm.s32 $0x0;
	s0 =	simm.s32 $0x0;
	v1 =	vadd.s32 v2, v1  }
.LBB2_6:
0x84: {  	v1 =	vadd.s32 $0x4, v1;
	s3 =	sadd.s32 $0x20, s3;
	s22 =	sadd.s32 $0x80, s22;
	s25 =	sadd.s32 $0x1, s25  }
0x85: {  	p0 =	sne.s32 s18, $0x7F0;
	s5 =	smov.u32 s18;
	s18 =	sadd.s32 $0x10, s18;
	v2 =	vshrl.u32 v1, $0xF  }
0x86: {  	v1 =	vxor.u32 v1, v2  }
0x87: {  	v1 =	vmul.u32 $0x85EBCA77, v1;
	_ =	sdelay $0x1  }
0x88: {  	v2 =	vshrl.u32 v1, $0xD  }
0x89: {  	v1 =	vxor.u32 v1, v2  }
0x8a: {  	v1 =	vmul.u32 $0xC2B2AE3D, v1;
	_ =	sdelay $0x1  }
0x8b: {  	v2 =	vshrl.u32 v1, $0x10;
	v3 =	vshrl.u32 v1, $0xD;
	v4 =	vshrl.u32 v1, $0xF  }
0x8c: {  	v1 =	vxor.u32 v1, v2  }
0x8d: {  	v4 =	vand.u32 $0x18, v4;
	v2 =	vshrl.u32 v1, $0xB;
	v1 =	vshrl.u32 v1, $0x8  }
0x8e: {  	s29 =	sand.u32 $0xF00, s0;
	s0 =	smov.u32 s3;
	v3 =	vand.u32 $0x7FF80, v3;
	v2 =	vand.u32 $0x7F, v2;
	v1 =	vand.u32 $0x7, v1  }
0x8f: {  	s29 =	sor.u32 s1, s29;
	v2 =	vor.u32 v2, v3;
	v1 =	vor.u32 v4, v1  }
0x90: {  	s1 =	sand.u32 $0x70, s5;
	s5 =	sand.u32 $0x3C00, s22;
	v2 =	vor.u32 v0, v2;
	[tilespmem:s29+$0x13000] =	vst v1  }
0x91: {  	s5 =	sor.u32 s1, s5;
	[tilespmem:s29+$0x12000] =	vst v2  }
0x92: {  	v1 =	vld [tilespmem:s5+$0xA000]  }
0x93: {  	v2 =	vld [tilespmem:s5+$0x2080]  }
0x94: {  	v3 =	vld [tilespmem:s5+$0x2000]  }
0x95: {  	v4 =	vld [tilespmem:s5+$0x2200];
	_ =	sdelay $0x3  }
0x96: {  	v1 =	vmul.u32 $0x85EBCA77, v1;
	v2 =	vmul.u32 $0x85EBCA77, v2;
	v5 =	vld [tilespmem:s5+$0xA080];
	v3 =	vmul.u32 $0x85EBCA77, v3  }
0x97: {  	v4 =	vmul.u32 $0x85EBCA77, v4  }
0x98: {  	v1 =	vadd.s32 $0x1, v1;
	v3 =	vadd.s32 $0x24234429, v3  }
0x99: {  	v7 =	vshrl.u32 v1, $0x13;
	v1 =	vshll.u32 v1, $0xD;
	v6 =	vshrl.u32 v3, $0x13  }
0x9a: {  	v1 =	vor.u32 v7, v1;
	v3 =	vshll.u32 v3, $0xD;
	v8 =	vld [tilespmem:s5+$0x2280]  }
0x9b: {  	v1 =	vmul.u32 $0x9E3779B1, v1;
	v3 =	vor.u32 v6, v3;
	v7 =	vld [tilespmem:s5+$0xA200];
	v5 =	vmul.u32 $0x85EBCA77, v5  }
0x9c: {  	v4 =	vadd.s32 $0x85EBCA78, v4;
	v3 =	vmul.u32 $0x9E3779B1, v3;
	v6 =	vld [tilespmem:s5+$0x2100]  }
0x9d: {  	v9 =	vshrl.u32 v4, $0x13;
	v4 =	vshll.u32 v4, $0xD;
	v1 =	vadd.s32 v5, v1  }
0x9e: {  	v2 =	vadd.s32 v2, v3;
	v3 =	vor.u32 v9, v4;
	v5 =	vld [tilespmem:s5+$0xA100];
	v4 =	vshrl.u32 v1, $0x13  }
0x9f: {  	v9 =	vshrl.u32 v2, $0x13;
	v2 =	vshll.u32 v2, $0xD;
	v3 =	vmul.u32 $0x9E3779B1, v3  }
0xa0: {  	v1 =	vshll.u32 v1, $0xD;
	v2 =	vor.u32 v9, v2;
	v7 =	vmul.u32 $0x85EBCA77, v7  }
0xa1: {  	v1 =	vor.u32 v4, v1;
	v2 =	vmul.u32 $0x9E3779B1, v2;
	v9 =	vld [tilespmem:s5+$0x2180];
	v6 =	vmul.u32 $0x85EBCA77, v6  }
0xa2: {  	v4 =	vmul.u32 $0x85EBCA77, v8;
	v1 =	vmul.u32 $0x9E3779B1, v1;
	v7 =	vadd.s32 $0x61C88650, v7  }
0xa3: {  	v2 =	vadd.s32 v6, v2;
	v5 =	vmul.u32 $0x85EBCA77, v5;
	v6 =	vshrl.u32 v7, $0x13  }
0xa4: {  	v7 =	vshll.u32 v7, $0xD;
	v8 =	vshrl.u32 v2, $0x13;
	v2 =	vshll.u32 v2, $0xD  }
0xa5: {  	v3 =	vadd.s32 v4, v3;
	v10 =	vld [tilespmem:s5+$0xA180];
	v2 =	vor.u32 v8, v2;
	v1 =	vadd.s32 v5, v1  }
0xa6: {  	v4 =	vld [tilespmem:s5+$0xA280];
	v2 =	vmul.u32 $0x9E3779B1, v2;
	v5 =	vmul.u32 $0x85EBCA77, v9;
	v8 =	vshrl.u32 v1, $0x13  }
0xa7: {  	v11 =	vshll.u32 v3, $0xD;
	v6 =	vor.u32 v6, v7;
	v1 =	vshll.u32 v1, $0xD;
	v9 =	vld [tilespmem:s5+$0x2300]  }
0xa8: {  	v1 =	vor.u32 v8, v1;
	v2 =	vadd.s32 v5, v2;
	v5 =	vmul.u32 $0x9E3779B1, v6  }
0xa9: {  	s29 =	sand.u32 $0x7, s25;
	v3 =	vshrl.u32 v3, $0x13;
	v6 =	vshrl.u32 v2, $0x13;
	v2 =	vshll.u32 v2, $0xD  }
0xaa: {  	s29 =	sshll.u32 s29, $0x4;
	v3 =	vor.u32 v3, v11;
	v1 =	vmul.u32 $0x9E3779B1, v1;
	v2 =	vor.u32 v6, v2  }
0xab: {  	s29 =	sadd.s32 s29, s22;
	v6 =	vmul.u32 $0x9E3779B1, v2;
	v4 =	vmul.u32 $0x85EBCA77, v4;
	v2 =	vmul.u32 $0x3C6EF362, v2  }
0xac: {  	s29 =	sor.u32 $0x380, s29;
	v3 =	vmul.u32 $0x9E3779B1, v3;
	v7 =	vld [tilespmem:s5+$0xA300];
	v8 =	vmul.u32 $0x85EBCA77, v9;
	v9 =	vmul.u32 $0x85EBCA77, v10  }
0xad: {  	v10 =	vld [tilespmem:s29+$0x2000];
	v4 =	vadd.s32 v4, v5;
	v5 =	vshrl.u32 v6, $0x1F  }
0xae: {  	v3 =	vadd.s32 v8, v3;
	v1 =	vadd.s32 v9, v1;
	v6 =	vshrl.u32 v4, $0x13  }
0xaf: {  	v4 =	vshll.u32 v4, $0xD;
	v8 =	vshrl.u32 v3, $0x13;
	v9 =	vshrl.u32 v1, $0x13  }
0xb0: {  	v3 =	vshll.u32 v3, $0xD;
	v1 =	vshll.u32 v1, $0xD;
	v4 =	vor.u32 v6, v4  }
0xb1: {  	v3 =	vor.u32 v8, v3;
	v1 =	vor.u32 v9, v1;
	v4 =	vmul.u32 $0x9E3779B1, v4  }
0xb2: {  	v2 =	vor.u32 v5, v2;
	v3 =	vmul.u32 $0x9E3779B1, v3;
	v6 =	vmul.u32 $0x85EBCA77, v10  }
0xb3: {  	v7 =	vmul.u32 $0x85EBCA77, v7;
	v5 =	vld [tilespmem:s29+$0xA000]  }
0xb4: {  	v3 =	vadd.s32 v6, v3  }
0xb5: {  	v4 =	vadd.s32 v7, v4;
	v6 =	vshrl.u32 v3, $0x13;
	v3 =	vshll.u32 v3, $0xD  }
0xb6: {  	v3 =	vor.u32 v6, v3;
	v6 =	vshrl.u32 v4, $0x13;
	v4 =	vshll.u32 v4, $0xD  }
0xb7: {  	v7 =	vmul.u32 $0x9E3779B1, v3;
	v4 =	vor.u32 v6, v4;
	v3 =	vmul.u32 $0x1BBCD880, v3  }
0xb8: {  	v4 =	vmul.u32 $0x9E3779B1, v4;
	v5 =	vmul.u32 $0x85EBCA77, v5  }
0xb9: {  	v6 =	vmul.u32 $0x9E3779B1, v1;
	v7 =	vshrl.u32 v7, $0x19  }
0xba: {  	v1 =	vmul.u32 $0x779B1000, v1;
	v2 =	vadd.s32 v3, v2;
	v4 =	vadd.s32 v5, v4  }
0xbb: {  	v2 =	vadd.s32 v7, v2;
	v3 =	vshrl.u32 v4, $0x13;
	v4 =	vshll.u32 v4, $0xD  }
.Ltmp2:
0xbc: {  	v1 =	vadd.s32 v1, v2;
	v3 =	vor.u32 v3, v4;
	v4 =	vshrl.u32 v6, $0x14;
	(pc) =	sbr.rel @p0 .LBB2_6-.Ltmp2, $3  }
0xbd: {  	v2 =	vmul.u32 $0x9E3779B1, v3;
	v3 =	vmul.u32 $0xE6C40000, v3;
	v1 =	vadd.s32 v4, v1;
	_ =	sdelay $0x1  }
0xbe: {  	v2 =	vshrl.u32 v2, $0xE;
	v1 =	vadd.s32 v3, v1  }
0xbf: {  	v1 =	vadd.s32 v2, v1  }
0xc0: {  	v1 =	vadd.s32 $0x4, v1  }
0xc1: {  	v2 =	vshrl.u32 v1, $0xF  }
0xc2: {  	v1 =	vxor.u32 v1, v2  }
0xc3: {  	v1 =	vmul.u32 $0x85EBCA77, v1;
	_ =	sdelay $0x1  }
0xc4: {  	v2 =	vshrl.u32 v1, $0xD  }
0xc5: {  	v1 =	vxor.u32 v1, v2  }
0xc6: {  	v1 =	vmul.u32 $0xC2B2AE3D, v1;
	_ =	sdelay $0x1  }
0xc7: {  	v2 =	vshrl.u32 v1, $0x10  }
0xc8: {  	v3 =	vshrl.u32 v1, $0xD;
	v4 =	vshrl.u32 v1, $0xF;
	v1 =	vxor.u32 v1, v2  }
0xc9: {  	v4 =	vand.u32 $0x18, v4;
	v2 =	vshrl.u32 v1, $0xB;
	v1 =	vshrl.u32 v1, $0x8  }
0xca: {  	s0 =	sand.u32 $0xF00, s0;
	v3 =	vand.u32 $0x7FF80, v3;
	v2 =	vand.u32 $0x7F, v2;
	v1 =	vand.u32 $0x7, v1  }
0xcb: {  	s0 =	sor.u32 s1, s0;
	v2 =	vor.u32 v2, v3;
	v1 =	vor.u32 v4, v1  }
0xcc: {  	v2 =	vor.u32 v0, v2;
	[tilespmem:s0+$0x13000] =	vst v1  }
0xcd: {  	s25 =	rddreg [dreg:$0x9];
	[tilespmem:s0+$0x12000] =	vst v2  }
0xce: {  	[tilespmem:s20], [sflag:$0x1] =	stream.linear.gather [hbm4b:s25+s4], $0x4000, $0x38;
	[tilespmem:$0x15800] =	vst v63  }
0xcf: {  	s29 =	rddreg [dreg:$0xa]  }
0xd0: {  	[tilespmem:s21], [sflag:$0x1] =	stream.linear.gather [hbm4b:s29+s4], $0x4000, $0x38;
	[tilespmem:$0x15800] =	vst v63  }
0xd1: {  	s30 =	simm.s32 $0x12000;
	s31 =	simm.s32 $0x14000  }
0xd2: {  	[tilespmem:s31], [sflag:$0x2] =	stream.indirect.gather [hbm4b:s6+s28], $0x1, s30, s28, $0xb8;
	[tilespmem:$0x15800] =	vst v63  }
0xd3: {  	s3 =	simm.s32 $0x12100;
	s5 =	simm.s32 $0x14080  }
0xd4: {  	[tilespmem:s5], [sflag:$0x2] =	stream.indirect.gather [hbm4b:s6+s28], $0x1, s3, s28, $0xb8;
	[tilespmem:$0x15800] =	vst v63  }
0xd5: {  	s10 =	simm.s32 $0x12200;
	s18 =	simm.s32 $0x14100  }
0xd6: {  	[tilespmem:s18], [sflag:$0x2] =	stream.indirect.gather [hbm4b:s6+s28], $0x1, s10, s28, $0xb8;
	[tilespmem:$0x15800] =	vst v63  }
0xd7: {  	s20 =	simm.s32 $0x12300;
	s21 =	simm.s32 $0x14180  }
0xd8: {  	[tilespmem:s21], [sflag:$0x2] =	stream.indirect.gather [hbm4b:s6+s28], $0x1, s20, s28, $0xb8;
	[tilespmem:$0x15800] =	vst v63  }
0xd9: {  	s22 =	simm.s32 $0x12400;
	s23 =	simm.s32 $0x14200  }
0xda: {  	[tilespmem:s23], [sflag:$0x2] =	stream.indirect.gather [hbm4b:s6+s28], $0x1, s22, s28, $0xb8;
	[tilespmem:$0x15800] =	vst v63  }
0xdb: {  	s25 =	simm.s32 $0x12500;
	s29 =	simm.s32 $0x14280  }
0xdc: {  	[tilespmem:s29], [sflag:$0x2] =	stream.indirect.gather [hbm4b:s6+s28], $0x1, s25, s28, $0xb8;
	[tilespmem:$0x15800] =	vst v63  }
0xdd: {  	s30 =	simm.s32 $0x12600;
	s31 =	simm.s32 $0x14300  }
0xde: {  	[tilespmem:s31], [sflag:$0x2] =	stream.indirect.gather [hbm4b:s6+s28], $0x1, s30, s28, $0xb8;
	[tilespmem:$0x15800] =	vst v63  }
0xdf: {  	s3 =	simm.s32 $0x12700;
	s5 =	simm.s32 $0x14380  }
0xe0: {  	[tilespmem:s5], [sflag:$0x2] =	stream.indirect.gather [hbm4b:s6+s28], $0x1, s3, s28, $0xb8;
	[tilespmem:$0x15800] =	vst v63  }
0xe1: {  	s10 =	simm.s32 $0x12800;
	s18 =	simm.s32 $0x14400  }
0xe2: {  	[tilespmem:s18], [sflag:$0x2] =	stream.indirect.gather [hbm4b:s6+s28], $0x1, s10, s28, $0xb8;
	[tilespmem:$0x15800] =	vst v63  }
0xe3: {  	s20 =	simm.s32 $0x12900;
	s21 =	simm.s32 $0x14480  }
0xe4: {  	[tilespmem:s21], [sflag:$0x2] =	stream.indirect.gather [hbm4b:s6+s28], $0x1, s20, s28, $0xb8;
	[tilespmem:$0x15800] =	vst v63  }
0xe5: {  	s22 =	simm.s32 $0x12A00  }
0xe6: {  	[tilespmem:s11], [sflag:$0x2] =	stream.indirect.gather [hbm4b:s6+s28], $0x1, s22, s28, $0xb8;
	[tilespmem:$0x15800] =	vst v63  }
0xe7: {  	s23 =	simm.s32 $0x12B00  }
0xe8: {  	[tilespmem:s12], [sflag:$0x2] =	stream.indirect.gather [hbm4b:s6+s28], $0x1, s23, s28, $0xb8;
	[tilespmem:$0x15800] =	vst v63  }
0xe9: {  	s25 =	simm.s32 $0x12C00  }
0xea: {  	[tilespmem:s14], [sflag:$0x2] =	stream.indirect.gather [hbm4b:s6+s28], $0x1, s25, s28, $0xb8;
	[tilespmem:$0x15800] =	vst v63  }
0xeb: {  	s29 =	simm.s32 $0x12D00  }
0xec: {  	[tilespmem:s15], [sflag:$0x2] =	stream.indirect.gather [hbm4b:s6+s28], $0x1, s29, s28, $0xb8;
	[tilespmem:$0x15800] =	vst v63  }
0xed: {  	s30 =	simm.s32 $0x12E00  }
0xee: {  	[tilespmem:s19], [sflag:$0x2] =	stream.indirect.gather [hbm4b:s6+s28], $0x1, s30, s28, $0xb8;
	[tilespmem:$0x15800] =	vst v63  }
0xef: {  	s1 =	simm.s32 $0x1;
	s31 =	simm.s32 $0x12F00  }
0xf0: {  	[tilespmem:s8], [sflag:$0x2] =	stream.indirect.gather [hbm4b:s6+s28], $0x1, s31, s28, $0xb8;
	[tilespmem:$0x15800] =	vst v63  }
.LBB2_8:
0xf1: {  	_ =	swait.ge [sflag:s26], $0x4000  }
0xf2: {  	[sflag:s26] =	ssyncset.done $0x0  }
0xf3: {  	s18 =	sand.u32 $0x1, s1;
	s0 =	simm.s32 $0x0;
	[sflag:s26] =	ssyncadd.s32 $0xFFFFC000  }
0xf4: {  	s25 =	sshll.u32 s18, $0xE;
	s3 =	sand.u32 $0x3C00, s0;
	_ =	swait.ge [sflag:s26], $0x4000  }
0xf5: {  	s30 =	sand.u32 $0x70, s0;
	s3 =	sor.u32 s25, s3;
	[sflag:s26] =	ssyncset.done $0x0  }
0xf6: {  	s3 =	sor.u32 s30, s3;
	[sflag:s26] =	ssyncadd.s32 $0xFFFFC000  }
0xf7: {  	v1 =	vld [tilespmem:s3+$0x2000]  }
0xf8: {  	v2 =	vld [tilespmem:s3+$0x2200]  }
0xf9: {  	v3 =	vld [tilespmem:s3+$0xA000]  }
0xfa: {  	v4 =	vld [tilespmem:s3+$0x2080]  }
0xfb: {  	v5 =	vld [tilespmem:s3+$0x2280]  }
0xfc: {  	v6 =	vld [tilespmem:s3+$0xA080]  }
0xfd: {  	v8 =	vld [tilespmem:s3+$0xA200]  }
0xfe: {  	v10 =	vld [tilespmem:s3+$0x2300]  }
0xff: {  	v40 =	vld [tilespmem:s3+$0xA100];
	_ =	sdelay $0x1  }
0x100: {  	v1 =	vmul.u32 $0x85EBCA77, v1;
	v2 =	vmul.u32 $0x85EBCA77, v2  }
0x101: {  	v38 =	vld [tilespmem:s3+$0x2100];
	v3 =	vmul.u32 $0x85EBCA77, v3;
	v4 =	vmul.u32 $0x85EBCA77, v4;
	v5 =	vmul.u32 $0x85EBCA77, v5  }
0x102: {  	v45 =	vld [tilespmem:s3+$0x2380];
	v39 =	vmul.u32 $0x85EBCA77, v6;
	v41 =	vmul.u32 $0x85EBCA77, v8;
	v42 =	vmul.u32 $0x85EBCA77, v10  }
0x103: {  	v6 =	vmul.u32 $0x85EBCA77, v40;
	v1 =	vadd.s32 $0x24234429, v1;
	v2 =	vadd.s32 $0x85EBCA78, v2  }
0x104: {  	v52 =	vld [tilespmem:s3+$0xA380];
	v3 =	vadd.s32 $0x1, v3;
	v7 =	vshrl.u32 v1, $0x13;
	v1 =	vshll.u32 v1, $0xD  }
0x105: {  	v37 =	vshrl.u32 v2, $0x13;
	v2 =	vshll.u32 v2, $0xD;
	v9 =	vshrl.u32 v3, $0x13  }
0x106: {  	v3 =	vshll.u32 v3, $0xD;
	v1 =	vor.u32 v7, v1;
	v2 =	vor.u32 v37, v2  }
0x107: {  	v3 =	vor.u32 v9, v3;
	v1 =	vmul.u32 $0x9E3779B1, v1;
	v2 =	vmul.u32 $0x9E3779B1, v2  }
0x108: {  	v49 =	vmul.u32 $0x85EBCA77, v45;
	v7 =	vmul.u32 $0x85EBCA77, v38;
	v3 =	vmul.u32 $0x9E3779B1, v3  }
0x109: {  	v9 =	vmul.u32 $0x85EBCA77, v52;
	v1 =	vadd.s32 v4, v1;
	v2 =	vadd.s32 v5, v2  }
0x10a: {  	v43 =	vld [tilespmem:s3+$0xA280];
	v3 =	vadd.s32 v39, v3;
	v11 =	vshrl.u32 v1, $0x13;
	v1 =	vshll.u32 v1, $0xD  }
0x10b: {  	v5 =	vshrl.u32 v2, $0x13;
	v2 =	vshll.u32 v2, $0xD;
	v44 =	vshrl.u32 v3, $0x13  }
0x10c: {  	v50 =	vld [tilespmem:s3+$0xA180];
	v3 =	vshll.u32 v3, $0xD;
	v2 =	vor.u32 v5, v2;
	v1 =	vor.u32 v11, v1  }
0x10d: {  	v5 =	vadd.s32 $0x61C88650, v41;
	v3 =	vor.u32 v44, v3;
	v2 =	vmul.u32 $0x9E3779B1, v2  }
0x10e: {  	v1 =	vmul.u32 $0x9E3779B1, v1;
	v46 =	vshrl.u32 v5, $0x13;
	v5 =	vshll.u32 v5, $0xD  }
0x10f: {  	v48 =	vld [tilespmem:s3+$0x2180];
	v4 =	vmul.u32 $0x85EBCA77, v43;
	v3 =	vmul.u32 $0x9E3779B1, v3;
	v5 =	vor.u32 v46, v5  }
0x110: {  	v1 =	vadd.s32 v7, v1;
	v2 =	vadd.s32 v42, v2;
	v5 =	vmul.u32 $0x9E3779B1, v5  }
0x111: {  	v3 =	vadd.s32 v6, v3;
	v7 =	vmul.u32 $0x85EBCA77, v50;
	v8 =	vshrl.u32 v2, $0x13  }
0x112: {  	v51 =	vld [tilespmem:s3+$0xA300];
	v2 =	vshll.u32 v2, $0xD;
	v47 =	vshll.u32 v1, $0xD;
	v1 =	vshrl.u32 v1, $0x13  }
0x113: {  	v53 =	vshrl.u32 v3, $0x13;
	v3 =	vshll.u32 v3, $0xD;
	v2 =	vor.u32 v8, v2  }
0x114: {  	v1 =	vor.u32 v1, v47;
	v4 =	vadd.s32 v4, v5;
	v8 =	vmul.u32 $0x85EBCA77, v48  }
0x115: {  	v3 =	vor.u32 v53, v3;
	v2 =	vmul.u32 $0x9E3779B1, v2;
	v5 =	vshrl.u32 v4, $0x13  }
0x116: {  	v4 =	vshll.u32 v4, $0xD;
	v1 =	vmul.u32 $0x9E3779B1, v1;
	v3 =	vmul.u32 $0x9E3779B1, v3  }
0x117: {  	v6 =	vmul.u32 $0x85EBCA77, v51;
	v4 =	vor.u32 v5, v4;
	v2 =	vadd.s32 v49, v2  }
0x118: {  	v1 =	vadd.s32 v8, v1;
	v4 =	vmul.u32 $0x9E3779B1, v4;
	v3 =	vadd.s32 v7, v3  }
0x119: {  	v54 =	vshrl.u32 v2, $0x13;
	v2 =	vshll.u32 v2, $0xD;
	v55 =	vshrl.u32 v1, $0x13  }
0x11a: {  	v1 =	vshll.u32 v1, $0xD;
	v57 =	vshrl.u32 v3, $0x13;
	v3 =	vshll.u32 v3, $0xD  }
0x11b: {  	v2 =	vor.u32 v54, v2;
	v1 =	vor.u32 v55, v1;
	v4 =	vadd.s32 v6, v4  }
0x11c: {  	v3 =	vor.u32 v57, v3;
	v6 =	vshrl.u32 v4, $0x13;
	v4 =	vshll.u32 v4, $0xD  }
0x11d: {  	v56 =	vmul.u32 $0x9E3779B1, v2;
	v58 =	vmul.u32 $0x9E3779B1, v1;
	v4 =	vor.u32 v6, v4  }
0x11e: {  	v2 =	vmul.u32 $0x1BBCD880, v2;
	v1 =	vmul.u32 $0x3C6EF362, v1;
	v4 =	vmul.u32 $0x9E3779B1, v4  }
0x11f: {  	v60 =	vmul.u32 $0x9E3779B1, v3;
	v3 =	vmul.u32 $0x779B1000, v3;
	v7 =	vshrl.u32 v58, $0x1F  }
0x120: {  	v59 =	vshrl.u32 v56, $0x19;
	v1 =	vor.u32 v7, v1;
	v4 =	vadd.s32 v9, v4  }
0x121: {  	v1 =	vadd.s32 v2, v1;
	v61 =	vshrl.u32 v4, $0x13;
	v4 =	vshll.u32 v4, $0xD  }
0x122: {  	v62 =	vshrl.u32 v60, $0x14;
	v1 =	vadd.s32 v59, v1;
	v2 =	vor.u32 v61, v4  }
0x123: {  	v1 =	vadd.s32 v3, v1;
	v63 =	vmul.u32 $0x9E3779B1, v2;
	v2 =	vmul.u32 $0xE6C40000, v2  }
0x124: {  	v1 =	vadd.s32 v62, v1  }
0x125: {  	v3 =	vshrl.u32 v63, $0xE;
	v1 =	vadd.s32 v2, v1  }
0x126: {  	v1 =	vadd.s32 v3, v1  }
0x127: {  	v1 =	vadd.s32 $0x4, v1  }
0x128: {  	s29 =	simm.s32 $0x10;
	v2 =	vshrl.u32 v1, $0xF  }
0x129: {  	s5 =	simm.s32 $0x0;
	s22 =	sand.u32 $0xF00, s0;
	s3 =	sshll.u32 s18, $0x7;
	v1 =	vxor.u32 v1, v2  }
.LBB2_9:
0x12a: {  	p0 =	sne.s32 s29, $0x7F0;
	v1 =	vmul.u32 $0x85EBCA77, v1;
	s0 =	sadd.s32 $0x20, s0;
	s5 =	sadd.s32 $0x80, s5  }
0x12b: {  	s23 =	smov.u32 s29;
	s29 =	sadd.s32 $0x10, s29;
	s31 =	sand.u32 $0xF00, s0  }
0x12c: {  	v2 =	vshrl.u32 v1, $0xD  }
0x12d: {  	v1 =	vxor.u32 v1, v2  }
0x12e: {  	v1 =	vmul.u32 $0xC2B2AE3D, v1;
	_ =	sdelay $0x1  }
0x12f: {  	v2 =	vshrl.u32 v1, $0x10;
	v3 =	vshrl.u32 v1, $0xD;
	v4 =	vshrl.u32 v1, $0xF  }
0x130: {  	v1 =	vxor.u32 v1, v2  }
0x131: {  	v4 =	vand.u32 $0x18, v4;
	v2 =	vshrl.u32 v1, $0xB;
	v1 =	vshrl.u32 v1, $0x8  }
0x132: {  	s20 =	sor.u32 s3, s22;
	s22 =	smov.u32 s31;
	v3 =	vand.u32 $0x7FF80, v3;
	v2 =	vand.u32 $0x7F, v2;
	v1 =	vand.u32 $0x7, v1  }
0x133: {  	s20 =	sor.u32 s30, s20;
	s31 =	sand.u32 $0x3C00, s5;
	v2 =	vor.u32 v2, v3;
	v1 =	vor.u32 v4, v1  }
0x134: {  	s30 =	sand.u32 $0x70, s23;
	s23 =	sor.u32 s25, s31;
	v2 =	vor.u32 v0, v2;
	[tilespmem:s20+$0x13000] =	vst v1  }
0x135: {  	s31 =	sor.u32 s30, s23;
	[tilespmem:s20+$0x12000] =	vst v2  }
0x136: {  	v1 =	vld [tilespmem:s31+$0x2000];
	_ =	sdelay $0x1  }
0x137: {  	v2 =	vld [tilespmem:s31+$0x2200];
	_ =	sdelay $0x1  }
0x138: {  	v3 =	vld [tilespmem:s31+$0xA000]  }
0x139: {  	v4 =	vld [tilespmem:s31+$0x2080];
	v1 =	vmul.u32 $0x85EBCA77, v1;
	_ =	sdelay $0x1  }
0x13a: {  	v5 =	vld [tilespmem:s31+$0x2280];
	v1 =	vadd.s32 $0x24234429, v1;
	v2 =	vmul.u32 $0x85EBCA77, v2  }
0x13b: {  	v6 =	vld [tilespmem:s31+$0xA080];
	v7 =	vshrl.u32 v1, $0x13;
	v1 =	vshll.u32 v1, $0xD  }
0x13c: {  	v1 =	vor.u32 v7, v1;
	v2 =	vadd.s32 $0x85EBCA78, v2;
	v3 =	vmul.u32 $0x85EBCA77, v3  }
0x13d: {  	v7 =	vld [tilespmem:s31+$0xA200];
	v1 =	vmul.u32 $0x9E3779B1, v1;
	v8 =	vshrl.u32 v2, $0x13;
	v2 =	vshll.u32 v2, $0xD  }
0x13e: {  	v4 =	vmul.u32 $0x85EBCA77, v4;
	v9 =	vld [tilespmem:s31+$0x2300];
	v2 =	vor.u32 v8, v2;
	v3 =	vadd.s32 $0x1, v3  }
0x13f: {  	v8 =	vld [tilespmem:s31+$0x2100];
	v2 =	vmul.u32 $0x9E3779B1, v2;
	v5 =	vmul.u32 $0x85EBCA77, v5;
	v10 =	vshrl.u32 v3, $0x13  }
0x140: {  	v1 =	vadd.s32 v4, v1;
	v3 =	vshll.u32 v3, $0xD;
	v4 =	vmul.u32 $0x85EBCA77, v6  }
0x141: {  	v11 =	vshrl.u32 v1, $0x13;
	v3 =	vor.u32 v10, v3;
	v6 =	vld [tilespmem:s31+$0xA100];
	v2 =	vadd.s32 v5, v2  }
0x142: {  	v1 =	vshll.u32 v1, $0xD;
	v5 =	vshrl.u32 v2, $0x13;
	v2 =	vshll.u32 v2, $0xD  }
0x143: {  	v3 =	vmul.u32 $0x9E3779B1, v3;
	v2 =	vor.u32 v5, v2;
	v5 =	vmul.u32 $0x85EBCA77, v7  }
0x144: {  	v1 =	vor.u32 v11, v1;
	v7 =	vmul.u32 $0x85EBCA77, v8;
	v2 =	vmul.u32 $0x9E3779B1, v2  }
0x145: {  	v1 =	vmul.u32 $0x9E3779B1, v1;
	v3 =	vadd.s32 v4, v3;
	v8 =	vmul.u32 $0x85EBCA77, v9  }
0x146: {  	v9 =	vshrl.u32 v3, $0x13;
	v5 =	vadd.s32 $0x61C88650, v5;
	v4 =	vld [tilespmem:s31+$0xA280];
	v6 =	vmul.u32 $0x85EBCA77, v6  }
0x147: {  	v1 =	vadd.s32 v7, v1;
	v2 =	vadd.s32 v8, v2;
	v7 =	vshrl.u32 v5, $0x13;
	v10 =	vld [tilespmem:s31+$0x2380]  }
0x148: {  	v3 =	vshll.u32 v3, $0xD;
	v5 =	vshll.u32 v5, $0xD;
	v8 =	vshrl.u32 v2, $0x13  }
0x149: {  	v3 =	vor.u32 v9, v3;
	v2 =	vshll.u32 v2, $0xD;
	v5 =	vor.u32 v7, v5  }
0x14a: {  	v3 =	vmul.u32 $0x9E3779B1, v3;
	v9 =	vshll.u32 v1, $0xD;
	v2 =	vor.u32 v8, v2;
	v7 =	vld [tilespmem:s31+$0x2180]  }
0x14b: {  	v5 =	vmul.u32 $0x9E3779B1, v5;
	v2 =	vmul.u32 $0x9E3779B1, v2;
	v4 =	vmul.u32 $0x85EBCA77, v4  }
0x14c: {  	v1 =	vshrl.u32 v1, $0x13;
	v8 =	vld [tilespmem:s31+$0xA180];
	v10 =	vmul.u32 $0x85EBCA77, v10  }
0x14d: {  	v1 =	vor.u32 v1, v9;
	v3 =	vadd.s32 v6, v3;
	v4 =	vadd.s32 v4, v5  }
0x14e: {  	v5 =	vld [tilespmem:s31+$0xA380];
	v2 =	vadd.s32 v10, v2;
	v6 =	vshrl.u32 v4, $0x13;
	v4 =	vshll.u32 v4, $0xD  }
0x14f: {  	v1 =	vmul.u32 $0x9E3779B1, v1;
	v10 =	vshrl.u32 v3, $0x13;
	v3 =	vshll.u32 v3, $0xD;
	v9 =	vld [tilespmem:s31+$0xA300]  }
0x150: {  	v7 =	vmul.u32 $0x85EBCA77, v7;
	v3 =	vor.u32 v10, v3;
	v4 =	vor.u32 v6, v4  }
0x151: {  	v6 =	vshrl.u32 v2, $0x13;
	v2 =	vshll.u32 v2, $0xD;
	v3 =	vmul.u32 $0x9E3779B1, v3  }
0x152: {  	v2 =	vor.u32 v6, v2;
	v4 =	vmul.u32 $0x9E3779B1, v4;
	v1 =	vadd.s32 v7, v1  }
0x153: {  	v7 =	vmul.u32 $0x9E3779B1, v2;
	v8 =	vmul.u32 $0x85EBCA77, v8;
	v6 =	vshrl.u32 v1, $0x13  }
0x154: {  	v1 =	vshll.u32 v1, $0xD;
	v5 =	vmul.u32 $0x85EBCA77, v5;
	v9 =	vmul.u32 $0x85EBCA77, v9  }
0x155: {  	v2 =	vmul.u32 $0x1BBCD880, v2;
	v1 =	vor.u32 v6, v1;
	v3 =	vadd.s32 v8, v3  }
0x156: {  	v6 =	vshrl.u32 v3, $0x13;
	v3 =	vshll.u32 v3, $0xD;
	v4 =	vadd.s32 v9, v4  }
0x157: {  	v7 =	vshrl.u32 v7, $0x19;
	v8 =	vshrl.u32 v4, $0x13;
	v4 =	vshll.u32 v4, $0xD  }
0x158: {  	v3 =	vor.u32 v6, v3;
	v9 =	vmul.u32 $0x9E3779B1, v1;
	v4 =	vor.u32 v8, v4  }
0x159: {  	v6 =	vmul.u32 $0x9E3779B1, v3;
	v1 =	vmul.u32 $0x3C6EF362, v1;
	v4 =	vmul.u32 $0x9E3779B1, v4  }
0x15a: {  	v8 =	vshrl.u32 v9, $0x1F  }
0x15b: {  	v3 =	vmul.u32 $0x779B1000, v3;
	v1 =	vor.u32 v8, v1;
	v4 =	vadd.s32 v5, v4  }
0x15c: {  	v1 =	vadd.s32 v2, v1;
	v5 =	vshrl.u32 v4, $0x13;
	v4 =	vshll.u32 v4, $0xD  }
0x15d: {  	v1 =	vadd.s32 v7, v1;
	v2 =	vor.u32 v5, v4;
	v4 =	vshrl.u32 v6, $0x14  }
0x15e: {  	v1 =	vadd.s32 v3, v1;
	v5 =	vmul.u32 $0x9E3779B1, v2;
	v2 =	vmul.u32 $0xE6C40000, v2  }
0x15f: {  	v1 =	vadd.s32 v4, v1  }
.Ltmp3:
0x160: {  	v3 =	vshrl.u32 v5, $0xE;
	v1 =	vadd.s32 v2, v1;
	(pc) =	sbr.rel @p0 .LBB2_9-.Ltmp3, $4  }
0x161: {  	v1 =	vadd.s32 v3, v1  }
0x162: {  	v1 =	vadd.s32 $0x4, v1  }
0x163: {  	v2 =	vshrl.u32 v1, $0xF  }
0x164: {  	v1 =	vxor.u32 v1, v2  }
0x165: {  	v1 =	vmul.u32 $0x85EBCA77, v1;
	_ =	sdelay $0x1  }
0x166: {  	v2 =	vshrl.u32 v1, $0xD  }
0x167: {  	v1 =	vxor.u32 v1, v2  }
0x168: {  	v1 =	vmul.u32 $0xC2B2AE3D, v1;
	_ =	sdelay $0x1  }
0x169: {  	v2 =	vshrl.u32 v1, $0x10  }
0x16a: {  	v3 =	vshrl.u32 v1, $0xD;
	v4 =	vshrl.u32 v1, $0xF;
	v1 =	vxor.u32 v1, v2  }
0x16b: {  	v4 =	vand.u32 $0x18, v4;
	v2 =	vshrl.u32 v1, $0xB;
	v1 =	vshrl.u32 v1, $0x8  }
0x16c: {  	s0 =	sor.u32 s3, s22;
	p0 =	sgt.u32 s1, $0xD;
	v3 =	vand.u32 $0x7FF80, v3;
	v2 =	vand.u32 $0x7F, v2;
	v1 =	vand.u32 $0x7, v1  }
0x16d: {  	s0 =	sor.u32 s30, s0;
	s5 =	sshll.u32 @!p0 s1, $0xB;
	v2 =	vor.u32 v2, v3;
	v1 =	vor.u32 v4, v1  }
0x16e: {  	s10 =	rddreg [dreg:$0x0];
	s5 =	sadd.s32 @!p0 s5, s16;
	v2 =	vor.u32 v0, v2;
	[tilespmem:s0+$0x13000] =	vst v1  }
0x16f: {  	s22 =	simm.s32 @!p0 $0x0;
	s20 =	sadd.s32 @!p0 s10, s5;
	[tilespmem:s0+$0x12000] =	vst v2;
	s0 =	sadd.s32 @!p0 $0x2000, s25  }
0x170: {  	[tilespmem:s0], [sflag:$0x1] =	stream.linear.gather @!p0 [hbm4b:s20+s22], $0x4000, $0x38;
	[tilespmem:$0x15800] =	vst v63  }
0x171: {  	s5 =	sadd.s32 @!p0 s5, s9;
	s0 =	sadd.s32 @!p0 $0xA000, s25  }
0x172: {  	[tilespmem:s0], [sflag:$0x1] =	stream.linear.gather @!p0 [hbm4b:s5+s22], $0x4000, $0x38;
	[tilespmem:$0x15800] =	vst v63  }
0x173: {  	_ =	swait.ge [sflag:s2], $0x80  }
0x174: {  	[sflag:s2] =	ssyncset.done $0x0  }
0x175: {  	[sflag:s2] =	ssyncadd.s32 $0xFFFFFF80  }
0x176: {  	_ =	swait.ge [sflag:s2], $0x80  }
0x177: {  	[sflag:s2] =	ssyncset.done $0x0  }
0x178: {  	[sflag:s2] =	ssyncadd.s32 $0xFFFFFF80  }
0x179: {  	_ =	swait.ge [sflag:s2], $0x80  }
0x17a: {  	[sflag:s2] =	ssyncset.done $0x0  }
0x17b: {  	[sflag:s2] =	ssyncadd.s32 $0xFFFFFF80  }
0x17c: {  	_ =	swait.ge [sflag:s2], $0x80  }
0x17d: {  	[sflag:s2] =	ssyncset.done $0x0  }
0x17e: {  	[sflag:s2] =	ssyncadd.s32 $0xFFFFFF80  }
0x17f: {  	_ =	swait.ge [sflag:s2], $0x80  }
0x180: {  	[sflag:s2] =	ssyncset.done $0x0  }
0x181: {  	[sflag:s2] =	ssyncadd.s32 $0xFFFFFF80  }
0x182: {  	_ =	swait.ge [sflag:s2], $0x80  }
0x183: {  	[sflag:s2] =	ssyncset.done $0x0  }
0x184: {  	[sflag:s2] =	ssyncadd.s32 $0xFFFFFF80  }
0x185: {  	_ =	swait.ge [sflag:s2], $0x80  }
0x186: {  	[sflag:s2] =	ssyncset.done $0x0  }
0x187: {  	[sflag:s2] =	ssyncadd.s32 $0xFFFFFF80  }
0x188: {  	_ =	swait.ge [sflag:s2], $0x80  }
0x189: {  	[sflag:s2] =	ssyncset.done $0x0  }
0x18a: {  	[sflag:s2] =	ssyncadd.s32 $0xFFFFFF80  }
0x18b: {  	_ =	swait.ge [sflag:s2], $0x80  }
0x18c: {  	[sflag:s2] =	ssyncset.done $0x0  }
0x18d: {  	[sflag:s2] =	ssyncadd.s32 $0xFFFFFF80  }
0x18e: {  	_ =	swait.ge [sflag:s2], $0x80  }
0x18f: {  	[sflag:s2] =	ssyncset.done $0x0  }
0x190: {  	[sflag:s2] =	ssyncadd.s32 $0xFFFFFF80  }
0x191: {  	_ =	swait.ge [sflag:s2], $0x80  }
0x192: {  	[sflag:s2] =	ssyncset.done $0x0  }
0x193: {  	[sflag:s2] =	ssyncadd.s32 $0xFFFFFF80  }
0x194: {  	_ =	swait.ge [sflag:s2], $0x80  }
0x195: {  	[sflag:s2] =	ssyncset.done $0x0  }
0x196: {  	[sflag:s2] =	ssyncadd.s32 $0xFFFFFF80  }
0x197: {  	_ =	swait.ge [sflag:s2], $0x80  }
0x198: {  	[sflag:s2] =	ssyncset.done $0x0  }
0x199: {  	[sflag:s2] =	ssyncadd.s32 $0xFFFFFF80  }
0x19a: {  	_ =	swait.ge [sflag:s2], $0x80  }
0x19b: {  	[sflag:s2] =	ssyncset.done $0x0  }
0x19c: {  	[sflag:s2] =	ssyncadd.s32 $0xFFFFFF80  }
0x19d: {  	_ =	swait.ge [sflag:s2], $0x80  }
0x19e: {  	[sflag:s2] =	ssyncset.done $0x0  }
0x19f: {  	[sflag:s2] =	ssyncadd.s32 $0xFFFFFF80  }
0x1a0: {  	_ =	swait.ge [sflag:s2], $0x80  }
0x1a1: {  	p0 =	slt.u32 s1, $0x3;
	[sflag:s2] =	ssyncset.done $0x0  }
0x1a2: {  	s0 =	simm.s32 @!p0 $0x3;
	[sflag:s2] =	ssyncadd.s32 $0xFFFFFF80  }
0x1a3: {  	_ =	swait.ge @!p0 [sflag:s0], $0x800  }
0x1a4: {  	s18 =	sxor.u32 $0x1, s18;
	s5 =	simm.s32 $0x0;
	[sflag:s0] =	ssyncset.done @!p0 $0x0  }
0x1a5: {  	s25 =	sand.u32 $0xF00, s5;
	[sflag:s0] =	ssyncadd.s32 @!p0 $0xFFFFF800;
	s0 =	sshll.u32 s18, $0x7  }
0x1a6: {  	s30 =	simm.s32 $0x14000;
	s22 =	sand.u32 $0x40, s5;
	s18 =	sor.u32 s0, s25  }
0x1a7: {  	v1 =	vld [tilespmem:s30+$0x0];
	s31 =	sor.u32 s22, s18  }
0x1a8: {  	v2 =	vld [tilespmem:s31+$0x13000];
	_ =	sdelay $0x4  }
0x1a9: {  	s23 =	sand.u32 $0x780, s5;
	v1 =	vshrl.u32 v1, v2  }
0x1aa: {  	s10 =	sor.u32 $0x10, s22;
	s23 =	sor.u32 $0x14000, s23;
	v1 =	vand.u32 $0x1, v1  }
0x1ab: {  	s21 =	sor.u32 s10, s23;
	[tilespmem:s31+$0x14800] =	vst v1  }
0x1ac: {  	s25 =	sor.u32 s10, s18;
	v1 =	vld [tilespmem:s21+$0x0]  }
0x1ad: {  	v2 =	vld [tilespmem:s25+$0x13000];
	_ =	sdelay $0x4  }
0x1ae: {  	v1 =	vshrl.u32 v1, v2  }
0x1af: {  	s30 =	sor.u32 $0x20, s22;
	v1 =	vand.u32 $0x1, v1  }
0x1b0: {  	s29 =	sor.u32 s30, s23;
	[tilespmem:s25+$0x14800] =	vst v1  }
0x1b1: {  	s20 =	sor.u32 s30, s18;
	v1 =	vld [tilespmem:s29+$0x0]  }
0x1b2: {  	v2 =	vld [tilespmem:s20+$0x13000];
	_ =	sdelay $0x4  }
0x1b3: {  	v1 =	vshrl.u32 v1, v2  }
0x1b4: {  	s22 =	sor.u32 $0x30, s22;
	v1 =	vand.u32 $0x1, v1  }
0x1b5: {  	s31 =	sor.u32 s22, s23;
	[tilespmem:s20+$0x14800] =	vst v1  }
0x1b6: {  	s29 =	sor.u32 s22, s18;
	v1 =	vld [tilespmem:s31+$0x0]  }
0x1b7: {  	v2 =	vld [tilespmem:s29+$0x13000];
	_ =	sdelay $0x2  }
0x1b8: {  	s25 =	simm.s32 $0x0;
	s18 =	simm.s32 $0x0;
	s22 =	simm.s32 $0x14040  }
.LBB2_11:
0x1b9: {  	s18 =	sadd.s32 $0x4, s18;
	s5 =	sadd.s32 $0x80, s5;
	s25 =	sadd.s32 $0x40, s25  }
0x1ba: {  	p0 =	slt.u32 s18, $0x7C;
	v1 =	vshrl.u32 v1, v2  }
0x1bb: {  	s20 =	sand.u32 $0xF00, s5;
	v1 =	vand.u32 $0x1, v1  }
0x1bc: {  	s23 =	sand.u32 $0x40, s25;
	s20 =	sor.u32 s0, s20;
	[tilespmem:s29+$0x14800] =	vst v1  }
0x1bd: {  	s30 =	sor.u32 $0x20, s23;
	s29 =	sor.u32 s23, s20;
	v1 =	vld [tilespmem:s22+$0x0]  }
0x1be: {  	v2 =	vld [tilespmem:s29+$0x13000];
	_ =	sdelay $0x4  }
0x1bf: {  	s31 =	sand.u32 $0x780, s25;
	v1 =	vshrl.u32 v1, v2  }
0x1c0: {  	s21 =	sor.u32 $0x10, s23;
	s31 =	sor.u32 $0x14000, s31;
	v1 =	vand.u32 $0x1, v1  }
0x1c1: {  	s10 =	sor.u32 s30, s31;
	[tilespmem:s29+$0x14800] =	vst v1;
	s29 =	sor.u32 s21, s31;
	s21 =	sor.u32 s21, s20  }
0x1c2: {  	v1 =	vld [tilespmem:s29+$0x0]  }
0x1c3: {  	v2 =	vld [tilespmem:s21+$0x13000];
	_ =	sdelay $0x4  }
0x1c4: {  	v1 =	vshrl.u32 v1, v2  }
0x1c5: {  	v1 =	vand.u32 $0x1, v1  }
0x1c6: {  	[tilespmem:s21+$0x14800] =	vst v1;
	s21 =	sor.u32 s30, s20  }
0x1c7: {  	v1 =	vld [tilespmem:s10+$0x0]  }
0x1c8: {  	v2 =	vld [tilespmem:s21+$0x13000];
	_ =	sdelay $0x4  }
0x1c9: {  	v1 =	vshrl.u32 v1, v2  }
0x1ca: {  	s10 =	sor.u32 $0x30, s23;
	v1 =	vand.u32 $0x1, v1  }
0x1cb: {  	s29 =	sor.u32 s10, s20;
	[tilespmem:s21+$0x14800] =	vst v1;
	s21 =	sor.u32 s10, s31  }
.Ltmp4:
0x1cc: {  	v1 =	vld [tilespmem:s21+$0x0];
	(pc) =	sbr.rel @p0 .LBB2_11-.Ltmp4, $2  }
0x1cd: {  	v2 =	vld [tilespmem:s29+$0x13000];
	_ =	sdelay $0x2  }
0x1ce: {  	s22 =	sadd.s32 $0x40, s22  }
0x1cf: {  	s5 =	sshll.u32 s1, $0xB  }
0x1d0: {  	v1 =	vshrl.u32 v1, v2;
	s5 =	sadd.s32 s5, s17  }
0x1d1: {  	s10 =	rddreg [dreg:$0x2];
	v1 =	vand.u32 $0x1, v1;
	s5 =	sshrl.u32 s5, $0x3  }
0x1d2: {  	s30 =	sor.u32 $0x14800, s0;
	[tilespmem:s29+$0x14800] =	vst v1;
	s5 =	sadd.s32 s10, s5  }
0x1d3: {  	[hbm4b:s5+s4] =	stream.linear.scatter [tilespmem:s30], [sflag:$0x3], $0x80, $0x38;
	[tilespmem:$0x15800] =	vst v63  }
0x1d4: {  	s31 =	sor.u32 $0x14900, s0;
	s18 =	sadd.s32 $0x10, s5  }
0x1d5: {  	[hbm4b:s18+s4] =	stream.linear.scatter [tilespmem:s31], [sflag:$0x3], $0x80, $0x38;
	[tilespmem:$0x15800] =	vst v63  }
0x1d6: {  	s20 =	sor.u32 $0x14A00, s0;
	s21 =	sadd.s32 $0x20, s5  }
0x1d7: {  	[hbm4b:s21+s4] =	stream.linear.scatter [tilespmem:s20], [sflag:$0x3], $0x80, $0x38;
	[tilespmem:$0x15800] =	vst v63  }
0x1d8: {  	s22 =	sor.u32 $0x14B00, s0;
	s23 =	sadd.s32 $0x30, s5  }
0x1d9: {  	[hbm4b:s23+s4] =	stream.linear.scatter [tilespmem:s22], [sflag:$0x3], $0x80, $0x38;
	[tilespmem:$0x15800] =	vst v63  }
0x1da: {  	s25 =	sor.u32 $0x14C00, s0;
	s29 =	sadd.s32 $0x40, s5  }
0x1db: {  	[hbm4b:s29+s4] =	stream.linear.scatter [tilespmem:s25], [sflag:$0x3], $0x80, $0x38;
	[tilespmem:$0x15800] =	vst v63  }
0x1dc: {  	s30 =	sor.u32 $0x14D00, s0;
	s31 =	sadd.s32 $0x50, s5  }
0x1dd: {  	[hbm4b:s31+s4] =	stream.linear.scatter [tilespmem:s30], [sflag:$0x3], $0x80, $0x38;
	[tilespmem:$0x15800] =	vst v63  }
0x1de: {  	s20 =	sor.u32 $0x14E00, s0;
	s21 =	sadd.s32 $0x60, s5  }
0x1df: {  	[hbm4b:s21+s4] =	stream.linear.scatter [tilespmem:s20], [sflag:$0x3], $0x80, $0x38;
	[tilespmem:$0x15800] =	vst v63  }
0x1e0: {  	s22 =	sor.u32 $0x14F00, s0;
	s23 =	sadd.s32 $0x70, s5  }
0x1e1: {  	[hbm4b:s23+s4] =	stream.linear.scatter [tilespmem:s22], [sflag:$0x3], $0x80, $0x38;
	[tilespmem:$0x15800] =	vst v63  }
0x1e2: {  	s25 =	sor.u32 $0x15000, s0;
	s29 =	sadd.s32 $0x80, s5  }
0x1e3: {  	[hbm4b:s29+s4] =	stream.linear.scatter [tilespmem:s25], [sflag:$0x3], $0x80, $0x38;
	[tilespmem:$0x15800] =	vst v63  }
0x1e4: {  	s30 =	sor.u32 $0x15100, s0;
	s31 =	sadd.s32 $0x90, s5  }
0x1e5: {  	[hbm4b:s31+s4] =	stream.linear.scatter [tilespmem:s30], [sflag:$0x3], $0x80, $0x38;
	[tilespmem:$0x15800] =	vst v63  }
0x1e6: {  	s20 =	sor.u32 $0x15200, s0;
	s21 =	sadd.s32 $0xA0, s5  }
0x1e7: {  	[hbm4b:s21+s4] =	stream.linear.scatter [tilespmem:s20], [sflag:$0x3], $0x80, $0x38;
	[tilespmem:$0x15800] =	vst v63  }
0x1e8: {  	s22 =	sor.u32 $0x15300, s0;
	s23 =	sadd.s32 $0xB0, s5  }
0x1e9: {  	[hbm4b:s23+s4] =	stream.linear.scatter [tilespmem:s22], [sflag:$0x3], $0x80, $0x38;
	[tilespmem:$0x15800] =	vst v63  }
0x1ea: {  	s25 =	sor.u32 $0x15400, s0;
	s29 =	sadd.s32 $0xC0, s5  }
0x1eb: {  	[hbm4b:s29+s4] =	stream.linear.scatter [tilespmem:s25], [sflag:$0x3], $0x80, $0x38;
	[tilespmem:$0x15800] =	vst v63  }
0x1ec: {  	s30 =	sor.u32 $0x15500, s0;
	s31 =	sadd.s32 $0xD0, s5  }
0x1ed: {  	[hbm4b:s31+s4] =	stream.linear.scatter [tilespmem:s30], [sflag:$0x3], $0x80, $0x38;
	[tilespmem:$0x15800] =	vst v63  }
0x1ee: {  	s18 =	sor.u32 $0x15600, s0;
	s20 =	sadd.s32 $0xE0, s5  }
0x1ef: {  	[hbm4b:s20+s4] =	stream.linear.scatter [tilespmem:s18], [sflag:$0x3], $0x80, $0x38;
	[tilespmem:$0x15800] =	vst v63  }
0x1f0: {  	s21 =	sor.u32 $0x15700, s0;
	s5 =	sadd.s32 $0xF0, s5  }
0x1f1: {  	[hbm4b:s5+s4] =	stream.linear.scatter [tilespmem:s21], [sflag:$0x3], $0x80, $0x38;
	[tilespmem:$0x15800] =	vst v63  }
0x1f2: {  	s22 =	sor.u32 $0x12000, s3;
	s23 =	simm.s32 $0x14000  }
0x1f3: {  	[tilespmem:s23], [sflag:$0x2] =	stream.indirect.gather [hbm4b:s6+s28], $0x1, s22, s28, $0xb8;
	[tilespmem:$0x15800] =	vst v63  }
0x1f4: {  	s25 =	sor.u32 $0x12100, s3;
	s29 =	simm.s32 $0x14080  }
0x1f5: {  	[tilespmem:s29], [sflag:$0x2] =	stream.indirect.gather [hbm4b:s6+s28], $0x1, s25, s28, $0xb8;
	[tilespmem:$0x15800] =	vst v63  }
0x1f6: {  	s30 =	sor.u32 $0x12200, s3;
	s31 =	simm.s32 $0x14100  }
0x1f7: {  	[tilespmem:s31], [sflag:$0x2] =	stream.indirect.gather [hbm4b:s6+s28], $0x1, s30, s28, $0xb8;
	[tilespmem:$0x15800] =	vst v63  }
0x1f8: {  	s10 =	sor.u32 $0x12300, s3;
	s18 =	simm.s32 $0x14180  }
0x1f9: {  	[tilespmem:s18], [sflag:$0x2] =	stream.indirect.gather [hbm4b:s6+s28], $0x1, s10, s28, $0xb8;
	[tilespmem:$0x15800] =	vst v63  }
0x1fa: {  	s20 =	sor.u32 $0x12400, s3;
	s21 =	simm.s32 $0x14200  }
0x1fb: {  	[tilespmem:s21], [sflag:$0x2] =	stream.indirect.gather [hbm4b:s6+s28], $0x1, s20, s28, $0xb8;
	[tilespmem:$0x15800] =	vst v63  }
0x1fc: {  	s22 =	sor.u32 $0x12500, s3;
	s23 =	simm.s32 $0x14280  }
0x1fd: {  	[tilespmem:s23], [sflag:$0x2] =	stream.indirect.gather [hbm4b:s6+s28], $0x1, s22, s28, $0xb8;
	[tilespmem:$0x15800] =	vst v63  }
0x1fe: {  	s25 =	sor.u32 $0x12600, s3;
	s29 =	simm.s32 $0x14300  }
0x1ff: {  	[tilespmem:s29], [sflag:$0x2] =	stream.indirect.gather [hbm4b:s6+s28], $0x1, s25, s28, $0xb8;
	[tilespmem:$0x15800] =	vst v63  }
0x200: {  	s30 =	sor.u32 $0x12700, s3;
	s31 =	simm.s32 $0x14380  }
0x201: {  	[tilespmem:s31], [sflag:$0x2] =	stream.indirect.gather [hbm4b:s6+s28], $0x1, s30, s28, $0xb8;
	[tilespmem:$0x15800] =	vst v63  }
0x202: {  	s10 =	sor.u32 $0x12800, s3;
	s18 =	simm.s32 $0x14400  }
0x203: {  	[tilespmem:s18], [sflag:$0x2] =	stream.indirect.gather [hbm4b:s6+s28], $0x1, s10, s28, $0xb8;
	[tilespmem:$0x15800] =	vst v63  }
0x204: {  	s20 =	sor.u32 $0x12900, s3;
	s21 =	simm.s32 $0x14480  }
0x205: {  	[tilespmem:s21], [sflag:$0x2] =	stream.indirect.gather [hbm4b:s6+s28], $0x1, s20, s28, $0xb8;
	[tilespmem:$0x15800] =	vst v63  }
0x206: {  	s22 =	sor.u32 $0x12A00, s3  }
0x207: {  	[tilespmem:s11], [sflag:$0x2] =	stream.indirect.gather [hbm4b:s6+s28], $0x1, s22, s28, $0xb8;
	[tilespmem:$0x15800] =	vst v63  }
0x208: {  	s23 =	sor.u32 $0x12B00, s3  }
0x209: {  	[tilespmem:s12], [sflag:$0x2] =	stream.indirect.gather [hbm4b:s6+s28], $0x1, s23, s28, $0xb8;
	[tilespmem:$0x15800] =	vst v63  }
0x20a: {  	s1 =	sadd.s32 $0x1, s1;
	s25 =	sor.u32 $0x12C00, s3  }
0x20b: {  	[tilespmem:s14], [sflag:$0x2] =	stream.indirect.gather [hbm4b:s6+s28], $0x1, s25, s28, $0xb8;
	[tilespmem:$0x15800] =	vst v63  }
0x20c: {  	p0 =	sne.s32 s1, $0x10;
	s29 =	sor.u32 $0x12D00, s3  }
0x20d: {  	[tilespmem:s15], [sflag:$0x2] =	stream.indirect.gather [hbm4b:s6+s28], $0x1, s29, s28, $0xb8;
	[tilespmem:$0x15800] =	vst v63  }
.Ltmp5:
0x20e: {  	_ = 	snop;
	(pc) =	sbr.rel @p0 .LBB2_8-.Ltmp5, $4  }
0x20f: {  	s30 =	sor.u32 $0x12E00, s3  }
0x210: {  	[tilespmem:s19], [sflag:$0x2] =	stream.indirect.gather [hbm4b:s6+s28], $0x1, s30, s28, $0xb8;
	[tilespmem:$0x15800] =	vst v63  }
0x211: {  	s31 =	sor.u32 $0x12F00, s3  }
0x212: {  	[tilespmem:s8], [sflag:$0x2] =	stream.indirect.gather [hbm4b:s6+s28], $0x1, s31, s28, $0xb8;
	[tilespmem:$0x15800] =	vst v63  }
0x213: {  	_ =	swait.ge [sflag:s2], $0x80  }
0x214: {  	[sflag:s2] =	ssyncset.done $0x0  }
0x215: {  	[sflag:s2] =	ssyncadd.s32 $0xFFFFFF80  }
0x216: {  	_ =	swait.ge [sflag:s2], $0x80  }
0x217: {  	[sflag:s2] =	ssyncset.done $0x0  }
0x218: {  	[sflag:s2] =	ssyncadd.s32 $0xFFFFFF80  }
0x219: {  	_ =	swait.ge [sflag:s2], $0x80  }
0x21a: {  	[sflag:s2] =	ssyncset.done $0x0  }
0x21b: {  	[sflag:s2] =	ssyncadd.s32 $0xFFFFFF80  }
0x21c: {  	_ =	swait.ge [sflag:s2], $0x80  }
0x21d: {  	[sflag:s2] =	ssyncset.done $0x0  }
0x21e: {  	[sflag:s2] =	ssyncadd.s32 $0xFFFFFF80  }
0x21f: {  	_ =	swait.ge [sflag:s2], $0x80  }
0x220: {  	[sflag:s2] =	ssyncset.done $0x0  }
0x221: {  	[sflag:s2] =	ssyncadd.s32 $0xFFFFFF80  }
0x222: {  	_ =	swait.ge [sflag:s2], $0x80  }
0x223: {  	[sflag:s2] =	ssyncset.done $0x0  }
0x224: {  	[sflag:s2] =	ssyncadd.s32 $0xFFFFFF80  }
0x225: {  	_ =	swait.ge [sflag:s2], $0x80  }
0x226: {  	[sflag:s2] =	ssyncset.done $0x0  }
0x227: {  	[sflag:s2] =	ssyncadd.s32 $0xFFFFFF80  }
0x228: {  	_ =	swait.ge [sflag:s2], $0x80  }
0x229: {  	[sflag:s2] =	ssyncset.done $0x0  }
0x22a: {  	[sflag:s2] =	ssyncadd.s32 $0xFFFFFF80  }
0x22b: {  	_ =	swait.ge [sflag:s2], $0x80  }
0x22c: {  	[sflag:s2] =	ssyncset.done $0x0  }
0x22d: {  	[sflag:s2] =	ssyncadd.s32 $0xFFFFFF80  }
0x22e: {  	_ =	swait.ge [sflag:s2], $0x80  }
0x22f: {  	[sflag:s2] =	ssyncset.done $0x0  }
0x230: {  	[sflag:s2] =	ssyncadd.s32 $0xFFFFFF80  }
0x231: {  	_ =	swait.ge [sflag:s2], $0x80  }
0x232: {  	[sflag:s2] =	ssyncset.done $0x0  }
0x233: {  	[sflag:s2] =	ssyncadd.s32 $0xFFFFFF80  }
0x234: {  	_ =	swait.ge [sflag:s2], $0x80  }
0x235: {  	[sflag:s2] =	ssyncset.done $0x0  }
0x236: {  	[sflag:s2] =	ssyncadd.s32 $0xFFFFFF80  }
0x237: {  	_ =	swait.ge [sflag:s2], $0x80  }
0x238: {  	[sflag:s2] =	ssyncset.done $0x0  }
0x239: {  	[sflag:s2] =	ssyncadd.s32 $0xFFFFFF80  }
0x23a: {  	_ =	swait.ge [sflag:s2], $0x80  }
0x23b: {  	[sflag:s2] =	ssyncset.done $0x0  }
0x23c: {  	[sflag:s2] =	ssyncadd.s32 $0xFFFFFF80  }
0x23d: {  	_ =	swait.ge [sflag:s2], $0x80  }
0x23e: {  	[sflag:s2] =	ssyncset.done $0x0  }
0x23f: {  	[sflag:s2] =	ssyncadd.s32 $0xFFFFFF80  }
0x240: {  	_ =	swait.ge [sflag:s2], $0x80  }
0x241: {  	p0 =	por $0x0, $0x0;
	[sflag:s2] =	ssyncset.done $0x0  }
0x242: {  	s0 =	simm.s32 $0x1;
	s23 =	simm.s32 $0x3;
	[sflag:s2] =	ssyncadd.s32 $0xFFFFFF80  }
0x243: {  	s0 =	simm.s32 @!p0 $0x0;
	_ =	swait.ge [sflag:s23], $0x800  }
0x244: {  	s0 =	sshll.u32 s0, $0x6;
	[sflag:s23] =	ssyncset.done $0x0  }
0x245: {  	s1 =	simm.s32 $0x14000;
	s3 =	sadd.s32 $0x0, s0;
	[sflag:s23] =	ssyncadd.s32 $0xFFFFF800  }
0x246: {  	s29 =	sor.u32 $0x80, s3;
	v1 =	vld [tilespmem:s1+$0x0]  }
0x247: {  	v2 =	vld [tilespmem:s29+$0x13000];
	_ =	sdelay $0x4  }
0x248: {  	v1 =	vshrl.u32 v1, v2  }
0x249: {  	s0 =	simm.s32 $0x0;
	v1 =	vand.u32 $0x1, v1  }
0x24a: {  	s5 =	sadd.s32 $0x10, s3;
	s30 =	sand.u32 $0x7C0, s0;
	[tilespmem:s29+$0x14800] =	vst v1  }
0x24b: {  	s5 =	sor.u32 $0x80, s5;
	v1 =	vld [tilespmem:s30+$0x14010]  }
0x24c: {  	v2 =	vld [tilespmem:s5+$0x13000];
	_ =	sdelay $0x4  }
0x24d: {  	v1 =	vshrl.u32 v1, v2  }
0x24e: {  	v1 =	vand.u32 $0x1, v1  }
0x24f: {  	s10 =	sadd.s32 $0x20, s3;
	[tilespmem:s5+$0x14800] =	vst v1  }
0x250: {  	s31 =	sor.u32 $0x80, s10;
	v1 =	vld [tilespmem:s30+$0x14020]  }
0x251: {  	v2 =	vld [tilespmem:s31+$0x13000];
	_ =	sdelay $0x4  }
0x252: {  	v1 =	vshrl.u32 v1, v2  }
0x253: {  	v1 =	vand.u32 $0x1, v1  }
0x254: {  	s3 =	sadd.s32 $0x30, s3;
	[tilespmem:s31+$0x14800] =	vst v1  }
0x255: {  	s18 =	sor.u32 $0x80, s3;
	v1 =	vld [tilespmem:s30+$0x14030]  }
0x256: {  	v2 =	vld [tilespmem:s18+$0x13000];
	_ =	sdelay $0x1  }
0x257: {  	s3 =	simm.s32 $0x40;
	s1 =	simm.s32 $0x0;
	s5 =	simm.s32 $0x14040  }
.LBB2_14:
0x258: {  	s1 =	sadd.s32 $0x4, s1  }
0x259: {  	s0 =	sadd.s32 $0x80, s0;
	p0 =	por !p0, !p0;
	s10 =	simm.s32 $0x1  }
0x25a: {  	s10 =	simm.s32 @!p0 $0x0;
	p1 =	slt.u32 s1, $0x7C;
	v1 =	vshrl.u32 v1, v2  }
0x25b: {  	s10 =	sshll.u32 s10, $0x6;
	v1 =	vand.u32 $0x1, v1  }
0x25c: {  	s10 =	sadd.s32 s10, s0;
	[tilespmem:s18+$0x14800] =	vst v1  }
0x25d: {  	v1 =	vld [tilespmem:s5+$0x0];
	s18 =	sor.u32 $0x80, s10;
	s20 =	sadd.s32 $0x10, s10;
	s21 =	sadd.s32 $0x20, s10  }
0x25e: {  	s10 =	sadd.s32 $0x30, s10;
	v2 =	vld [tilespmem:s18+$0x13000];
	_ =	sdelay $0x4  }
0x25f: {  	v1 =	vshrl.u32 v1, v2  }
0x260: {  	v1 =	vand.u32 $0x1, v1  }
0x261: {  	s22 =	sand.u32 $0x7C0, s3;
	[tilespmem:s18+$0x14800] =	vst v1;
	s18 =	sor.u32 $0x80, s20  }
0x262: {  	v1 =	vld [tilespmem:s22+$0x14010]  }
0x263: {  	v2 =	vld [tilespmem:s18+$0x13000];
	_ =	sdelay $0x4  }
0x264: {  	v1 =	vshrl.u32 v1, v2  }
0x265: {  	v1 =	vand.u32 $0x1, v1  }
0x266: {  	[tilespmem:s18+$0x14800] =	vst v1;
	s18 =	sor.u32 $0x80, s21  }
0x267: {  	v1 =	vld [tilespmem:s22+$0x14020]  }
0x268: {  	v2 =	vld [tilespmem:s18+$0x13000];
	_ =	sdelay $0x4  }
0x269: {  	v1 =	vshrl.u32 v1, v2  }
0x26a: {  	v1 =	vand.u32 $0x1, v1  }
0x26b: {  	[tilespmem:s18+$0x14800] =	vst v1;
	s18 =	sor.u32 $0x80, s10  }
.Ltmp6:
0x26c: {  	v1 =	vld [tilespmem:s22+$0x14030];
	(pc) =	sbr.rel @p1 .LBB2_14-.Ltmp6, $2  }
0x26d: {  	v2 =	vld [tilespmem:s18+$0x13000];
	_ =	sdelay $0x2  }
0x26e: {  	s3 =	sadd.s32 $0x40, s3;
	s5 =	sadd.s32 $0x40, s5  }
0x26f: {  	_ = 	snop  }
0x270: {  	v1 =	vshrl.u32 v1, v2  }
0x271: {  	v1 =	vand.u32 $0x1, v1  }
0x272: {  	s1 =	rddreg [dreg:$0xb];
	s0 =	simm.s32 $0x14880;
	[tilespmem:s18+$0x14800] =	vst v1  }
0x273: {  	[hbm4b:s1+s4] =	stream.linear.scatter [tilespmem:s0], [sflag:$0x3], $0x80, $0x38;
	[tilespmem:$0x15800] =	vst v63  }
0x274: {  	s3 =	simm.s32 $0x14980;
	s31 =	sadd.s32 $0x10, s1  }
0x275: {  	[hbm4b:s31+s4] =	stream.linear.scatter [tilespmem:s3], [sflag:$0x3], $0x80, $0x38;
	[tilespmem:$0x15800] =	vst v63  }
0x276: {  	s10 =	simm.s32 $0x14A80;
	s5 =	sadd.s32 $0x20, s1  }
0x277: {  	[hbm4b:s5+s4] =	stream.linear.scatter [tilespmem:s10], [sflag:$0x3], $0x80, $0x38;
	[tilespmem:$0x15800] =	vst v63  }
0x278: {  	s20 =	simm.s32 $0x14B80;
	s18 =	sadd.s32 $0x30, s1  }
0x279: {  	[hbm4b:s18+s4] =	stream.linear.scatter [tilespmem:s20], [sflag:$0x3], $0x80, $0x38;
	[tilespmem:$0x15800] =	vst v63  }
0x27a: {  	s22 =	simm.s32 $0x14C80;
	s21 =	sadd.s32 $0x40, s1  }
0x27b: {  	[hbm4b:s21+s4] =	stream.linear.scatter [tilespmem:s22], [sflag:$0x3], $0x80, $0x38;
	[tilespmem:$0x15800] =	vst v63  }
0x27c: {  	s29 =	simm.s32 $0x14D80;
	s25 =	sadd.s32 $0x50, s1  }
0x27d: {  	[hbm4b:s25+s4] =	stream.linear.scatter [tilespmem:s29], [sflag:$0x3], $0x80, $0x38;
	[tilespmem:$0x15800] =	vst v63  }
0x27e: {  	s30 =	sadd.s32 $0x60, s1;
	s31 =	simm.s32 $0x14E80  }
0x27f: {  	[hbm4b:s30+s4] =	stream.linear.scatter [tilespmem:s31], [sflag:$0x3], $0x80, $0x38;
	[tilespmem:$0x15800] =	vst v63  }
0x280: {  	s5 =	sadd.s32 $0x70, s1;
	s10 =	simm.s32 $0x14F80  }
0x281: {  	[hbm4b:s5+s4] =	stream.linear.scatter [tilespmem:s10], [sflag:$0x3], $0x80, $0x38;
	[tilespmem:$0x15800] =	vst v63  }
0x282: {  	s18 =	sadd.s32 $0x80, s1;
	s20 =	simm.s32 $0x15080  }
0x283: {  	[hbm4b:s18+s4] =	stream.linear.scatter [tilespmem:s20], [sflag:$0x3], $0x80, $0x38;
	[tilespmem:$0x15800] =	vst v63  }
0x284: {  	s21 =	sadd.s32 $0x90, s1;
	s22 =	simm.s32 $0x15180  }
0x285: {  	[hbm4b:s21+s4] =	stream.linear.scatter [tilespmem:s22], [sflag:$0x3], $0x80, $0x38;
	[tilespmem:$0x15800] =	vst v63  }
0x286: {  	s25 =	sadd.s32 $0xA0, s1;
	s29 =	simm.s32 $0x15280  }
0x287: {  	[hbm4b:s25+s4] =	stream.linear.scatter [tilespmem:s29], [sflag:$0x3], $0x80, $0x38;
	[tilespmem:$0x15800] =	vst v63  }
0x288: {  	s30 =	sadd.s32 $0xB0, s1;
	s31 =	simm.s32 $0x15380  }
0x289: {  	[hbm4b:s30+s4] =	stream.linear.scatter [tilespmem:s31], [sflag:$0x3], $0x80, $0x38;
	[tilespmem:$0x15800] =	vst v63  }
0x28a: {  	s5 =	sadd.s32 $0xC0, s1;
	s10 =	simm.s32 $0x15480  }
0x28b: {  	[hbm4b:s5+s4] =	stream.linear.scatter [tilespmem:s10], [sflag:$0x3], $0x80, $0x38;
	[tilespmem:$0x15800] =	vst v63  }
0x28c: {  	s18 =	sadd.s32 $0xD0, s1;
	s20 =	simm.s32 $0x15580  }
0x28d: {  	[hbm4b:s18+s4] =	stream.linear.scatter [tilespmem:s20], [sflag:$0x3], $0x80, $0x38;
	[tilespmem:$0x15800] =	vst v63  }
0x28e: {  	s21 =	sadd.s32 $0xE0, s1;
	s22 =	simm.s32 $0x15680  }
0x28f: {  	[hbm4b:s21+s4] =	stream.linear.scatter [tilespmem:s22], [sflag:$0x3], $0x80, $0x38;
	[tilespmem:$0x15800] =	vst v63  }
0x290: {  	s25 =	sadd.s32 $0xF0, s1;
	s29 =	simm.s32 $0x15780  }
0x291: {  	[hbm4b:s25+s4] =	stream.linear.scatter [tilespmem:s29], [sflag:$0x3], $0x80, $0x38;
	[tilespmem:$0x15800] =	vst v63  }
0x292: {  	_ =	swait.ge [sflag:s23], $0x800  }
0x293: {  	[sflag:s23] =	ssyncset.done $0x0  }
0x294: {  	[sflag:s23] =	ssyncadd.s32 $0xFFFFF800  }
0x295: {  	_ =	swait.ge [sflag:s23], $0x800  }
0x296: {  	s30 =	rddreg [dreg:$0xd]  }
0x297: {  	s31 =	rddreg [dreg:$0xc];
	s1 =	sadd.s32 $0x1, s30  }
0x298: {  	p0 =	sne.s32 s1, s31  }
.Ltmp7:
0x299: {  	_ = 	snop;
	(pc) =	sbr.rel @p0 .LBB2_1-.Ltmp7, $4  }
0x29a: {  	_ = 	snop  }
0x29b: {  	[sflag:s23] =	ssyncset.done $0x0  }
0x29c: {  	s20 =	simm.s32 $0x2000;
	[sflag:s23] =	ssyncadd.s32 $0xFFFFF800  }
0x29d: {  	s21 =	simm.s32 $0xA000;
	s23 =	simm.s32 $0x1000;
	s10 =	rddreg [dreg:$0x1]  }
0x29e: {  	_ =	sfence.sel $0x180000  }
0x29f: {  	[bflag:$0x0] =	sbarrier.arrive $0xFFFF  }
0x2a0: {  	_ =	strace $0x90000047  }
0x2a1: {  	s0 =	stileid.u32;
	[bflag:$0x2] =	sbarrier.arrive $0xFFFF  }
0x2a2: {  	p0 =	sne.s32 s0, $0x0;
	s0 =	rddreg [dreg:$0x4]  }
0x2a3: {  	s0 =	sadd.s32 @!p0 $0x100000, s0  }
0x2a4: {  	[sflag:s0] =	ssyncadd.tile.s32 @!p0 $0x1;
	_ =	shalt  }
.Lfunc_end2:
_tile_overlayer_lowered:
.L_overlay_start_2:
0x2a5: {  	(tag) =	ssettag $0x2  }
0x2a6: {  	s0 =	rddreg [dreg:$0x0];
	s2 =	stileid.u32  }
0x2a7: {  	s1 =	rddreg [dreg:$0x1];
	p0 =	sne.s32 s2, $0x0  }
0x2a8: {  	s3 =	rddreg [dreg:$0x2];
	[bflag:$0x3] =	sbarrier.arrive $0xFFFF;
	s2 =	simm.s32 @!p0 $0x1C04  }
0x2a9: {  	[timem:s3], [sflag:s2] =	dma.local @!p0 [hbm:s0], s1  }
0x2aa: {  	s0 =	simm.s32 @!p0 $0x4  }
0x2ab: {  	_ =	swait.ge @!p0 [sflag:s0], s1  }
0x2ac: {  	s1 =	ssub.s32 @!p0 $0x0, s1;
	[sflag:s0] =	ssyncset.done @!p0 $0x0  }
0x2ad: {  	[sflag:s0] =	ssyncadd.s32 @!p0 s1  }
0x2ae: {  	[bflag:$0x3] =	sbarrier.arrive $0xFFFF  }
0x2af: {  	_ =	shalt  }

</sc_bundles>
